<compile_context>
chip_gen: v7x
topology: tpu7x:2x2x1
jax: 0.10.2.dev20260603
libtpu: 0.0.44.dev20260713+nightly
codegen_flags: <defaults>
</compile_context>

<pallas_src>
import functools

import jax
import jax.numpy as jnp
from jax import lax
from jax.experimental import pallas as pl
from jax.experimental.pallas import tpu as pltpu
from jax.experimental.pallas import tpu_sc as plsc

N = 10000
D = 128
E = 320000

NC, NS, L = 2, 16, 16
NW = NC * NS
CH = 128
NCHUNK = E // CH
TILE_CHUNKS = NCHUNK // NW
XTRA = NCHUNK - TILE_CHUNKS * NW
TILE_EDGES = TILE_CHUNKS * CH

NP2 = 10240
CROWS = NP2 // NS

ROWS_MAIN = 624
ROWS_TAIL = N - ROWS_MAIN * NS

ZR = 16


def _fill_rows(ref, nrows, ncols, value):
    per_row = ncols // L

    def body(k, _):
        i = k // per_row
        j = k % per_row
        ref[i, pl.ds(j * L, L)] = jnp.full((L,), value, ref.dtype)
        return 0

    lax.fori_loop(0, nrows * per_row, body, 0)


def _fill_1d(ref, n, value):
    for j in range(n // L):
        ref[pl.ds(j * L, L)] = jnp.full((L,), value, ref.dtype)


def _zero_span(zeros_v, dst, start, nrows, zrows):
    full, rem = nrows // zrows, nrows % zrows
    for k in range(full):
        pltpu.sync_copy(zeros_v, dst.at[pl.ds(start + k * zrows, zrows)])
    if rem:
        pltpu.sync_copy(zeros_v.at[pl.ds(0, rem)],
                        dst.at[pl.ds(start + full * zrows, rem)])


_sc_mesh = plsc.VectorSubcoreMesh(core_axis_name="c", subcore_axis_name="s")


@functools.partial(
    pl.kernel,
    out_type=jax.ShapeDtypeStruct((NC * 2 * NP2,), jnp.float32),
    mesh=_sc_mesh,
    scratch_types=(
        pltpu.VMEM_SHARED((NP2,), jnp.float32),
        pltpu.VMEM_SHARED((NP2,), jnp.float32),
        pltpu.VMEM((TILE_EDGES,), jnp.int32),
        pltpu.VMEM((TILE_EDGES,), jnp.int32),
        pltpu.VMEM((TILE_CHUNKS, CH), jnp.int32),
        pltpu.VMEM((TILE_CHUNKS, CH), jnp.int32),
        pltpu.VMEM((CH,), jnp.int32),
        pltpu.VMEM((CH,), jnp.int32),
        pltpu.VMEM((CH,), jnp.float32),
        pltpu.VMEM((CROWS,), jnp.float32),
        pltpu.SemaphoreType.DMA,
    ),
)
def _degree_kernel(edge_hbm, cnt_out,
                   cnt_src, cnt_dst, sraw, draw, sidx, didx,
                   sidx_x, didx_x, ones_v, zeros_v, sem):
    cid = lax.axis_index("c")
    sid = lax.axis_index("s")
    wid = sid * NC + cid

    pltpu.sync_copy(edge_hbm.at[pl.ds(wid * TILE_EDGES, TILE_EDGES)], sraw)
    pltpu.sync_copy(edge_hbm.at[pl.ds(E + wid * TILE_EDGES, TILE_EDGES)], draw)

    @pl.when(wid < XTRA)
    def _():
        xb = (NW * TILE_CHUNKS + wid) * CH
        pltpu.sync_copy(edge_hbm.at[pl.ds(xb, CH)], sidx_x)
        pltpu.sync_copy(edge_hbm.at[pl.ds(E + xb, CH)], didx_x)

    def reshape_body(k, _):
        r = k // (CH // L)
        c = k % (CH // L)
        v = k * L
        sidx[r, pl.ds(c * L, L)] = sraw[pl.ds(v, L)]
        didx[r, pl.ds(c * L, L)] = draw[pl.ds(v, L)]
        return 0

    lax.fori_loop(0, TILE_EDGES // L, reshape_body, 0)

    _fill_1d(ones_v, CH, 1.0)
    _fill_1d(zeros_v, CROWS, 0.0)
    _zero_span(zeros_v, cnt_src, sid * CROWS, CROWS, CROWS)
    _zero_span(zeros_v, cnt_dst, sid * CROWS, CROWS, CROWS)
    plsc.subcore_barrier()

    def issue(i, _):
        pltpu.async_copy(ones_v, cnt_src.at[sidx.at[i]], sem, add=True)
        pltpu.async_copy(ones_v, cnt_dst.at[didx.at[i]], sem, add=True)
        return 0

    lax.fori_loop(0, TILE_CHUNKS, issue, 0)

    @pl.when(wid < XTRA)
    def _():
        pltpu.async_copy(ones_v, cnt_src.at[sidx_x], sem, add=True)
        pltpu.async_copy(ones_v, cnt_dst.at[didx_x], sem, add=True)

    def drain(i, _):
        pltpu.make_async_copy(ones_v, cnt_src.at[sidx.at[i]], sem).wait()
        pltpu.make_async_copy(ones_v, cnt_dst.at[didx.at[i]], sem).wait()
        return 0

    lax.fori_loop(0, TILE_CHUNKS, drain, 0)

    @pl.when(wid < XTRA)
    def _():
        pltpu.make_async_copy(ones_v, cnt_src.at[sidx_x], sem).wait()
        pltpu.make_async_copy(ones_v, cnt_dst.at[didx_x], sem).wait()

    plsc.subcore_barrier()

    def readout(cnt, out_base):
        r0 = sid * CROWS
        pltpu.sync_copy(cnt.at[pl.ds(r0, CROWS)], zeros_v)
        pltpu.sync_copy(zeros_v, cnt_out.at[pl.ds(out_base + r0, CROWS)])

    readout(cnt_src, cid * 2 * NP2)
    readout(cnt_dst, cid * 2 * NP2 + NP2)


NSLOT = 3
NIDX = 6
IDX_AHEAD = 4


@functools.partial(
    pl.kernel,
    out_type=jax.ShapeDtypeStruct((NC, N, D), jnp.float32),
    mesh=_sc_mesh,
    scratch_types=(
        pltpu.VMEM_SHARED((N, D), jnp.float32),
        tuple(pltpu.VMEM((CH,), jnp.int32) for _ in range(NIDX)),
        tuple(pltpu.VMEM((CH,), jnp.int32) for _ in range(NIDX)),
        tuple(pltpu.VMEM((CH, D), jnp.float32) for _ in range(NSLOT)),
        tuple(pltpu.SemaphoreType.DMA for _ in range(NIDX)),
        tuple(pltpu.SemaphoreType.DMA for _ in range(NIDX)),
        tuple(pltpu.SemaphoreType.DMA for _ in range(NSLOT)),
        tuple(pltpu.SemaphoreType.DMA for _ in range(NSLOT)),
    ),
)
def _aggregate_kernel(h_hbm, edge_hbm, part_out,
                      acc, sidx, didx, rows, issem, idsem, gsem, ssem):
    cid = lax.axis_index("c")
    sid = lax.axis_index("s")
    wid = sid * NC + cid

    def start_idx(j, q):
        base = wid * TILE_EDGES + j * CH
        pltpu.async_copy(edge_hbm.at[pl.ds(base, CH)], sidx[q], issem[q])
        pltpu.async_copy(edge_hbm.at[pl.ds(E + base, CH)], didx[q], idsem[q])

    def wait_idx(q):
        pltpu.make_async_copy(edge_hbm.at[pl.ds(0, CH)],
                              sidx[q], issem[q]).wait()
        pltpu.make_async_copy(edge_hbm.at[pl.ds(0, CH)],
                              didx[q], idsem[q]).wait()

    def start_gather(q, b):
        pltpu.async_copy(h_hbm.at[sidx[q]], rows[b], gsem[b])

    def wait_gather(b):
        pltpu.make_async_copy(h_hbm.at[sidx[0]], rows[b], gsem[b]).wait()

    def start_scatter(q, b):
        pltpu.async_copy(rows[b], acc.at[didx[q]], ssem[b], add=True)

    def wait_scatter(b):
        pltpu.make_async_copy(rows[b], acc.at[didx[0]], ssem[b]).wait()

    for j in range(IDX_AHEAD):
        start_idx(j, j)
    wait_idx(0)
    wait_idx(1)
    start_gather(0, 0)
    start_gather(1, 1)

    _fill_rows(rows[2], CH, D, 0.0)
    _zero_span(rows[2], acc, sid * ROWS_MAIN, ROWS_MAIN, CH)

    @pl.when(sid == NS - 1)
    def _():
        _zero_span(rows[2], acc, ROWS_MAIN * NS, ROWS_TAIL, CH)

    plsc.subcore_barrier()

    def step(j, b, q, drain_prev, prefetch):
        wait_gather(b)
        start_scatter(q, b)
        p = (b + 2) % NSLOT
        if drain_prev:
            wait_scatter(p)
        if prefetch:
            @pl.when(j + IDX_AHEAD < TILE_CHUNKS)
            def _():
                start_idx(j + IDX_AHEAD, (q + IDX_AHEAD) % NIDX)

            q2 = (q + 2) % NIDX
            wait_idx(q2)
            start_gather(q2, p)

    step(0, 0, 0, drain_prev=False, prefetch=True)

    def body(g, _):
        j0 = 1 + 6 * g
        for k in range(6):
            jk = k + 1
            step(j0 + k, jk % NSLOT, jk % NIDX,
                 drain_prev=True, prefetch=True)
        return 0

    lax.fori_loop(0, (TILE_CHUNKS - 6) // 6, body, 0)
    for j in range(TILE_CHUNKS - 5, TILE_CHUNKS):
        step(j, j % NSLOT, j % NIDX, drain_prev=True,
             prefetch=(j + 2 < TILE_CHUNKS))
    wait_scatter((TILE_CHUNKS - 1) % NSLOT)

    @pl.when(wid < XTRA)
    def _():
        xb = (NW * TILE_CHUNKS + wid) * CH
        pltpu.sync_copy(edge_hbm.at[pl.ds(xb, CH)], sidx[0])
        pltpu.sync_copy(edge_hbm.at[pl.ds(E + xb, CH)], didx[0])
        pltpu.async_copy(h_hbm.at[sidx[0]], rows[0], gsem[0]).wait()
        pltpu.async_copy(rows[0], acc.at[didx[0]], ssem[0], add=True)
        pltpu.make_async_copy(rows[0], acc.at[didx[0]], ssem[0]).wait()

    plsc.subcore_barrier()
    r0 = sid * ROWS_MAIN
    pltpu.sync_copy(acc.at[pl.ds(r0, ROWS_MAIN)],
                    part_out.at[cid, pl.ds(r0, ROWS_MAIN)])

    @pl.when(sid == NS - 1)
    def _():
        t0 = ROWS_MAIN * NS
        pltpu.sync_copy(acc.at[pl.ds(t0, ROWS_TAIL)],
                        part_out.at[cid, pl.ds(t0, ROWS_TAIL)])


def _norm_column(cnt0, cnt1):
    deg = cnt0 + cnt1
    norm = jax.lax.rsqrt(jnp.maximum(deg, 1.0))
    norm_t = jnp.swapaxes(norm, 0, 1)
    cols = [norm_t[:, s:s + 1] for s in range(NP2 // CH)]
    return jnp.concatenate(cols, axis=0)[:N]


def _scale_body(node_ref, cnt_ref, h_ref):
    h_ref[...] = node_ref[...] * _norm_column(cnt_ref[0], cnt_ref[1])


_scale_kernel = pl.pallas_call(
    _scale_body,
    out_shape=jax.ShapeDtypeStruct((N, D), jnp.float32),
)


def _combine_body(part_ref, cnt_ref, out_ref):
    agg = part_ref[0] + part_ref[1]
    out_ref[...] = agg * _norm_column(cnt_ref[0], cnt_ref[1])


_combine_kernel = pl.pallas_call(
    _combine_body,
    out_shape=jax.ShapeDtypeStruct((N, D), jnp.float32),
)


def kernel(node_f, edge_index):
    edge_flat = edge_index.astype(jnp.int32).reshape(-1)
    cnt = _degree_kernel(edge_flat).reshape(NC, 2, NP2 // CH, CH)
    h = _scale_kernel(node_f, cnt[:, 0])
    partials = _aggregate_kernel(h, edge_flat)
    return _combine_kernel(partials, cnt[:, 1])

# --- scband reference (transcript-rebuilt; emitter-appended) ---
"""Pipeline reference for scband-gcnlayer-57982058496191 (READ-ONLY COPY).

The authoritative reference and input builder live on the scoring server;
editing this copy changes nothing except your own understanding.
"""

import jax, jax.numpy as jnp
import numpy as np

N_NODES = 10000
D_FEAT = 128
N_EDGES = 320000


def setup_inputs(seed: int = 0) -> dict:
    key = jax.random.key(seed)
    k1, k2 = jax.random.split(key)
    node_f = jax.random.normal(k1, (N_NODES, D_FEAT), dtype=jnp.float32)
    edge_index = jax.random.randint(k2, (2, N_EDGES), 0, N_NODES, dtype=jnp.int32).astype(jnp.int64)
    return {"node_f": node_f, "edge_index": edge_index}


def reference(node_f, edge_index):
    # GCN layer with symmetric normalization (no learned weights):
    #   h = D_out^{-1/2} x ; agg = A^T h (copy_src + sum at dst) ; out = D_in^{-1/2} agg
    N = node_f.shape[0]
    src = edge_index[0]
    dst = edge_index[1]
    # out-degree of source nodes, clamped to min 1
    deg_out = jnp.maximum(jnp.bincount(src, length=N).astype(jnp.float32), 1.0)
    norm_out = jnp.power(deg_out, -0.5).reshape(-1, 1)
    h = node_f * norm_out
    # message passing: copy source feature along each edge, sum at destination
    msgs = jnp.take(h, src, axis=0)
    agg = jax.ops.segment_sum(msgs, dst, num_segments=N)
    # in-degree of destination nodes, clamped to min 1
    deg_in = jnp.maximum(jnp.bincount(dst, length=N).astype(jnp.float32), 1.0)
    norm_in = jnp.power(deg_in, -0.5).reshape(-1, 1)
    rst = agg * norm_in
    return rst

if __name__ == "__main__":
    import jax
    _d = setup_inputs()
    print(jax.jit(kernel)(*tuple(_d.values())))

</pallas_src>

<mosaic_0001>
#map = affine_map<(d0, d1) -> (0, 0)>
#map1 = affine_map<(d0, d1) -> (0)>
#map2 = affine_map<(d0, d1) -> (0, 0, 0)>
module attributes {stable_mosaic.version = 14 : i64} {
  func.func @_aggregate_kernel(%arg0: i32, %arg1: i32, %arg2: memref<10000x128xf32, #tpu.memory_space<hbm>>, %arg3: memref<640000xi32, #tpu.memory_space<hbm>>, %arg4: memref<2x10000x128xf32, #tpu.memory_space<hbm>>, %arg5: memref<10000x128xf32, #tpu.memory_space<vmem_shared>>, %arg6: memref<128xi32, #tpu.memory_space<vmem>>, %arg7: memref<128xi32, #tpu.memory_space<vmem>>, %arg8: memref<128xi32, #tpu.memory_space<vmem>>, %arg9: memref<128xi32, #tpu.memory_space<vmem>>, %arg10: memref<128xi32, #tpu.memory_space<vmem>>, %arg11: memref<128xi32, #tpu.memory_space<vmem>>, %arg12: memref<128xi32, #tpu.memory_space<vmem>>, %arg13: memref<128xi32, #tpu.memory_space<vmem>>, %arg14: memref<128xi32, #tpu.memory_space<vmem>>, %arg15: memref<128xi32, #tpu.memory_space<vmem>>, %arg16: memref<128xi32, #tpu.memory_space<vmem>>, %arg17: memref<128xi32, #tpu.memory_space<vmem>>, %arg18: memref<128x128xf32, #tpu.memory_space<vmem>>, %arg19: memref<128x128xf32, #tpu.memory_space<vmem>>, %arg20: memref<128x128xf32, #tpu.memory_space<vmem>>, %arg21: memref<!tpu.dma_semaphore, #tpu.memory_space<semaphore_mem>>, %arg22: memref<!tpu.dma_semaphore, #tpu.memory_space<semaphore_mem>>, %arg23: memref<!tpu.dma_semaphore, #tpu.memory_space<semaphore_mem>>, %arg24: memref<!tpu.dma_semaphore, #tpu.memory_space<semaphore_mem>>, %arg25: memref<!tpu.dma_semaphore, #tpu.memory_space<semaphore_mem>>, %arg26: memref<!tpu.dma_semaphore, #tpu.memory_space<semaphore_mem>>, %arg27: memref<!tpu.dma_semaphore, #tpu.memory_space<semaphore_mem>>, %arg28: memref<!tpu.dma_semaphore, #tpu.memory_space<semaphore_mem>>, %arg29: memref<!tpu.dma_semaphore, #tpu.memory_space<semaphore_mem>>, %arg30: memref<!tpu.dma_semaphore, #tpu.memory_space<semaphore_mem>>, %arg31: memref<!tpu.dma_semaphore, #tpu.memory_space<semaphore_mem>>, %arg32: memref<!tpu.dma_semaphore, #tpu.memory_space<semaphore_mem>>, %arg33: memref<!tpu.dma_semaphore, #tpu.memory_space<semaphore_mem>>, %arg34: memref<!tpu.dma_semaphore, #tpu.memory_space<semaphore_mem>>, %arg35: memref<!tpu.dma_semaphore, #tpu.memory_space<semaphore_mem>>, %arg36: memref<!tpu.dma_semaphore, #tpu.memory_space<semaphore_mem>>, %arg37: memref<!tpu.dma_semaphore, #tpu.memory_space<semaphore_mem>>, %arg38: memref<!tpu.dma_semaphore, #tpu.memory_space<semaphore_mem>>) attributes {dimension_semantics = [#tpu.dimension_semantics<core_parallel>, #tpu.dimension_semantics<subcore_parallel>], iteration_bounds = array<i64: 2, 16>, scalar_prefetch = 0 : i64, scratch_operands = 34 : i64, tpu.core_type = #tpu.core_type<sc_vector_subcore>, window_params = [{transform_indices = #map}, {transform_indices = #map1}, {transform_indices = #map2}]} {
    %mul3A = arith.constant 2 : i32
    %mul3A_0 = arith.muli %arg1, %mul3A : i32
    %add3A = arith.addi %mul3A_0, %arg0 : i32
    %mul3A_1 = arith.constant 9984 : i32
    %mul3A_2 = arith.muli %add3A, %mul3A_1 : i32
    %add3A_3 = arith.constant 0 : i32
    %add3A_4 = arith.addi %mul3A_2, %add3A_3 : i32
    %dma_start3A = tpu.memref_slice %arg3[%add3A_4] : memref<640000xi32, #tpu.memory_space<hbm>> -> memref<128xi32, #tpu.memory_space<hbm>>
    %dma_start3A_5 = tpu.memref_slice %arg3[%add3A_4] : memref<640000xi32, #tpu.memory_space<hbm>> -> memref<128xi32, #tpu.memory_space<hbm>>
    tpu.enqueue_dma source(%dma_start3A_5 : memref<128xi32, #tpu.memory_space<hbm>>) target(%arg6 : memref<128xi32, #tpu.memory_space<vmem>>) target_semaphore(%arg21 : memref<!tpu.dma_semaphore, #tpu.memory_space<semaphore_mem>>)
    %add3A_6 = arith.constant 320000 : i32
    %add3A_7 = arith.addi %add3A_6, %add3A_4 : i32
    %dma_start3A_8 = tpu.memref_slice %arg3[%add3A_7] : memref<640000xi32, #tpu.memory_space<hbm>> -> memref<128xi32, #tpu.memory_space<hbm>>
    %dma_start3A_9 = tpu.memref_slice %arg3[%add3A_7] : memref<640000xi32, #tpu.memory_space<hbm>> -> memref<128xi32, #tpu.memory_space<hbm>>
    tpu.enqueue_dma source(%dma_start3A_9 : memref<128xi32, #tpu.memory_space<hbm>>) target(%arg12 : memref<128xi32, #tpu.memory_space<vmem>>) target_semaphore(%arg27 : memref<!tpu.dma_semaphore, #tpu.memory_space<semaphore_mem>>)
    %mul3A_10 = arith.constant 9984 : i32
    %mul3A_11 = arith.muli %add3A, %mul3A_10 : i32
    %add3A_12 = arith.constant 128 : i32
    %add3A_13 = arith.addi %mul3A_11, %add3A_12 : i32
    %dma_start3A_14 = tpu.memref_slice %arg3[%add3A_13] : memref<640000xi32, #tpu.memory_space<hbm>> -> memref<128xi32, #tpu.memory_space<hbm>>
    %dma_start3A_15 = tpu.memref_slice %arg3[%add3A_13] : memref<640000xi32, #tpu.memory_space<hbm>> -> memref<128xi32, #tpu.memory_space<hbm>>
    tpu.enqueue_dma source(%dma_start3A_15 : memref<128xi32, #tpu.memory_space<hbm>>) target(%arg7 : memref<128xi32, #tpu.memory_space<vmem>>) target_semaphore(%arg22 : memref<!tpu.dma_semaphore, #tpu.memory_space<semaphore_mem>>)
    %add3A_16 = arith.constant 320000 : i32
    %add3A_17 = arith.addi %add3A_16, %add3A_13 : i32
    %dma_start3A_18 = tpu.memref_slice %arg3[%add3A_17] : memref<640000xi32, #tpu.memory_space<hbm>> -> memref<128xi32, #tpu.memory_space<hbm>>
    %dma_start3A_19 = tpu.memref_slice %arg3[%add3A_17] : memref<640000xi32, #tpu.memory_space<hbm>> -> memref<128xi32, #tpu.memory_space<hbm>>
    tpu.enqueue_dma source(%dma_start3A_19 : memref<128xi32, #tpu.memory_space<hbm>>) target(%arg13 : memref<128xi32, #tpu.memory_space<vmem>>) target_semaphore(%arg28 : memref<!tpu.dma_semaphore, #tpu.memory_space<semaphore_mem>>)
    %mul3A_20 = arith.constant 9984 : i32
    %mul3A_21 = arith.muli %add3A, %mul3A_20 : i32
    %add3A_22 = arith.constant 256 : i32
    %add3A_23 = arith.addi %mul3A_21, %add3A_22 : i32
    %dma_start3A_24 = tpu.memref_slice %arg3[%add3A_23] : memref<640000xi32, #tpu.memory_space<hbm>> -> memref<128xi32, #tpu.memory_space<hbm>>
    %dma_start3A_25 = tpu.memref_slice %arg3[%add3A_23] : memref<640000xi32, #tpu.memory_space<hbm>> -> memref<128xi32, #tpu.memory_space<hbm>>
    tpu.enqueue_dma source(%dma_start3A_25 : memref<128xi32, #tpu.memory_space<hbm>>) target(%arg8 : memref<128xi32, #tpu.memory_space<vmem>>) target_semaphore(%arg23 : memref<!tpu.dma_semaphore, #tpu.memory_space<semaphore_mem>>)
    %add3A_26 = arith.constant 320000 : i32
    %add3A_27 = arith.addi %add3A_26, %add3A_23 : i32
    %dma_start3A_28 = tpu.memref_slice %arg3[%add3A_27] : memref<640000xi32, #tpu.memory_space<hbm>> -> memref<128xi32, #tpu.memory_space<hbm>>
    %dma_start3A_29 = tpu.memref_slice %arg3[%add3A_27] : memref<640000xi32, #tpu.memory_space<hbm>> -> memref<128xi32, #tpu.memory_space<hbm>>
    tpu.enqueue_dma source(%dma_start3A_29 : memref<128xi32, #tpu.memory_space<hbm>>) target(%arg14 : memref<128xi32, #tpu.memory_space<vmem>>) target_semaphore(%arg29 : memref<!tpu.dma_semaphore, #tpu.memory_space<semaphore_mem>>)
    %mul3A_30 = arith.constant 9984 : i32
    %mul3A_31 = arith.muli %add3A, %mul3A_30 : i32
    %add3A_32 = arith.constant 384 : i32
    %add3A_33 = arith.addi %mul3A_31, %add3A_32 : i32
    %dma_start3A_34 = tpu.memref_slice %arg3[%add3A_33] : memref<640000xi32, #tpu.memory_space<hbm>> -> memref<128xi32, #tpu.memory_space<hbm>>
    %dma_start3A_35 = tpu.memref_slice %arg3[%add3A_33] : memref<640000xi32, #tpu.memory_space<hbm>> -> memref<128xi32, #tpu.memory_space<hbm>>
    tpu.enqueue_dma source(%dma_start3A_35 : memref<128xi32, #tpu.memory_space<hbm>>) target(%arg9 : memref<128xi32, #tpu.memory_space<vmem>>) target_semaphore(%arg24 : memref<!tpu.dma_semaphore, #tpu.memory_space<semaphore_mem>>)
    %add3A_36 = arith.constant 320000 : i32
    %add3A_37 = arith.addi %add3A_36, %add3A_33 : i32
    %dma_start3A_38 = tpu.memref_slice %arg3[%add3A_37] : memref<640000xi32, #tpu.memory_space<hbm>> -> memref<128xi32, #tpu.memory_space<hbm>>
    %dma_start3A_39 = tpu.memref_slice %arg3[%add3A_37] : memref<640000xi32, #tpu.memory_space<hbm>> -> memref<128xi32, #tpu.memory_space<hbm>>
    tpu.enqueue_dma source(%dma_start3A_39 : memref<128xi32, #tpu.memory_space<hbm>>) target(%arg15 : memref<128xi32, #tpu.memory_space<vmem>>) target_semaphore(%arg30 : memref<!tpu.dma_semaphore, #tpu.memory_space<semaphore_mem>>)
    %dma_wait3A = arith.constant 0 : i32
    %dma_wait3A_40 = tpu.memref_slice %arg3[%dma_wait3A] : memref<640000xi32, #tpu.memory_space<hbm>> -> memref<128xi32, #tpu.memory_space<hbm>>
    %dma_wait3A_41 = arith.constant 0 : i32
    %dma_wait3A_42 = tpu.memref_slice %arg3[%dma_wait3A_41] : memref<640000xi32, #tpu.memory_space<hbm>> -> memref<128xi32, #tpu.memory_space<hbm>>
    tpu.wait_dma2 semaphore(%arg21 : memref<!tpu.dma_semaphore, #tpu.memory_space<semaphore_mem>>) src(%dma_wait3A_42 : memref<128xi32, #tpu.memory_space<hbm>>) dst(%arg6 : memref<128xi32, #tpu.memory_space<vmem>>)
    %dma_wait3A_43 = arith.constant 0 : i32
    %dma_wait3A_44 = tpu.memref_slice %arg3[%dma_wait3A_43] : memref<640000xi32, #tpu.memory_space<hbm>> -> memref<128xi32, #tpu.memory_space<hbm>>
    %dma_wait3A_45 = arith.constant 0 : i32
    %dma_wait3A_46 = tpu.memref_slice %arg3[%dma_wait3A_45] : memref<640000xi32, #tpu.memory_space<hbm>> -> memref<128xi32, #tpu.memory_space<hbm>>
    tpu.wait_dma2 semaphore(%arg27 : memref<!tpu.dma_semaphore, #tpu.memory_space<semaphore_mem>>) src(%dma_wait3A_46 : memref<128xi32, #tpu.memory_space<hbm>>) dst(%arg12 : memref<128xi32, #tpu.memory_space<vmem>>)
    %dma_wait3A_47 = arith.constant 0 : i32
    %dma_wait3A_48 = tpu.memref_slice %arg3[%dma_wait3A_47] : memref<640000xi32, #tpu.memory_space<hbm>> -> memref<128xi32, #tpu.memory_space<hbm>>
    %dma_wait3A_49 = arith.constant 0 : i32
    %dma_wait3A_50 = tpu.memref_slice %arg3[%dma_wait3A_49] : memref<640000xi32, #tpu.memory_space<hbm>> -> memref<128xi32, #tpu.memory_space<hbm>>
    tpu.wait_dma2 semaphore(%arg22 : memref<!tpu.dma_semaphore, #tpu.memory_space<semaphore_mem>>) src(%dma_wait3A_50 : memref<128xi32, #tpu.memory_space<hbm>>) dst(%arg7 : memref<128xi32, #tpu.memory_space<vmem>>)
    %dma_wait3A_51 = arith.constant 0 : i32
    %dma_wait3A_52 = tpu.memref_slice %arg3[%dma_wait3A_51] : memref<640000xi32, #tpu.memory_space<hbm>> -> memref<128xi32, #tpu.memory_space<hbm>>
    %dma_wait3A_53 = arith.constant 0 : i32
    %dma_wait3A_54 = tpu.memref_slice %arg3[%dma_wait3A_53] : memref<640000xi32, #tpu.memory_space<hbm>> -> memref<128xi32, #tpu.memory_space<hbm>>
    tpu.wait_dma2 semaphore(%arg28 : memref<!tpu.dma_semaphore, #tpu.memory_space<semaphore_mem>>) src(%dma_wait3A_54 : memref<128xi32, #tpu.memory_space<hbm>>) dst(%arg13 : memref<128xi32, #tpu.memory_space<vmem>>)
    %dma_start3A_55 = arith.constant 0 : i32
    %dma_start3A_56 = arith.constant 0 : i32
    %dma_start3A_57 = tpu.memref_slice %arg2[%dma_start3A_55, %dma_start3A_56] : memref<10000x128xf32, #tpu.memory_space<hbm>> -> memref<10000x128xf32, #tpu.memory_space<hbm>>
    tpu.enqueue_indirect_dma source(%dma_start3A_57 : memref<10000x128xf32, #tpu.memory_space<hbm>>) target(%arg18 : memref<128x128xf32, #tpu.memory_space<vmem>>) offsets(%arg6 : memref<128xi32, #tpu.memory_space<vmem>>) semaphore(%arg33 : memref<!tpu.dma_semaphore, #tpu.memory_space<semaphore_mem>>)
    %dma_start3A_58 = arith.constant 0 : i32
    %dma_start3A_59 = arith.constant 0 : i32
    %dma_start3A_60 = tpu.memref_slice %arg2[%dma_start3A_58, %dma_start3A_59] : memref<10000x128xf32, #tpu.memory_space<hbm>> -> memref<10000x128xf32, #tpu.memory_space<hbm>>
    tpu.enqueue_indirect_dma source(%dma_start3A_60 : memref<10000x128xf32, #tpu.memory_space<hbm>>) target(%arg19 : memref<128x128xf32, #tpu.memory_space<vmem>>) offsets(%arg7 : memref<128xi32, #tpu.memory_space<vmem>>) semaphore(%arg34 : memref<!tpu.dma_semaphore, #tpu.memory_space<semaphore_mem>>)
    %scan3A = arith.constant 0 : i32
    %scan3A_61 = arith.constant 0 : i32
    %scan3A_62 = arith.constant 1024 : i32
    %scan3A_63 = arith.addi %scan3A_61, %scan3A_62 : i32
    %scan3A_64 = arith.constant 1 : i32
    %scan3A_65 = scf.for %scan3A_218 = %scan3A_61 to %scan3A_63 step %scan3A_64 iter_args(%scan3A_219 = %scan3A) -> (i32)  : i32 {
      %jit3A = arith.constant 8 : i32
      %div3A = arith.divsi %scan3A_218, %jit3A : i32
      %sign3A = arith.constant 0 : i32
      %sign3A_220 = arith.cmpi sgt, %scan3A_218, %sign3A : i32
      %sign3A_221 = arith.extui %sign3A_220 : i1 to i32
      %sign3A_222 = arith.constant 0 : i32
      %sign3A_223 = arith.cmpi slt, %scan3A_218, %sign3A_222 : i32
      %sign3A_224 = arith.extui %sign3A_223 : i1 to i32
      %sign3A_225 = arith.subi %sign3A_221, %sign3A_224 : i32
      %sign3A_226 = arith.constant 0 : i32
      %sign3A_227 = arith.cmpi sgt, %jit3A, %sign3A_226 : i32
      %sign3A_228 = arith.extui %sign3A_227 : i1 to i32
      %sign3A_229 = arith.constant 0 : i32
      %sign3A_230 = arith.cmpi slt, %jit3A, %sign3A_229 : i32
      %sign3A_231 = arith.extui %sign3A_230 : i1 to i32
      %sign3A_232 = arith.subi %sign3A_228, %sign3A_231 : i32
      %ne3A = arith.cmpi ne, %sign3A_225, %sign3A_232 : i32
      %rem3A = arith.remsi %scan3A_218, %jit3A : i32
      %ne3A_233 = arith.constant 0 : i32
      %ne3A_234 = arith.cmpi ne, %rem3A, %ne3A_233 : i32
      %and3A = arith.andi %ne3A, %ne3A_234 : i1
      %sub3A = arith.constant 1 : i32
      %sub3A_235 = arith.subi %div3A, %sub3A : i32
      %select_n3A = arith.select %and3A, %sub3A_235, %div3A : i32
      %jit3A_236 = arith.constant 8 : i32
      %eq3A_237 = arith.constant 0 : i32
      %eq3A_238 = arith.cmpi eq, %jit3A_236, %eq3A_237 : i32
      %jit3A_239 = arith.constant 1 : i32
      %select_n3A_240 = arith.select %eq3A_238, %jit3A_239, %jit3A_236 : i32
      %rem3A_241 = arith.remsi %scan3A_218, %select_n3A_240 : i32
      %ne3A_242 = arith.constant 0 : i32
      %ne3A_243 = arith.cmpi ne, %rem3A_241, %ne3A_242 : i32
      %lt3A_244 = arith.constant 0 : i32
      %lt3A_245 = arith.cmpi slt, %rem3A_241, %lt3A_244 : i32
      %lt3A_246 = arith.constant 0 : i32
      %lt3A_247 = arith.cmpi slt, %select_n3A_240, %lt3A_246 : i32
      %ne3A_248 = arith.xori %lt3A_245, %lt3A_247 : i1
      %and3A_249 = arith.andi %ne3A_248, %ne3A_243 : i1
      %add3A_250 = arith.addi %rem3A_241, %select_n3A_240 : i32
      %select_n3A_251 = arith.select %and3A_249, %add3A_250, %rem3A_241 : i32
      %broadcast_in_dim3A = arith.constant 0.000000e+00 : f32
      %broadcast_in_dim3A_252 = vector.broadcast %broadcast_in_dim3A : f32 to vector<16xf32>
      %mul3A_253 = arith.constant 16 : i32
      %mul3A_254 = arith.muli %select_n3A_251, %mul3A_253 : i32
      %swap3A = arith.index_cast %select_n3A : i32 to index
      %swap3A_255 = arith.index_cast %mul3A_254 : i32 to index
      %swap3A_256 = tpu.vector_load %arg20[%swap3A, %swap3A_255] {strides = array<i32>} : memref<128x128xf32, #tpu.memory_space<vmem>>, vector<1x16xf32>,
      %swap3A_257 = vector.shape_cast %swap3A_256 : vector<1x16xf32> to vector<16xf32>
      %swap3A_258 = vector.shape_cast %broadcast_in_dim3A_252 : vector<16xf32> to vector<1x16xf32>
      tpu.vector_store %arg20[%swap3A, %swap3A_255], %swap3A_258 {strides = array<i32>} : memref<128x128xf32, #tpu.memory_space<vmem>>, vector<1x16xf32>,
      %scan3A_259 = arith.constant 0 : i32
      scf.yield %scan3A_259 : i32
    }
    %scan3A_66 = arith.constant 1024 : i32
    %mul3A_67 = arith.constant 624 : i32
    %mul3A_68 = arith.muli %arg1, %mul3A_67 : i32
    %add3A_69 = arith.constant 0 : i32
    %add3A_70 = arith.addi %mul3A_68, %add3A_69 : i32
    "tpu.region"() ({
      %run_scoped3A = tpu.sem_alloc : memref<!tpu.dma_semaphore, #tpu.memory_space<semaphore_mem>>
      %dma_start3A_218 = arith.constant 0 : i32
      %dma_start3A_219 = tpu.memref_slice %arg5[%add3A_70, %dma_start3A_218] : memref<10000x128xf32, #tpu.memory_space<vmem_shared>> -> memref<128x128xf32, #tpu.memory_space<vmem_shared>>
      %dma_start3A_220 = arith.constant 0 : i32
      %dma_start3A_221 = tpu.memref_slice %arg5[%add3A_70, %dma_start3A_220] : memref<10000x128xf32, #tpu.memory_space<vmem_shared>> -> memref<128x128xf32, #tpu.memory_space<vmem_shared>>
      tpu.enqueue_dma source(%arg20 : memref<128x128xf32, #tpu.memory_space<vmem>>) target(%dma_start3A_221 : memref<128x128xf32, #tpu.memory_space<vmem_shared>>) target_semaphore(%run_scoped3A : memref<!tpu.dma_semaphore, #tpu.memory_space<semaphore_mem>>)
      %dma_wait3A_222 = arith.constant 0 : i32
      %dma_wait3A_223 = tpu.memref_slice %arg5[%add3A_70, %dma_wait3A_222] : memref<10000x128xf32, #tpu.memory_space<vmem_shared>> -> memref<128x128xf32, #tpu.memory_space<vmem_shared>>
      %dma_wait3A_224 = arith.constant 0 : i32
      %dma_wait3A_225 = tpu.memref_slice %arg5[%add3A_70, %dma_wait3A_224] : memref<10000x128xf32, #tpu.memory_space<vmem_shared>> -> memref<128x128xf32, #tpu.memory_space<vmem_shared>>
      tpu.wait_dma2 semaphore(%run_scoped3A : memref<!tpu.dma_semaphore, #tpu.memory_space<semaphore_mem>>) src(%arg20 : memref<128x128xf32, #tpu.memory_space<vmem>>) dst(%dma_wait3A_225 : memref<128x128xf32, #tpu.memory_space<vmem_shared>>)
      tpu.yield
    }) : () -> ()
    %add3A_71 = arith.constant 128 : i32
    %add3A_72 = arith.addi %mul3A_68, %add3A_71 : i32
    "tpu.region"() ({
      %run_scoped3A = tpu.sem_alloc : memref<!tpu.dma_semaphore, #tpu.memory_space<semaphore_mem>>
      %dma_start3A_218 = arith.constant 0 : i32
      %dma_start3A_219 = tpu.memref_slice %arg5[%add3A_72, %dma_start3A_218] : memref<10000x128xf32, #tpu.memory_space<vmem_shared>> -> memref<128x128xf32, #tpu.memory_space<vmem_shared>>
      %dma_start3A_220 = arith.constant 0 : i32
      %dma_start3A_221 = tpu.memref_slice %arg5[%add3A_72, %dma_start3A_220] : memref<10000x128xf32, #tpu.memory_space<vmem_shared>> -> memref<128x128xf32, #tpu.memory_space<vmem_shared>>
      tpu.enqueue_dma source(%arg20 : memref<128x128xf32, #tpu.memory_space<vmem>>) target(%dma_start3A_221 : memref<128x128xf32, #tpu.memory_space<vmem_shared>>) target_semaphore(%run_scoped3A : memref<!tpu.dma_semaphore, #tpu.memory_space<semaphore_mem>>)
      %dma_wait3A_222 = arith.constant 0 : i32
      %dma_wait3A_223 = tpu.memref_slice %arg5[%add3A_72, %dma_wait3A_222] : memref<10000x128xf32, #tpu.memory_space<vmem_shared>> -> memref<128x128xf32, #tpu.memory_space<vmem_shared>>
      %dma_wait3A_224 = arith.constant 0 : i32
      %dma_wait3A_225 = tpu.memref_slice %arg5[%add3A_72, %dma_wait3A_224] : memref<10000x128xf32, #tpu.memory_space<vmem_shared>> -> memref<128x128xf32, #tpu.memory_space<vmem_shared>>
      tpu.wait_dma2 semaphore(%run_scoped3A : memref<!tpu.dma_semaphore, #tpu.memory_space<semaphore_mem>>) src(%arg20 : memref<128x128xf32, #tpu.memory_space<vmem>>) dst(%dma_wait3A_225 : memref<128x128xf32, #tpu.memory_space<vmem_shared>>)
      tpu.yield
    }) : () -> ()
    %add3A_73 = arith.constant 256 : i32
    %add3A_74 = arith.addi %mul3A_68, %add3A_73 : i32
    "tpu.region"() ({
      %run_scoped3A = tpu.sem_alloc : memref<!tpu.dma_semaphore, #tpu.memory_space<semaphore_mem>>
      %dma_start3A_218 = arith.constant 0 : i32
      %dma_start3A_219 = tpu.memref_slice %arg5[%add3A_74, %dma_start3A_218] : memref<10000x128xf32, #tpu.memory_space<vmem_shared>> -> memref<128x128xf32, #tpu.memory_space<vmem_shared>>
      %dma_start3A_220 = arith.constant 0 : i32
      %dma_start3A_221 = tpu.memref_slice %arg5[%add3A_74, %dma_start3A_220] : memref<10000x128xf32, #tpu.memory_space<vmem_shared>> -> memref<128x128xf32, #tpu.memory_space<vmem_shared>>
      tpu.enqueue_dma source(%arg20 : memref<128x128xf32, #tpu.memory_space<vmem>>) target(%dma_start3A_221 : memref<128x128xf32, #tpu.memory_space<vmem_shared>>) target_semaphore(%run_scoped3A : memref<!tpu.dma_semaphore, #tpu.memory_space<semaphore_mem>>)
      %dma_wait3A_222 = arith.constant 0 : i32
      %dma_wait3A_223 = tpu.memref_slice %arg5[%add3A_74, %dma_wait3A_222] : memref<10000x128xf32, #tpu.memory_space<vmem_shared>> -> memref<128x128xf32, #tpu.memory_space<vmem_shared>>
      %dma_wait3A_224 = arith.constant 0 : i32
      %dma_wait3A_225 = tpu.memref_slice %arg5[%add3A_74, %dma_wait3A_224] : memref<10000x128xf32, #tpu.memory_space<vmem_shared>> -> memref<128x128xf32, #tpu.memory_space<vmem_shared>>
      tpu.wait_dma2 semaphore(%run_scoped3A : memref<!tpu.dma_semaphore, #tpu.memory_space<semaphore_mem>>) src(%arg20 : memref<128x128xf32, #tpu.memory_space<vmem>>) dst(%dma_wait3A_225 : memref<128x128xf32, #tpu.memory_space<vmem_shared>>)
      tpu.yield
    }) : () -> ()
    %add3A_75 = arith.constant 384 : i32
    %add3A_76 = arith.addi %mul3A_68, %add3A_75 : i32
    "tpu.region"() ({
      %run_scoped3A = tpu.sem_alloc : memref<!tpu.dma_semaphore, #tpu.memory_space<semaphore_mem>>
      %dma_start3A_218 = arith.constant 0 : i32
      %dma_start3A_219 = tpu.memref_slice %arg5[%add3A_76, %dma_start3A_218] : memref<10000x128xf32, #tpu.memory_space<vmem_shared>> -> memref<128x128xf32, #tpu.memory_space<vmem_shared>>
      %dma_start3A_220 = arith.constant 0 : i32
      %dma_start3A_221 = tpu.memref_slice %arg5[%add3A_76, %dma_start3A_220] : memref<10000x128xf32, #tpu.memory_space<vmem_shared>> -> memref<128x128xf32, #tpu.memory_space<vmem_shared>>
      tpu.enqueue_dma source(%arg20 : memref<128x128xf32, #tpu.memory_space<vmem>>) target(%dma_start3A_221 : memref<128x128xf32, #tpu.memory_space<vmem_shared>>) target_semaphore(%run_scoped3A : memref<!tpu.dma_semaphore, #tpu.memory_space<semaphore_mem>>)
      %dma_wait3A_222 = arith.constant 0 : i32
      %dma_wait3A_223 = tpu.memref_slice %arg5[%add3A_76, %dma_wait3A_222] : memref<10000x128xf32, #tpu.memory_space<vmem_shared>> -> memref<128x128xf32, #tpu.memory_space<vmem_shared>>
      %dma_wait3A_224 = arith.constant 0 : i32
      %dma_wait3A_225 = tpu.memref_slice %arg5[%add3A_76, %dma_wait3A_224] : memref<10000x128xf32, #tpu.memory_space<vmem_shared>> -> memref<128x128xf32, #tpu.memory_space<vmem_shared>>
      tpu.wait_dma2 semaphore(%run_scoped3A : memref<!tpu.dma_semaphore, #tpu.memory_space<semaphore_mem>>) src(%arg20 : memref<128x128xf32, #tpu.memory_space<vmem>>) dst(%dma_wait3A_225 : memref<128x128xf32, #tpu.memory_space<vmem_shared>>)
      tpu.yield
    }) : () -> ()
    %add3A_77 = arith.constant 512 : i32
    %add3A_78 = arith.addi %mul3A_68, %add3A_77 : i32
    "tpu.region"() ({
      %run_scoped3A = tpu.sem_alloc : memref<!tpu.dma_semaphore, #tpu.memory_space<semaphore_mem>>
      %dma_start3A_218 = arith.constant 0 : i32
      %dma_start3A_219 = arith.constant 0 : i32
      %dma_start3A_220 = tpu.memref_slice %arg20[%dma_start3A_218, %dma_start3A_219] : memref<128x128xf32, #tpu.memory_space<vmem>> -> memref<112x128xf32, #tpu.memory_space<vmem>>
      %dma_start3A_221 = arith.constant 0 : i32
      %dma_start3A_222 = tpu.memref_slice %arg5[%add3A_78, %dma_start3A_221] : memref<10000x128xf32, #tpu.memory_space<vmem_shared>> -> memref<112x128xf32, #tpu.memory_space<vmem_shared>>
      %dma_start3A_223 = arith.constant 0 : i32
      %dma_start3A_224 = tpu.memref_slice %arg5[%add3A_78, %dma_start3A_223] : memref<10000x128xf32, #tpu.memory_space<vmem_shared>> -> memref<112x128xf32, #tpu.memory_space<vmem_shared>>
      %dma_start3A_225 = arith.constant 0 : i32
      %dma_start3A_226 = arith.constant 0 : i32
      %dma_start3A_227 = tpu.memref_slice %arg20[%dma_start3A_225, %dma_start3A_226] : memref<128x128xf32, #tpu.memory_space<vmem>> -> memref<112x128xf32, #tpu.memory_space<vmem>>
      tpu.enqueue_dma source(%dma_start3A_227 : memref<112x128xf32, #tpu.memory_space<vmem>>) target(%dma_start3A_224 : memref<112x128xf32, #tpu.memory_space<vmem_shared>>) target_semaphore(%run_scoped3A : memref<!tpu.dma_semaphore, #tpu.memory_space<semaphore_mem>>)
      %dma_wait3A_228 = arith.constant 0 : i32
      %dma_wait3A_229 = arith.constant 0 : i32
      %dma_wait3A_230 = tpu.memref_slice %arg20[%dma_wait3A_228, %dma_wait3A_229] : memref<128x128xf32, #tpu.memory_space<vmem>> -> memref<112x128xf32, #tpu.memory_space<vmem>>
      %dma_wait3A_231 = arith.constant 0 : i32
      %dma_wait3A_232 = tpu.memref_slice %arg5[%add3A_78, %dma_wait3A_231] : memref<10000x128xf32, #tpu.memory_space<vmem_shared>> -> memref<112x128xf32, #tpu.memory_space<vmem_shared>>
      %dma_wait3A_233 = arith.constant 0 : i32
      %dma_wait3A_234 = tpu.memref_slice %arg5[%add3A_78, %dma_wait3A_233] : memref<10000x128xf32, #tpu.memory_space<vmem_shared>> -> memref<112x128xf32, #tpu.memory_space<vmem_shared>>
      %dma_wait3A_235 = arith.constant 0 : i32
      %dma_wait3A_236 = arith.constant 0 : i32
      %dma_wait3A_237 = tpu.memref_slice %arg20[%dma_wait3A_235, %dma_wait3A_236] : memref<128x128xf32, #tpu.memory_space<vmem>> -> memref<112x128xf32, #tpu.memory_space<vmem>>
      tpu.wait_dma2 semaphore(%run_scoped3A : memref<!tpu.dma_semaphore, #tpu.memory_space<semaphore_mem>>) src(%dma_wait3A_237 : memref<112x128xf32, #tpu.memory_space<vmem>>) dst(%dma_wait3A_234 : memref<112x128xf32, #tpu.memory_space<vmem_shared>>)
      tpu.yield
    }) : () -> ()
    %eq3A = arith.constant 15 : i32
    %eq3A_79 = arith.cmpi eq, %arg1, %eq3A : i32
    %convert_element_type3A = arith.extui %eq3A_79 : i1 to i32
    %cond3A = arith.constant 0 : i32
    %cond3A_80 = arith.cmpi ne, %convert_element_type3A, %cond3A : i32
    scf.if %cond3A_80 {
      "tpu.region"() ({
        %run_scoped3A = tpu.sem_alloc : memref<!tpu.dma_semaphore, #tpu.memory_space<semaphore_mem>>
        %dma_start3A_218 = arith.constant 0 : i32
        %dma_start3A_219 = arith.constant 0 : i32
        %dma_start3A_220 = tpu.memref_slice %arg20[%dma_start3A_218, %dma_start3A_219] : memref<128x128xf32, #tpu.memory_space<vmem>> -> memref<16x128xf32, #tpu.memory_space<vmem>>
        %dma_start3A_221 = arith.constant 9984 : i32
        %dma_start3A_222 = arith.constant 0 : i32
        %dma_start3A_223 = tpu.memref_slice %arg5[%dma_start3A_221, %dma_start3A_222] : memref<10000x128xf32, #tpu.memory_space<vmem_shared>> -> memref<16x128xf32, #tpu.memory_space<vmem_shared>>
        %dma_start3A_224 = arith.constant 9984 : i32
        %dma_start3A_225 = arith.constant 0 : i32
        %dma_start3A_226 = tpu.memref_slice %arg5[%dma_start3A_224, %dma_start3A_225] : memref<10000x128xf32, #tpu.memory_space<vmem_shared>> -> memref<16x128xf32, #tpu.memory_space<vmem_shared>>
        %dma_start3A_227 = arith.constant 0 : i32
        %dma_start3A_228 = arith.constant 0 : i32
        %dma_start3A_229 = tpu.memref_slice %arg20[%dma_start3A_227, %dma_start3A_228] : memref<128x128xf32, #tpu.memory_space<vmem>> -> memref<16x128xf32, #tpu.memory_space<vmem>>
        tpu.enqueue_dma source(%dma_start3A_229 : memref<16x128xf32, #tpu.memory_space<vmem>>) target(%dma_start3A_226 : memref<16x128xf32, #tpu.memory_space<vmem_shared>>) target_semaphore(%run_scoped3A : memref<!tpu.dma_semaphore, #tpu.memory_space<semaphore_mem>>)
        %dma_wait3A_230 = arith.constant 0 : i32
        %dma_wait3A_231 = arith.constant 0 : i32
        %dma_wait3A_232 = tpu.memref_slice %arg20[%dma_wait3A_230, %dma_wait3A_231] : memref<128x128xf32, #tpu.memory_space<vmem>> -> memref<16x128xf32, #tpu.memory_space<vmem>>
        %dma_wait3A_233 = arith.constant 9984 : i32
        %dma_wait3A_234 = arith.constant 0 : i32
        %dma_wait3A_235 = tpu.memref_slice %arg5[%dma_wait3A_233, %dma_wait3A_234] : memref<10000x128xf32, #tpu.memory_space<vmem_shared>> -> memref<16x128xf32, #tpu.memory_space<vmem_shared>>
        %dma_wait3A_236 = arith.constant 9984 : i32
        %dma_wait3A_237 = arith.constant 0 : i32
        %dma_wait3A_238 = tpu.memref_slice %arg5[%dma_wait3A_236, %dma_wait3A_237] : memref<10000x128xf32, #tpu.memory_space<vmem_shared>> -> memref<16x128xf32, #tpu.memory_space<vmem_shared>>
        %dma_wait3A_239 = arith.constant 0 : i32
        %dma_wait3A_240 = arith.constant 0 : i32
        %dma_wait3A_241 = tpu.memref_slice %arg20[%dma_wait3A_239, %dma_wait3A_240] : memref<128x128xf32, #tpu.memory_space<vmem>> -> memref<16x128xf32, #tpu.memory_space<vmem>>
        tpu.wait_dma2 semaphore(%run_scoped3A : memref<!tpu.dma_semaphore, #tpu.memory_space<semaphore_mem>>) src(%dma_wait3A_241 : memref<16x128xf32, #tpu.memory_space<vmem>>) dst(%dma_wait3A_238 : memref<16x128xf32, #tpu.memory_space<vmem_shared>>)
        tpu.yield
      }) : () -> ()
    } else {
    }
    %barrier3A = arith.constant 0 : index
    tpu.barrier barrier_id(%barrier3A)
    %dma_wait3A_81 = arith.constant 0 : i32
    %dma_wait3A_82 = arith.constant 0 : i32
    %dma_wait3A_83 = tpu.memref_slice %arg2[%dma_wait3A_81, %dma_wait3A_82] : memref<10000x128xf32, #tpu.memory_space<hbm>> -> memref<10000x128xf32, #tpu.memory_space<hbm>>
    tpu.wait_indirect_dma semaphore(%arg33 : memref<!tpu.dma_semaphore, #tpu.memory_space<semaphore_mem>>) src(%dma_wait3A_83 : memref<10000x128xf32, #tpu.memory_space<hbm>>) dst(%arg18 : memref<128x128xf32, #tpu.memory_space<vmem>>)
    %dma_start3A_84 = arith.constant 0 : i32
    %dma_start3A_85 = arith.constant 0 : i32
    %dma_start3A_86 = tpu.memref_slice %arg5[%dma_start3A_84, %dma_start3A_85] : memref<10000x128xf32, #tpu.memory_space<vmem_shared>> -> memref<10000x128xf32, #tpu.memory_space<vmem_shared>>
    tpu.enqueue_indirect_dma source(%arg18 : memref<128x128xf32, #tpu.memory_space<vmem>>) target(%dma_start3A_86 : memref<10000x128xf32, #tpu.memory_space<vmem_shared>>) offsets(%arg12 : memref<128xi32, #tpu.memory_space<vmem>>) semaphore(%arg36 : memref<!tpu.dma_semaphore, #tpu.memory_space<semaphore_mem>>) {add = true}
    %mul3A_87 = arith.constant 9984 : i32
    %mul3A_88 = arith.muli %add3A, %mul3A_87 : i32
    %add3A_89 = arith.constant 512 : i32
    %add3A_90 = arith.addi %mul3A_88, %add3A_89 : i32
    %dma_start3A_91 = tpu.memref_slice %arg3[%add3A_90] : memref<640000xi32, #tpu.memory_space<hbm>> -> memref<128xi32, #tpu.memory_space<hbm>>
    %dma_start3A_92 = tpu.memref_slice %arg3[%add3A_90] : memref<640000xi32, #tpu.memory_space<hbm>> -> memref<128xi32, #tpu.memory_space<hbm>>
    tpu.enqueue_dma source(%dma_start3A_92 : memref<128xi32, #tpu.memory_space<hbm>>) target(%arg10 : memref<128xi32, #tpu.memory_space<vmem>>) target_semaphore(%arg25 : memref<!tpu.dma_semaphore, #tpu.memory_space<semaphore_mem>>)
    %add3A_93 = arith.constant 320000 : i32
    %add3A_94 = arith.addi %add3A_93, %add3A_90 : i32
    %dma_start3A_95 = tpu.memref_slice %arg3[%add3A_94] : memref<640000xi32, #tpu.memory_space<hbm>> -> memref<128xi32, #tpu.memory_space<hbm>>
    %dma_start3A_96 = tpu.memref_slice %arg3[%add3A_94] : memref<640000xi32, #tpu.memory_space<hbm>> -> memref<128xi32, #tpu.memory_space<hbm>>
    tpu.enqueue_dma source(%dma_start3A_96 : memref<128xi32, #tpu.memory_space<hbm>>) target(%arg16 : memref<128xi32, #tpu.memory_space<vmem>>) target_semaphore(%arg31 : memref<!tpu.dma_semaphore, #tpu.memory_space<semaphore_mem>>)
    %dma_wait3A_97 = arith.constant 0 : i32
    %dma_wait3A_98 = tpu.memref_slice %arg3[%dma_wait3A_97] : memref<640000xi32, #tpu.memory_space<hbm>> -> memref<128xi32, #tpu.memory_space<hbm>>
    %dma_wait3A_99 = arith.constant 0 : i32
    %dma_wait3A_100 = tpu.memref_slice %arg3[%dma_wait3A_99] : memref<640000xi32, #tpu.memory_space<hbm>> -> memref<128xi32, #tpu.memory_space<hbm>>
    tpu.wait_dma2 semaphore(%arg23 : memref<!tpu.dma_semaphore, #tpu.memory_space<semaphore_mem>>) src(%dma_wait3A_100 : memref<128xi32, #tpu.memory_space<hbm>>) dst(%arg8 : memref<128xi32, #tpu.memory_space<vmem>>)
    %dma_wait3A_101 = arith.constant 0 : i32
    %dma_wait3A_102 = tpu.memref_slice %arg3[%dma_wait3A_101] : memref<640000xi32, #tpu.memory_space<hbm>> -> memref<128xi32, #tpu.memory_space<hbm>>
    %dma_wait3A_103 = arith.constant 0 : i32
    %dma_wait3A_104 = tpu.memref_slice %arg3[%dma_wait3A_103] : memref<640000xi32, #tpu.memory_space<hbm>> -> memref<128xi32, #tpu.memory_space<hbm>>
    tpu.wait_dma2 semaphore(%arg29 : memref<!tpu.dma_semaphore, #tpu.memory_space<semaphore_mem>>) src(%dma_wait3A_104 : memref<128xi32, #tpu.memory_space<hbm>>) dst(%arg14 : memref<128xi32, #tpu.memory_space<vmem>>)
    %dma_start3A_105 = arith.constant 0 : i32
    %dma_start3A_106 = arith.constant 0 : i32
    %dma_start3A_107 = tpu.memref_slice %arg2[%dma_start3A_105, %dma_start3A_106] : memref<10000x128xf32, #tpu.memory_space<hbm>> -> memref<10000x128xf32, #tpu.memory_space<hbm>>
    tpu.enqueue_indirect_dma source(%dma_start3A_107 : memref<10000x128xf32, #tpu.memory_space<hbm>>) target(%arg20 : memref<128x128xf32, #tpu.memory_space<vmem>>) offsets(%arg8 : memref<128xi32, #tpu.memory_space<vmem>>) semaphore(%arg35 : memref<!tpu.dma_semaphore, #tpu.memory_space<semaphore_mem>>)
    %scan3A_108 = arith.constant 0 : i32
    %scan3A_109 = arith.constant 0 : i32
    %scan3A_110 = arith.constant 12 : i32
    %scan3A_111 = arith.addi %scan3A_109, %scan3A_110 : i32
    %scan3A_112 = arith.constant 1 : i32
    %scan3A_113 = scf.for %scan3A_218 = %scan3A_109 to %scan3A_111 step %scan3A_112 iter_args(%scan3A_219 = %scan3A_108) -> (i32)  : i32 {
      %mul3A_220 = arith.constant 6 : i32
      %mul3A_221 = arith.muli %mul3A_220, %scan3A_218 : i32
      %add3A_222 = arith.constant 1 : i32
      %add3A_223 = arith.addi %add3A_222, %mul3A_221 : i32
      %add3A_224 = arith.constant 0 : i32
      %add3A_225 = arith.addi %add3A_223, %add3A_224 : i32
      %dma_wait3A_226 = arith.constant 0 : i32
      %dma_wait3A_227 = arith.constant 0 : i32
      %dma_wait3A_228 = tpu.memref_slice %arg2[%dma_wait3A_226, %dma_wait3A_227] : memref<10000x128xf32, #tpu.memory_space<hbm>> -> memref<10000x128xf32, #tpu.memory_space<hbm>>
      tpu.wait_indirect_dma semaphore(%arg34 : memref<!tpu.dma_semaphore, #tpu.memory_space<semaphore_mem>>) src(%dma_wait3A_228 : memref<10000x128xf32, #tpu.memory_space<hbm>>) dst(%arg19 : memref<128x128xf32, #tpu.memory_space<vmem>>)
      %dma_start3A_229 = arith.constant 0 : i32
      %dma_start3A_230 = arith.constant 0 : i32
      %dma_start3A_231 = tpu.memref_slice %arg5[%dma_start3A_229, %dma_start3A_230] : memref<10000x128xf32, #tpu.memory_space<vmem_shared>> -> memref<10000x128xf32, #tpu.memory_space<vmem_shared>>
      tpu.enqueue_indirect_dma source(%arg19 : memref<128x128xf32, #tpu.memory_space<vmem>>) target(%dma_start3A_231 : memref<10000x128xf32, #tpu.memory_space<vmem_shared>>) offsets(%arg13 : memref<128xi32, #tpu.memory_space<vmem>>) semaphore(%arg37 : memref<!tpu.dma_semaphore, #tpu.memory_space<semaphore_mem>>) {add = true}
      %dma_wait3A_232 = arith.constant 0 : i32
      %dma_wait3A_233 = arith.constant 0 : i32
      %dma_wait3A_234 = tpu.memref_slice %arg5[%dma_wait3A_232, %dma_wait3A_233] : memref<10000x128xf32, #tpu.memory_space<vmem_shared>> -> memref<10000x128xf32, #tpu.memory_space<vmem_shared>>
      tpu.wait_indirect_dma semaphore(%arg36 : memref<!tpu.dma_semaphore, #tpu.memory_space<semaphore_mem>>) src(%arg18 : memref<128x128xf32, #tpu.memory_space<vmem>>) dst(%dma_wait3A_234 : memref<10000x128xf32, #tpu.memory_space<vmem_shared>>)
      %add3A_235 = arith.constant 4 : i32
      %add3A_236 = arith.addi %add3A_225, %add3A_235 : i32
      %lt3A_237 = arith.constant 78 : i32
      %lt3A_238 = arith.cmpi slt, %add3A_236, %lt3A_237 : i32
      %convert_element_type3A_239 = arith.extui %lt3A_238 : i1 to i32
      %cond3A_240 = arith.constant 0 : i32
      %cond3A_241 = arith.cmpi ne, %convert_element_type3A_239, %cond3A_240 : i32
      scf.if %cond3A_241 {
        %add3A_399 = arith.constant 4 : i32
        %add3A_400 = arith.addi %add3A_225, %add3A_399 : i32
        %mul3A_401 = arith.constant 9984 : i32
        %mul3A_402 = arith.muli %add3A, %mul3A_401 : i32
        %mul3A_403 = arith.constant 128 : i32
        %mul3A_404 = arith.muli %add3A_400, %mul3A_403 : i32
        %add3A_405 = arith.addi %mul3A_402, %mul3A_404 : i32
        %dma_start3A_406 = tpu.memref_slice %arg3[%add3A_405] : memref<640000xi32, #tpu.memory_space<hbm>> -> memref<128xi32, #tpu.memory_space<hbm>>
        %dma_start3A_407 = tpu.memref_slice %arg3[%add3A_405] : memref<640000xi32, #tpu.memory_space<hbm>> -> memref<128xi32, #tpu.memory_space<hbm>>
        tpu.enqueue_dma source(%dma_start3A_407 : memref<128xi32, #tpu.memory_space<hbm>>) target(%arg11 : memref<128xi32, #tpu.memory_space<vmem>>) target_semaphore(%arg26 : memref<!tpu.dma_semaphore, #tpu.memory_space<semaphore_mem>>)
        %add3A_408 = arith.constant 320000 : i32
        %add3A_409 = arith.addi %add3A_408, %add3A_405 : i32
        %dma_start3A_410 = tpu.memref_slice %arg3[%add3A_409] : memref<640000xi32, #tpu.memory_space<hbm>> -> memref<128xi32, #tpu.memory_space<hbm>>
        %dma_start3A_411 = tpu.memref_slice %arg3[%add3A_409] : memref<640000xi32, #tpu.memory_space<hbm>> -> memref<128xi32, #tpu.memory_space<hbm>>
        tpu.enqueue_dma source(%dma_start3A_411 : memref<128xi32, #tpu.memory_space<hbm>>) target(%arg17 : memref<128xi32, #tpu.memory_space<vmem>>) target_semaphore(%arg32 : memref<!tpu.dma_semaphore, #tpu.memory_space<semaphore_mem>>)
      } else {
      }
      %dma_wait3A_242 = arith.constant 0 : i32
      %dma_wait3A_243 = tpu.memref_slice %arg3[%dma_wait3A_242] : memref<640000xi32, #tpu.memory_space<hbm>> -> memref<128xi32, #tpu.memory_space<hbm>>
      %dma_wait3A_244 = arith.constant 0 : i32
      %dma_wait3A_245 = tpu.memref_slice %arg3[%dma_wait3A_244] : memref<640000xi32, #tpu.memory_space<hbm>> -> memref<128xi32, #tpu.memory_space<hbm>>
      tpu.wait_dma2 semaphore(%arg24 : memref<!tpu.dma_semaphore, #tpu.memory_space<semaphore_mem>>) src(%dma_wait3A_245 : memref<128xi32, #tpu.memory_space<hbm>>) dst(%arg9 : memref<128xi32, #tpu.memory_space<vmem>>)
      %dma_wait3A_246 = arith.constant 0 : i32
      %dma_wait3A_247 = tpu.memref_slice %arg3[%dma_wait3A_246] : memref<640000xi32, #tpu.memory_space<hbm>> -> memref<128xi32, #tpu.memory_space<hbm>>
      %dma_wait3A_248 = arith.constant 0 : i32
      %dma_wait3A_249 = tpu.memref_slice %arg3[%dma_wait3A_248] : memref<640000xi32, #tpu.memory_space<hbm>> -> memref<128xi32, #tpu.memory_space<hbm>>
      tpu.wait_dma2 semaphore(%arg30 : memref<!tpu.dma_semaphore, #tpu.memory_space<semaphore_mem>>) src(%dma_wait3A_249 : memref<128xi32, #tpu.memory_space<hbm>>) dst(%arg15 : memref<128xi32, #tpu.memory_space<vmem>>)
      %dma_start3A_250 = arith.constant 0 : i32
      %dma_start3A_251 = arith.constant 0 : i32
      %dma_start3A_252 = tpu.memref_slice %arg2[%dma_start3A_250, %dma_start3A_251] : memref<10000x128xf32, #tpu.memory_space<hbm>> -> memref<10000x128xf32, #tpu.memory_space<hbm>>
      tpu.enqueue_indirect_dma source(%dma_start3A_252 : memref<10000x128xf32, #tpu.memory_space<hbm>>) target(%arg18 : memref<128x128xf32, #tpu.memory_space<vmem>>) offsets(%arg9 : memref<128xi32, #tpu.memory_space<vmem>>) semaphore(%arg33 : memref<!tpu.dma_semaphore, #tpu.memory_space<semaphore_mem>>)
      %add3A_253 = arith.constant 1 : i32
      %add3A_254 = arith.addi %add3A_223, %add3A_253 : i32
      %dma_wait3A_255 = arith.constant 0 : i32
      %dma_wait3A_256 = arith.constant 0 : i32
      %dma_wait3A_257 = tpu.memref_slice %arg2[%dma_wait3A_255, %dma_wait3A_256] : memref<10000x128xf32, #tpu.memory_space<hbm>> -> memref<10000x128xf32, #tpu.memory_space<hbm>>
      tpu.wait_indirect_dma semaphore(%arg35 : memref<!tpu.dma_semaphore, #tpu.memory_space<semaphore_mem>>) src(%dma_wait3A_257 : memref<10000x128xf32, #tpu.memory_space<hbm>>) dst(%arg20 : memref<128x128xf32, #tpu.memory_space<vmem>>)
      %dma_start3A_258 = arith.constant 0 : i32
      %dma_start3A_259 = arith.constant 0 : i32
      %dma_start3A_260 = tpu.memref_slice %arg5[%dma_start3A_258, %dma_start3A_259] : memref<10000x128xf32, #tpu.memory_space<vmem_shared>> -> memref<10000x128xf32, #tpu.memory_space<vmem_shared>>
      tpu.enqueue_indirect_dma source(%arg20 : memref<128x128xf32, #tpu.memory_space<vmem>>) target(%dma_start3A_260 : memref<10000x128xf32, #tpu.memory_space<vmem_shared>>) offsets(%arg14 : memref<128xi32, #tpu.memory_space<vmem>>) semaphore(%arg38 : memref<!tpu.dma_semaphore, #tpu.memory_space<semaphore_mem>>) {add = true}
      %dma_wait3A_261 = arith.constant 0 : i32
      %dma_wait3A_262 = arith.constant 0 : i32
      %dma_wait3A_263 = tpu.memref_slice %arg5[%dma_wait3A_261, %dma_wait3A_262] : memref<10000x128xf32, #tpu.memory_space<vmem_shared>> -> memref<10000x128xf32, #tpu.memory_space<vmem_shared>>
      tpu.wait_indirect_dma semaphore(%arg37 : memref<!tpu.dma_semaphore, #tpu.memory_space<semaphore_mem>>) src(%arg19 : memref<128x128xf32, #tpu.memory_space<vmem>>) dst(%dma_wait3A_263 : memref<10000x128xf32, #tpu.memory_space<vmem_shared>>)
      %add3A_264 = arith.constant 4 : i32
      %add3A_265 = arith.addi %add3A_254, %add3A_264 : i32
      %lt3A_266 = arith.constant 78 : i32
      %lt3A_267 = arith.cmpi slt, %add3A_265, %lt3A_266 : i32
      %convert_element_type3A_268 = arith.extui %lt3A_267 : i1 to i32
      %cond3A_269 = arith.constant 0 : i32
      %cond3A_270 = arith.cmpi ne, %convert_element_type3A_268, %cond3A_269 : i32
      scf.if %cond3A_270 {
        %add3A_399 = arith.constant 4 : i32
        %add3A_400 = arith.addi %add3A_254, %add3A_399 : i32
        %mul3A_401 = arith.constant 9984 : i32
        %mul3A_402 = arith.muli %add3A, %mul3A_401 : i32
        %mul3A_403 = arith.constant 128 : i32
        %mul3A_404 = arith.muli %add3A_400, %mul3A_403 : i32
        %add3A_405 = arith.addi %mul3A_402, %mul3A_404 : i32
        %dma_start3A_406 = tpu.memref_slice %arg3[%add3A_405] : memref<640000xi32, #tpu.memory_space<hbm>> -> memref<128xi32, #tpu.memory_space<hbm>>
        %dma_start3A_407 = tpu.memref_slice %arg3[%add3A_405] : memref<640000xi32, #tpu.memory_space<hbm>> -> memref<128xi32, #tpu.memory_space<hbm>>
        tpu.enqueue_dma source(%dma_start3A_407 : memref<128xi32, #tpu.memory_space<hbm>>) target(%arg6 : memref<128xi32, #tpu.memory_space<vmem>>) target_semaphore(%arg21 : memref<!tpu.dma_semaphore, #tpu.memory_space<semaphore_mem>>)
        %add3A_408 = arith.constant 320000 : i32
        %add3A_409 = arith.addi %add3A_408, %add3A_405 : i32
        %dma_start3A_410 = tpu.memref_slice %arg3[%add3A_409] : memref<640000xi32, #tpu.memory_space<hbm>> -> memref<128xi32, #tpu.memory_space<hbm>>
        %dma_start3A_411 = tpu.memref_slice %arg3[%add3A_409] : memref<640000xi32, #tpu.memory_space<hbm>> -> memref<128xi32, #tpu.memory_space<hbm>>
        tpu.enqueue_dma source(%dma_start3A_411 : memref<128xi32, #tpu.memory_space<hbm>>) target(%arg12 : memref<128xi32, #tpu.memory_space<vmem>>) target_semaphore(%arg27 : memref<!tpu.dma_semaphore, #tpu.memory_space<semaphore_mem>>)
      } else {
      }
      %dma_wait3A_271 = arith.constant 0 : i32
      %dma_wait3A_272 = tpu.memref_slice %arg3[%dma_wait3A_271] : memref<640000xi32, #tpu.memory_space<hbm>> -> memref<128xi32, #tpu.memory_space<hbm>>
      %dma_wait3A_273 = arith.constant 0 : i32
      %dma_wait3A_274 = tpu.memref_slice %arg3[%dma_wait3A_273] : memref<640000xi32, #tpu.memory_space<hbm>> -> memref<128xi32, #tpu.memory_space<hbm>>
      tpu.wait_dma2 semaphore(%arg25 : memref<!tpu.dma_semaphore, #tpu.memory_space<semaphore_mem>>) src(%dma_wait3A_274 : memref<128xi32, #tpu.memory_space<hbm>>) dst(%arg10 : memref<128xi32, #tpu.memory_space<vmem>>)
      %dma_wait3A_275 = arith.constant 0 : i32
      %dma_wait3A_276 = tpu.memref_slice %arg3[%dma_wait3A_275] : memref<640000xi32, #tpu.memory_space<hbm>> -> memref<128xi32, #tpu.memory_space<hbm>>
      %dma_wait3A_277 = arith.constant 0 : i32
      %dma_wait3A_278 = tpu.memref_slice %arg3[%dma_wait3A_277] : memref<640000xi32, #tpu.memory_space<hbm>> -> memref<128xi32, #tpu.memory_space<hbm>>
      tpu.wait_dma2 semaphore(%arg31 : memref<!tpu.dma_semaphore, #tpu.memory_space<semaphore_mem>>) src(%dma_wait3A_278 : memref<128xi32, #tpu.memory_space<hbm>>) dst(%arg16 : memref<128xi32, #tpu.memory_space<vmem>>)
      %dma_start3A_279 = arith.constant 0 : i32
      %dma_start3A_280 = arith.constant 0 : i32
      %dma_start3A_281 = tpu.memref_slice %arg2[%dma_start3A_279, %dma_start3A_280] : memref<10000x128xf32, #tpu.memory_space<hbm>> -> memref<10000x128xf32, #tpu.memory_space<hbm>>
      tpu.enqueue_indirect_dma source(%dma_start3A_281 : memref<10000x128xf32, #tpu.memory_space<hbm>>) target(%arg19 : memref<128x128xf32, #tpu.memory_space<vmem>>) offsets(%arg10 : memref<128xi32, #tpu.memory_space<vmem>>) semaphore(%arg34 : memref<!tpu.dma_semaphore, #tpu.memory_space<semaphore_mem>>)
      %add3A_282 = arith.constant 2 : i32
      %add3A_283 = arith.addi %add3A_223, %add3A_282 : i32
      %dma_wait3A_284 = arith.constant 0 : i32
      %dma_wait3A_285 = arith.constant 0 : i32
      %dma_wait3A_286 = tpu.memref_slice %arg2[%dma_wait3A_284, %dma_wait3A_285] : memref<10000x128xf32, #tpu.memory_space<hbm>> -> memref<10000x128xf32, #tpu.memory_space<hbm>>
      tpu.wait_indirect_dma semaphore(%arg33 : memref<!tpu.dma_semaphore, #tpu.memory_space<semaphore_mem>>) src(%dma_wait3A_286 : memref<10000x128xf32, #tpu.memory_space<hbm>>) dst(%arg18 : memref<128x128xf32, #tpu.memory_space<vmem>>)
      %dma_start3A_287 = arith.constant 0 : i32
      %dma_start3A_288 = arith.constant 0 : i32
      %dma_start3A_289 = tpu.memref_slice %arg5[%dma_start3A_287, %dma_start3A_288] : memref<10000x128xf32, #tpu.memory_space<vmem_shared>> -> memref<10000x128xf32, #tpu.memory_space<vmem_shared>>
      tpu.enqueue_indirect_dma source(%arg18 : memref<128x128xf32, #tpu.memory_space<vmem>>) target(%dma_start3A_289 : memref<10000x128xf32, #tpu.memory_space<vmem_shared>>) offsets(%arg15 : memref<128xi32, #tpu.memory_space<vmem>>) semaphore(%arg36 : memref<!tpu.dma_semaphore, #tpu.memory_space<semaphore_mem>>) {add = true}
      %dma_wait3A_290 = arith.constant 0 : i32
      %dma_wait3A_291 = arith.constant 0 : i32
      %dma_wait3A_292 = tpu.memref_slice %arg5[%dma_wait3A_290, %dma_wait3A_291] : memref<10000x128xf32, #tpu.memory_space<vmem_shared>> -> memref<10000x128xf32, #tpu.memory_space<vmem_shared>>
      tpu.wait_indirect_dma semaphore(%arg38 : memref<!tpu.dma_semaphore, #tpu.memory_space<semaphore_mem>>) src(%arg20 : memref<128x128xf32, #tpu.memory_space<vmem>>) dst(%dma_wait3A_292 : memref<10000x128xf32, #tpu.memory_space<vmem_shared>>)
      %add3A_293 = arith.constant 4 : i32
      %add3A_294 = arith.addi %add3A_283, %add3A_293 : i32
      %lt3A_295 = arith.constant 78 : i32
      %lt3A_296 = arith.cmpi slt, %add3A_294, %lt3A_295 : i32
      %convert_element_type3A_297 = arith.extui %lt3A_296 : i1 to i32
      %cond3A_298 = arith.constant 0 : i32
      %cond3A_299 = arith.cmpi ne, %convert_element_type3A_297, %cond3A_298 : i32
      scf.if %cond3A_299 {
        %add3A_399 = arith.constant 4 : i32
        %add3A_400 = arith.addi %add3A_283, %add3A_399 : i32
        %mul3A_401 = arith.constant 9984 : i32
        %mul3A_402 = arith.muli %add3A, %mul3A_401 : i32
        %mul3A_403 = arith.constant 128 : i32
        %mul3A_404 = arith.muli %add3A_400, %mul3A_403 : i32
        %add3A_405 = arith.addi %mul3A_402, %mul3A_404 : i32
        %dma_start3A_406 = tpu.memref_slice %arg3[%add3A_405] : memref<640000xi32, #tpu.memory_space<hbm>> -> memref<128xi32, #tpu.memory_space<hbm>>
        %dma_start3A_407 = tpu.memref_slice %arg3[%add3A_405] : memref<640000xi32, #tpu.memory_space<hbm>> -> memref<128xi32, #tpu.memory_space<hbm>>
        tpu.enqueue_dma source(%dma_start3A_407 : memref<128xi32, #tpu.memory_space<hbm>>) target(%arg7 : memref<128xi32, #tpu.memory_space<vmem>>) target_semaphore(%arg22 : memref<!tpu.dma_semaphore, #tpu.memory_space<semaphore_mem>>)
        %add3A_408 = arith.constant 320000 : i32
        %add3A_409 = arith.addi %add3A_408, %add3A_405 : i32
        %dma_start3A_410 = tpu.memref_slice %arg3[%add3A_409] : memref<640000xi32, #tpu.memory_space<hbm>> -> memref<128xi32, #tpu.memory_space<hbm>>
        %dma_start3A_411 = tpu.memref_slice %arg3[%add3A_409] : memref<640000xi32, #tpu.memory_space<hbm>> -> memref<128xi32, #tpu.memory_space<hbm>>
        tpu.enqueue_dma source(%dma_start3A_411 : memref<128xi32, #tpu.memory_space<hbm>>) target(%arg13 : memref<128xi32, #tpu.memory_space<vmem>>) target_semaphore(%arg28 : memref<!tpu.dma_semaphore, #tpu.memory_space<semaphore_mem>>)
      } else {
      }
      %dma_wait3A_300 = arith.constant 0 : i32
      %dma_wait3A_301 = tpu.memref_slice %arg3[%dma_wait3A_300] : memref<640000xi32, #tpu.memory_space<hbm>> -> memref<128xi32, #tpu.memory_space<hbm>>
      %dma_wait3A_302 = arith.constant 0 : i32
      %dma_wait3A_303 = tpu.memref_slice %arg3[%dma_wait3A_302] : memref<640000xi32, #tpu.memory_space<hbm>> -> memref<128xi32, #tpu.memory_space<hbm>>
      tpu.wait_dma2 semaphore(%arg26 : memref<!tpu.dma_semaphore, #tpu.memory_space<semaphore_mem>>) src(%dma_wait3A_303 : memref<128xi32, #tpu.memory_space<hbm>>) dst(%arg11 : memref<128xi32, #tpu.memory_space<vmem>>)
      %dma_wait3A_304 = arith.constant 0 : i32
      %dma_wait3A_305 = tpu.memref_slice %arg3[%dma_wait3A_304] : memref<640000xi32, #tpu.memory_space<hbm>> -> memref<128xi32, #tpu.memory_space<hbm>>
      %dma_wait3A_306 = arith.constant 0 : i32
      %dma_wait3A_307 = tpu.memref_slice %arg3[%dma_wait3A_306] : memref<640000xi32, #tpu.memory_space<hbm>> -> memref<128xi32, #tpu.memory_space<hbm>>
      tpu.wait_dma2 semaphore(%arg32 : memref<!tpu.dma_semaphore, #tpu.memory_space<semaphore_mem>>) src(%dma_wait3A_307 : memref<128xi32, #tpu.memory_space<hbm>>) dst(%arg17 : memref<128xi32, #tpu.memory_space<vmem>>)
      %dma_start3A_308 = arith.constant 0 : i32
      %dma_start3A_309 = arith.constant 0 : i32
      %dma_start3A_310 = tpu.memref_slice %arg2[%dma_start3A_308, %dma_start3A_309] : memref<10000x128xf32, #tpu.memory_space<hbm>> -> memref<10000x128xf32, #tpu.memory_space<hbm>>
      tpu.enqueue_indirect_dma source(%dma_start3A_310 : memref<10000x128xf32, #tpu.memory_space<hbm>>) target(%arg20 : memref<128x128xf32, #tpu.memory_space<vmem>>) offsets(%arg11 : memref<128xi32, #tpu.memory_space<vmem>>) semaphore(%arg35 : memref<!tpu.dma_semaphore, #tpu.memory_space<semaphore_mem>>)
      %add3A_311 = arith.constant 3 : i32
      %add3A_312 = arith.addi %add3A_223, %add3A_311 : i32
      %dma_wait3A_313 = arith.constant 0 : i32
      %dma_wait3A_314 = arith.constant 0 : i32
      %dma_wait3A_315 = tpu.memref_slice %arg2[%dma_wait3A_313, %dma_wait3A_314] : memref<10000x128xf32, #tpu.memory_space<hbm>> -> memref<10000x128xf32, #tpu.memory_space<hbm>>
      tpu.wait_indirect_dma semaphore(%arg34 : memref<!tpu.dma_semaphore, #tpu.memory_space<semaphore_mem>>) src(%dma_wait3A_315 : memref<10000x128xf32, #tpu.memory_space<hbm>>) dst(%arg19 : memref<128x128xf32, #tpu.memory_space<vmem>>)
      %dma_start3A_316 = arith.constant 0 : i32
      %dma_start3A_317 = arith.constant 0 : i32
      %dma_start3A_318 = tpu.memref_slice %arg5[%dma_start3A_316, %dma_start3A_317] : memref<10000x128xf32, #tpu.memory_space<vmem_shared>> -> memref<10000x128xf32, #tpu.memory_space<vmem_shared>>
      tpu.enqueue_indirect_dma source(%arg19 : memref<128x128xf32, #tpu.memory_space<vmem>>) target(%dma_start3A_318 : memref<10000x128xf32, #tpu.memory_space<vmem_shared>>) offsets(%arg16 : memref<128xi32, #tpu.memory_space<vmem>>) semaphore(%arg37 : memref<!tpu.dma_semaphore, #tpu.memory_space<semaphore_mem>>) {add = true}
      %dma_wait3A_319 = arith.constant 0 : i32
      %dma_wait3A_320 = arith.constant 0 : i32
      %dma_wait3A_321 = tpu.memref_slice %arg5[%dma_wait3A_319, %dma_wait3A_320] : memref<10000x128xf32, #tpu.memory_space<vmem_shared>> -> memref<10000x128xf32, #tpu.memory_space<vmem_shared>>
      tpu.wait_indirect_dma semaphore(%arg36 : memref<!tpu.dma_semaphore, #tpu.memory_space<semaphore_mem>>) src(%arg18 : memref<128x128xf32, #tpu.memory_space<vmem>>) dst(%dma_wait3A_321 : memref<10000x128xf32, #tpu.memory_space<vmem_shared>>)
      %add3A_322 = arith.constant 4 : i32
      %add3A_323 = arith.addi %add3A_312, %add3A_322 : i32
      %lt3A_324 = arith.constant 78 : i32
      %lt3A_325 = arith.cmpi slt, %add3A_323, %lt3A_324 : i32
      %convert_element_type3A_326 = arith.extui %lt3A_325 : i1 to i32
      %cond3A_327 = arith.constant 0 : i32
      %cond3A_328 = arith.cmpi ne, %convert_element_type3A_326, %cond3A_327 : i32
      scf.if %cond3A_328 {
        %add3A_399 = arith.constant 4 : i32
        %add3A_400 = arith.addi %add3A_312, %add3A_399 : i32
        %mul3A_401 = arith.constant 9984 : i32
        %mul3A_402 = arith.muli %add3A, %mul3A_401 : i32
        %mul3A_403 = arith.constant 128 : i32
        %mul3A_404 = arith.muli %add3A_400, %mul3A_403 : i32
        %add3A_405 = arith.addi %mul3A_402, %mul3A_404 : i32
        %dma_start3A_406 = tpu.memref_slice %arg3[%add3A_405] : memref<640000xi32, #tpu.memory_space<hbm>> -> memref<128xi32, #tpu.memory_space<hbm>>
        %dma_start3A_407 = tpu.memref_slice %arg3[%add3A_405] : memref<640000xi32, #tpu.memory_space<hbm>> -> memref<128xi32, #tpu.memory_space<hbm>>
        tpu.enqueue_dma source(%dma_start3A_407 : memref<128xi32, #tpu.memory_space<hbm>>) target(%arg8 : memref<128xi32, #tpu.memory_space<vmem>>) target_semaphore(%arg23 : memref<!tpu.dma_semaphore, #tpu.memory_space<semaphore_mem>>)
        %add3A_408 = arith.constant 320000 : i32
        %add3A_409 = arith.addi %add3A_408, %add3A_405 : i32
        %dma_start3A_410 = tpu.memref_slice %arg3[%add3A_409] : memref<640000xi32, #tpu.memory_space<hbm>> -> memref<128xi32, #tpu.memory_space<hbm>>
        %dma_start3A_411 = tpu.memref_slice %arg3[%add3A_409] : memref<640000xi32, #tpu.memory_space<hbm>> -> memref<128xi32, #tpu.memory_space<hbm>>
        tpu.enqueue_dma source(%dma_start3A_411 : memref<128xi32, #tpu.memory_space<hbm>>) target(%arg14 : memref<128xi32, #tpu.memory_space<vmem>>) target_semaphore(%arg29 : memref<!tpu.dma_semaphore, #tpu.memory_space<semaphore_mem>>)
      } else {
      }
      %dma_wait3A_329 = arith.constant 0 : i32
      %dma_wait3A_330 = tpu.memref_slice %arg3[%dma_wait3A_329] : memref<640000xi32, #tpu.memory_space<hbm>> -> memref<128xi32, #tpu.memory_space<hbm>>
      %dma_wait3A_331 = arith.constant 0 : i32
      %dma_wait3A_332 = tpu.memref_slice %arg3[%dma_wait3A_331] : memref<640000xi32, #tpu.memory_space<hbm>> -> memref<128xi32, #tpu.memory_space<hbm>>
      tpu.wait_dma2 semaphore(%arg21 : memref<!tpu.dma_semaphore, #tpu.memory_space<semaphore_mem>>) src(%dma_wait3A_332 : memref<128xi32, #tpu.memory_space<hbm>>) dst(%arg6 : memref<128xi32, #tpu.memory_space<vmem>>)
      %dma_wait3A_333 = arith.constant 0 : i32
      %dma_wait3A_334 = tpu.memref_slice %arg3[%dma_wait3A_333] : memref<640000xi32, #tpu.memory_space<hbm>> -> memref<128xi32, #tpu.memory_space<hbm>>
      %dma_wait3A_335 = arith.constant 0 : i32
      %dma_wait3A_336 = tpu.memref_slice %arg3[%dma_wait3A_335] : memref<640000xi32, #tpu.memory_space<hbm>> -> memref<128xi32, #tpu.memory_space<hbm>>
      tpu.wait_dma2 semaphore(%arg27 : memref<!tpu.dma_semaphore, #tpu.memory_space<semaphore_mem>>) src(%dma_wait3A_336 : memref<128xi32, #tpu.memory_space<hbm>>) dst(%arg12 : memref<128xi32, #tpu.memory_space<vmem>>)
      %dma_start3A_337 = arith.constant 0 : i32
      %dma_start3A_338 = arith.constant 0 : i32
      %dma_start3A_339 = tpu.memref_slice %arg2[%dma_start3A_337, %dma_start3A_338] : memref<10000x128xf32, #tpu.memory_space<hbm>> -> memref<10000x128xf32, #tpu.memory_space<hbm>>
      tpu.enqueue_indirect_dma source(%dma_start3A_339 : memref<10000x128xf32, #tpu.memory_space<hbm>>) target(%arg18 : memref<128x128xf32, #tpu.memory_space<vmem>>) offsets(%arg6 : memref<128xi32, #tpu.memory_space<vmem>>) semaphore(%arg33 : memref<!tpu.dma_semaphore, #tpu.memory_space<semaphore_mem>>)
      %add3A_340 = arith.constant 4 : i32
      %add3A_341 = arith.addi %add3A_223, %add3A_340 : i32
      %dma_wait3A_342 = arith.constant 0 : i32
      %dma_wait3A_343 = arith.constant 0 : i32
      %dma_wait3A_344 = tpu.memref_slice %arg2[%dma_wait3A_342, %dma_wait3A_343] : memref<10000x128xf32, #tpu.memory_space<hbm>> -> memref<10000x128xf32, #tpu.memory_space<hbm>>
      tpu.wait_indirect_dma semaphore(%arg35 : memref<!tpu.dma_semaphore, #tpu.memory_space<semaphore_mem>>) src(%dma_wait3A_344 : memref<10000x128xf32, #tpu.memory_space<hbm>>) dst(%arg20 : memref<128x128xf32, #tpu.memory_space<vmem>>)
      %dma_start3A_345 = arith.constant 0 : i32
      %dma_start3A_346 = arith.constant 0 : i32
      %dma_start3A_347 = tpu.memref_slice %arg5[%dma_start3A_345, %dma_start3A_346] : memref<10000x128xf32, #tpu.memory_space<vmem_shared>> -> memref<10000x128xf32, #tpu.memory_space<vmem_shared>>
      tpu.enqueue_indirect_dma source(%arg20 : memref<128x128xf32, #tpu.memory_space<vmem>>) target(%dma_start3A_347 : memref<10000x128xf32, #tpu.memory_space<vmem_shared>>) offsets(%arg17 : memref<128xi32, #tpu.memory_space<vmem>>) semaphore(%arg38 : memref<!tpu.dma_semaphore, #tpu.memory_space<semaphore_mem>>) {add = true}
      %dma_wait3A_348 = arith.constant 0 : i32
      %dma_wait3A_349 = arith.constant 0 : i32
      %dma_wait3A_350 = tpu.memref_slice %arg5[%dma_wait3A_348, %dma_wait3A_349] : memref<10000x128xf32, #tpu.memory_space<vmem_shared>> -> memref<10000x128xf32, #tpu.memory_space<vmem_shared>>
      tpu.wait_indirect_dma semaphore(%arg37 : memref<!tpu.dma_semaphore, #tpu.memory_space<semaphore_mem>>) src(%arg19 : memref<128x128xf32, #tpu.memory_space<vmem>>) dst(%dma_wait3A_350 : memref<10000x128xf32, #tpu.memory_space<vmem_shared>>)
      %add3A_351 = arith.constant 4 : i32
      %add3A_352 = arith.addi %add3A_341, %add3A_351 : i32
      %lt3A_353 = arith.constant 78 : i32
      %lt3A_354 = arith.cmpi slt, %add3A_352, %lt3A_353 : i32
      %convert_element_type3A_355 = arith.extui %lt3A_354 : i1 to i32
      %cond3A_356 = arith.constant 0 : i32
      %cond3A_357 = arith.cmpi ne, %convert_element_type3A_355, %cond3A_356 : i32
      scf.if %cond3A_357 {
        %add3A_399 = arith.constant 4 : i32
        %add3A_400 = arith.addi %add3A_341, %add3A_399 : i32
        %mul3A_401 = arith.constant 9984 : i32
        %mul3A_402 = arith.muli %add3A, %mul3A_401 : i32
        %mul3A_403 = arith.constant 128 : i32
        %mul3A_404 = arith.muli %add3A_400, %mul3A_403 : i32
        %add3A_405 = arith.addi %mul3A_402, %mul3A_404 : i32
        %dma_start3A_406 = tpu.memref_slice %arg3[%add3A_405] : memref<640000xi32, #tpu.memory_space<hbm>> -> memref<128xi32, #tpu.memory_space<hbm>>
        %dma_start3A_407 = tpu.memref_slice %arg3[%add3A_405] : memref<640000xi32, #tpu.memory_space<hbm>> -> memref<128xi32, #tpu.memory_space<hbm>>
        tpu.enqueue_dma source(%dma_start3A_407 : memref<128xi32, #tpu.memory_space<hbm>>) target(%arg9 : memref<128xi32, #tpu.memory_space<vmem>>) target_semaphore(%arg24 : memref<!tpu.dma_semaphore, #tpu.memory_space<semaphore_mem>>)
        %add3A_408 = arith.constant 320000 : i32
        %add3A_409 = arith.addi %add3A_408, %add3A_405 : i32
        %dma_start3A_410 = tpu.memref_slice %arg3[%add3A_409] : memref<640000xi32, #tpu.memory_space<hbm>> -> memref<128xi32, #tpu.memory_space<hbm>>
        %dma_start3A_411 = tpu.memref_slice %arg3[%add3A_409] : memref<640000xi32, #tpu.memory_space<hbm>> -> memref<128xi32, #tpu.memory_space<hbm>>
        tpu.enqueue_dma source(%dma_start3A_411 : memref<128xi32, #tpu.memory_space<hbm>>) target(%arg15 : memref<128xi32, #tpu.memory_space<vmem>>) target_semaphore(%arg30 : memref<!tpu.dma_semaphore, #tpu.memory_space<semaphore_mem>>)
      } else {
      }
      %dma_wait3A_358 = arith.constant 0 : i32
      %dma_wait3A_359 = tpu.memref_slice %arg3[%dma_wait3A_358] : memref<640000xi32, #tpu.memory_space<hbm>> -> memref<128xi32, #tpu.memory_space<hbm>>
      %dma_wait3A_360 = arith.constant 0 : i32
      %dma_wait3A_361 = tpu.memref_slice %arg3[%dma_wait3A_360] : memref<640000xi32, #tpu.memory_space<hbm>> -> memref<128xi32, #tpu.memory_space<hbm>>
      tpu.wait_dma2 semaphore(%arg22 : memref<!tpu.dma_semaphore, #tpu.memory_space<semaphore_mem>>) src(%dma_wait3A_361 : memref<128xi32, #tpu.memory_space<hbm>>) dst(%arg7 : memref<128xi32, #tpu.memory_space<vmem>>)
      %dma_wait3A_362 = arith.constant 0 : i32
      %dma_wait3A_363 = tpu.memref_slice %arg3[%dma_wait3A_362] : memref<640000xi32, #tpu.memory_space<hbm>> -> memref<128xi32, #tpu.memory_space<hbm>>
      %dma_wait3A_364 = arith.constant 0 : i32
      %dma_wait3A_365 = tpu.memref_slice %arg3[%dma_wait3A_364] : memref<640000xi32, #tpu.memory_space<hbm>> -> memref<128xi32, #tpu.memory_space<hbm>>
      tpu.wait_dma2 semaphore(%arg28 : memref<!tpu.dma_semaphore, #tpu.memory_space<semaphore_mem>>) src(%dma_wait3A_365 : memref<128xi32, #tpu.memory_space<hbm>>) dst(%arg13 : memref<128xi32, #tpu.memory_space<vmem>>)
      %dma_start3A_366 = arith.constant 0 : i32
      %dma_start3A_367 = arith.constant 0 : i32
      %dma_start3A_368 = tpu.memref_slice %arg2[%dma_start3A_366, %dma_start3A_367] : memref<10000x128xf32, #tpu.memory_space<hbm>> -> memref<10000x128xf32, #tpu.memory_space<hbm>>
      tpu.enqueue_indirect_dma source(%dma_start3A_368 : memref<10000x128xf32, #tpu.memory_space<hbm>>) target(%arg19 : memref<128x128xf32, #tpu.memory_space<vmem>>) offsets(%arg7 : memref<128xi32, #tpu.memory_space<vmem>>) semaphore(%arg34 : memref<!tpu.dma_semaphore, #tpu.memory_space<semaphore_mem>>)
      %add3A_369 = arith.constant 5 : i32
      %add3A_370 = arith.addi %add3A_223, %add3A_369 : i32
      %dma_wait3A_371 = arith.constant 0 : i32
      %dma_wait3A_372 = arith.constant 0 : i32
      %dma_wait3A_373 = tpu.memref_slice %arg2[%dma_wait3A_371, %dma_wait3A_372] : memref<10000x128xf32, #tpu.memory_space<hbm>> -> memref<10000x128xf32, #tpu.memory_space<hbm>>
      tpu.wait_indirect_dma semaphore(%arg33 : memref<!tpu.dma_semaphore, #tpu.memory_space<semaphore_mem>>) src(%dma_wait3A_373 : memref<10000x128xf32, #tpu.memory_space<hbm>>) dst(%arg18 : memref<128x128xf32, #tpu.memory_space<vmem>>)
      %dma_start3A_374 = arith.constant 0 : i32
      %dma_start3A_375 = arith.constant 0 : i32
      %dma_start3A_376 = tpu.memref_slice %arg5[%dma_start3A_374, %dma_start3A_375] : memref<10000x128xf32, #tpu.memory_space<vmem_shared>> -> memref<10000x128xf32, #tpu.memory_space<vmem_shared>>
      tpu.enqueue_indirect_dma source(%arg18 : memref<128x128xf32, #tpu.memory_space<vmem>>) target(%dma_start3A_376 : memref<10000x128xf32, #tpu.memory_space<vmem_shared>>) offsets(%arg12 : memref<128xi32, #tpu.memory_space<vmem>>) semaphore(%arg36 : memref<!tpu.dma_semaphore, #tpu.memory_space<semaphore_mem>>) {add = true}
      %dma_wait3A_377 = arith.constant 0 : i32
      %dma_wait3A_378 = arith.constant 0 : i32
      %dma_wait3A_379 = tpu.memref_slice %arg5[%dma_wait3A_377, %dma_wait3A_378] : memref<10000x128xf32, #tpu.memory_space<vmem_shared>> -> memref<10000x128xf32, #tpu.memory_space<vmem_shared>>
      tpu.wait_indirect_dma semaphore(%arg38 : memref<!tpu.dma_semaphore, #tpu.memory_space<semaphore_mem>>) src(%arg20 : memref<128x128xf32, #tpu.memory_space<vmem>>) dst(%dma_wait3A_379 : memref<10000x128xf32, #tpu.memory_space<vmem_shared>>)
      %add3A_380 = arith.constant 4 : i32
      %add3A_381 = arith.addi %add3A_370, %add3A_380 : i32
      %lt3A_382 = arith.constant 78 : i32
      %lt3A_383 = arith.cmpi slt, %add3A_381, %lt3A_382 : i32
      %convert_element_type3A_384 = arith.extui %lt3A_383 : i1 to i32
      %cond3A_385 = arith.constant 0 : i32
      %cond3A_386 = arith.cmpi ne, %convert_element_type3A_384, %cond3A_385 : i32
      scf.if %cond3A_386 {
        %add3A_399 = arith.constant 4 : i32
        %add3A_400 = arith.addi %add3A_370, %add3A_399 : i32
        %mul3A_401 = arith.constant 9984 : i32
        %mul3A_402 = arith.muli %add3A, %mul3A_401 : i32
        %mul3A_403 = arith.constant 128 : i32
        %mul3A_404 = arith.muli %add3A_400, %mul3A_403 : i32
        %add3A_405 = arith.addi %mul3A_402, %mul3A_404 : i32
        %dma_start3A_406 = tpu.memref_slice %arg3[%add3A_405] : memref<640000xi32, #tpu.memory_space<hbm>> -> memref<128xi32, #tpu.memory_space<hbm>>
        %dma_start3A_407 = tpu.memref_slice %arg3[%add3A_405] : memref<640000xi32, #tpu.memory_space<hbm>> -> memref<128xi32, #tpu.memory_space<hbm>>
        tpu.enqueue_dma source(%dma_start3A_407 : memref<128xi32, #tpu.memory_space<hbm>>) target(%arg10 : memref<128xi32, #tpu.memory_space<vmem>>) target_semaphore(%arg25 : memref<!tpu.dma_semaphore, #tpu.memory_space<semaphore_mem>>)
        %add3A_408 = arith.constant 320000 : i32
        %add3A_409 = arith.addi %add3A_408, %add3A_405 : i32
        %dma_start3A_410 = tpu.memref_slice %arg3[%add3A_409] : memref<640000xi32, #tpu.memory_space<hbm>> -> memref<128xi32, #tpu.memory_space<hbm>>
        %dma_start3A_411 = tpu.memref_slice %arg3[%add3A_409] : memref<640000xi32, #tpu.memory_space<hbm>> -> memref<128xi32, #tpu.memory_space<hbm>>
        tpu.enqueue_dma source(%dma_start3A_411 : memref<128xi32, #tpu.memory_space<hbm>>) target(%arg16 : memref<128xi32, #tpu.memory_space<vmem>>) target_semaphore(%arg31 : memref<!tpu.dma_semaphore, #tpu.memory_space<semaphore_mem>>)
      } else {
      }
      %dma_wait3A_387 = arith.constant 0 : i32
      %dma_wait3A_388 = tpu.memref_slice %arg3[%dma_wait3A_387] : memref<640000xi32, #tpu.memory_space<hbm>> -> memref<128xi32, #tpu.memory_space<hbm>>
      %dma_wait3A_389 = arith.constant 0 : i32
      %dma_wait3A_390 = tpu.memref_slice %arg3[%dma_wait3A_389] : memref<640000xi32, #tpu.memory_space<hbm>> -> memref<128xi32, #tpu.memory_space<hbm>>
      tpu.wait_dma2 semaphore(%arg23 : memref<!tpu.dma_semaphore, #tpu.memory_space<semaphore_mem>>) src(%dma_wait3A_390 : memref<128xi32, #tpu.memory_space<hbm>>) dst(%arg8 : memref<128xi32, #tpu.memory_space<vmem>>)
      %dma_wait3A_391 = arith.constant 0 : i32
      %dma_wait3A_392 = tpu.memref_slice %arg3[%dma_wait3A_391] : memref<640000xi32, #tpu.memory_space<hbm>> -> memref<128xi32, #tpu.memory_space<hbm>>
      %dma_wait3A_393 = arith.constant 0 : i32
      %dma_wait3A_394 = tpu.memref_slice %arg3[%dma_wait3A_393] : memref<640000xi32, #tpu.memory_space<hbm>> -> memref<128xi32, #tpu.memory_space<hbm>>
      tpu.wait_dma2 semaphore(%arg29 : memref<!tpu.dma_semaphore, #tpu.memory_space<semaphore_mem>>) src(%dma_wait3A_394 : memref<128xi32, #tpu.memory_space<hbm>>) dst(%arg14 : memref<128xi32, #tpu.memory_space<vmem>>)
      %dma_start3A_395 = arith.constant 0 : i32
      %dma_start3A_396 = arith.constant 0 : i32
      %dma_start3A_397 = tpu.memref_slice %arg2[%dma_start3A_395, %dma_start3A_396] : memref<10000x128xf32, #tpu.memory_space<hbm>> -> memref<10000x128xf32, #tpu.memory_space<hbm>>
      tpu.enqueue_indirect_dma source(%dma_start3A_397 : memref<10000x128xf32, #tpu.memory_space<hbm>>) target(%arg20 : memref<128x128xf32, #tpu.memory_space<vmem>>) offsets(%arg8 : memref<128xi32, #tpu.memory_space<vmem>>) semaphore(%arg35 : memref<!tpu.dma_semaphore, #tpu.memory_space<semaphore_mem>>)
      %scan3A_398 = arith.constant 0 : i32
      scf.yield %scan3A_398 : i32
    }
    %scan3A_114 = arith.constant 12 : i32
    %dma_wait3A_115 = arith.constant 0 : i32
    %dma_wait3A_116 = arith.constant 0 : i32
    %dma_wait3A_117 = tpu.memref_slice %arg2[%dma_wait3A_115, %dma_wait3A_116] : memref<10000x128xf32, #tpu.memory_space<hbm>> -> memref<10000x128xf32, #tpu.memory_space<hbm>>
    tpu.wait_indirect_dma semaphore(%arg34 : memref<!tpu.dma_semaphore, #tpu.memory_space<semaphore_mem>>) src(%dma_wait3A_117 : memref<10000x128xf32, #tpu.memory_space<hbm>>) dst(%arg19 : memref<128x128xf32, #tpu.memory_space<vmem>>)
    %dma_start3A_118 = arith.constant 0 : i32
    %dma_start3A_119 = arith.constant 0 : i32
    %dma_start3A_120 = tpu.memref_slice %arg5[%dma_start3A_118, %dma_start3A_119] : memref<10000x128xf32, #tpu.memory_space<vmem_shared>> -> memref<10000x128xf32, #tpu.memory_space<vmem_shared>>
    tpu.enqueue_indirect_dma source(%arg19 : memref<128x128xf32, #tpu.memory_space<vmem>>) target(%dma_start3A_120 : memref<10000x128xf32, #tpu.memory_space<vmem_shared>>) offsets(%arg13 : memref<128xi32, #tpu.memory_space<vmem>>) semaphore(%arg37 : memref<!tpu.dma_semaphore, #tpu.memory_space<semaphore_mem>>) {add = true}
    %dma_wait3A_121 = arith.constant 0 : i32
    %dma_wait3A_122 = arith.constant 0 : i32
    %dma_wait3A_123 = tpu.memref_slice %arg5[%dma_wait3A_121, %dma_wait3A_122] : memref<10000x128xf32, #tpu.memory_space<vmem_shared>> -> memref<10000x128xf32, #tpu.memory_space<vmem_shared>>
    tpu.wait_indirect_dma semaphore(%arg36 : memref<!tpu.dma_semaphore, #tpu.memory_space<semaphore_mem>>) src(%arg18 : memref<128x128xf32, #tpu.memory_space<vmem>>) dst(%dma_wait3A_123 : memref<10000x128xf32, #tpu.memory_space<vmem_shared>>)
    %mul3A_124 = arith.constant 9984 : i32
    %mul3A_125 = arith.muli %add3A, %mul3A_124 : i32
    %add3A_126 = arith.constant 9856 : i32
    %add3A_127 = arith.addi %mul3A_125, %add3A_126 : i32
    %dma_start3A_128 = tpu.memref_slice %arg3[%add3A_127] : memref<640000xi32, #tpu.memory_space<hbm>> -> memref<128xi32, #tpu.memory_space<hbm>>
    %dma_start3A_129 = tpu.memref_slice %arg3[%add3A_127] : memref<640000xi32, #tpu.memory_space<hbm>> -> memref<128xi32, #tpu.memory_space<hbm>>
    tpu.enqueue_dma source(%dma_start3A_129 : memref<128xi32, #tpu.memory_space<hbm>>) target(%arg11 : memref<128xi32, #tpu.memory_space<vmem>>) target_semaphore(%arg26 : memref<!tpu.dma_semaphore, #tpu.memory_space<semaphore_mem>>)
    %add3A_130 = arith.constant 320000 : i32
    %add3A_131 = arith.addi %add3A_130, %add3A_127 : i32
    %dma_start3A_132 = tpu.memref_slice %arg3[%add3A_131] : memref<640000xi32, #tpu.memory_space<hbm>> -> memref<128xi32, #tpu.memory_space<hbm>>
    %dma_start3A_133 = tpu.memref_slice %arg3[%add3A_131] : memref<640000xi32, #tpu.memory_space<hbm>> -> memref<128xi32, #tpu.memory_space<hbm>>
    tpu.enqueue_dma source(%dma_start3A_133 : memref<128xi32, #tpu.memory_space<hbm>>) target(%arg17 : memref<128xi32, #tpu.memory_space<vmem>>) target_semaphore(%arg32 : memref<!tpu.dma_semaphore, #tpu.memory_space<semaphore_mem>>)
    %dma_wait3A_134 = arith.constant 0 : i32
    %dma_wait3A_135 = tpu.memref_slice %arg3[%dma_wait3A_134] : memref<640000xi32, #tpu.memory_space<hbm>> -> memref<128xi32, #tpu.memory_space<hbm>>
    %dma_wait3A_136 = arith.constant 0 : i32
    %dma_wait3A_137 = tpu.memref_slice %arg3[%dma_wait3A_136] : memref<640000xi32, #tpu.memory_space<hbm>> -> memref<128xi32, #tpu.memory_space<hbm>>
    tpu.wait_dma2 semaphore(%arg24 : memref<!tpu.dma_semaphore, #tpu.memory_space<semaphore_mem>>) src(%dma_wait3A_137 : memref<128xi32, #tpu.memory_space<hbm>>) dst(%arg9 : memref<128xi32, #tpu.memory_space<vmem>>)
    %dma_wait3A_138 = arith.constant 0 : i32
    %dma_wait3A_139 = tpu.memref_slice %arg3[%dma_wait3A_138] : memref<640000xi32, #tpu.memory_space<hbm>> -> memref<128xi32, #tpu.memory_space<hbm>>
    %dma_wait3A_140 = arith.constant 0 : i32
    %dma_wait3A_141 = tpu.memref_slice %arg3[%dma_wait3A_140] : memref<640000xi32, #tpu.memory_space<hbm>> -> memref<128xi32, #tpu.memory_space<hbm>>
    tpu.wait_dma2 semaphore(%arg30 : memref<!tpu.dma_semaphore, #tpu.memory_space<semaphore_mem>>) src(%dma_wait3A_141 : memref<128xi32, #tpu.memory_space<hbm>>) dst(%arg15 : memref<128xi32, #tpu.memory_space<vmem>>)
    %dma_start3A_142 = arith.constant 0 : i32
    %dma_start3A_143 = arith.constant 0 : i32
    %dma_start3A_144 = tpu.memref_slice %arg2[%dma_start3A_142, %dma_start3A_143] : memref<10000x128xf32, #tpu.memory_space<hbm>> -> memref<10000x128xf32, #tpu.memory_space<hbm>>
    tpu.enqueue_indirect_dma source(%dma_start3A_144 : memref<10000x128xf32, #tpu.memory_space<hbm>>) target(%arg18 : memref<128x128xf32, #tpu.memory_space<vmem>>) offsets(%arg9 : memref<128xi32, #tpu.memory_space<vmem>>) semaphore(%arg33 : memref<!tpu.dma_semaphore, #tpu.memory_space<semaphore_mem>>)
    %dma_wait3A_145 = arith.constant 0 : i32
    %dma_wait3A_146 = arith.constant 0 : i32
    %dma_wait3A_147 = tpu.memref_slice %arg2[%dma_wait3A_145, %dma_wait3A_146] : memref<10000x128xf32, #tpu.memory_space<hbm>> -> memref<10000x128xf32, #tpu.memory_space<hbm>>
    tpu.wait_indirect_dma semaphore(%arg35 : memref<!tpu.dma_semaphore, #tpu.memory_space<semaphore_mem>>) src(%dma_wait3A_147 : memref<10000x128xf32, #tpu.memory_space<hbm>>) dst(%arg20 : memref<128x128xf32, #tpu.memory_space<vmem>>)
    %dma_start3A_148 = arith.constant 0 : i32
    %dma_start3A_149 = arith.constant 0 : i32
    %dma_start3A_150 = tpu.memref_slice %arg5[%dma_start3A_148, %dma_start3A_149] : memref<10000x128xf32, #tpu.memory_space<vmem_shared>> -> memref<10000x128xf32, #tpu.memory_space<vmem_shared>>
    tpu.enqueue_indirect_dma source(%arg20 : memref<128x128xf32, #tpu.memory_space<vmem>>) target(%dma_start3A_150 : memref<10000x128xf32, #tpu.memory_space<vmem_shared>>) offsets(%arg14 : memref<128xi32, #tpu.memory_space<vmem>>) semaphore(%arg38 : memref<!tpu.dma_semaphore, #tpu.memory_space<semaphore_mem>>) {add = true}
    %dma_wait3A_151 = arith.constant 0 : i32
    %dma_wait3A_152 = arith.constant 0 : i32
    %dma_wait3A_153 = tpu.memref_slice %arg5[%dma_wait3A_151, %dma_wait3A_152] : memref<10000x128xf32, #tpu.memory_space<vmem_shared>> -> memref<10000x128xf32, #tpu.memory_space<vmem_shared>>
    tpu.wait_indirect_dma semaphore(%arg37 : memref<!tpu.dma_semaphore, #tpu.memory_space<semaphore_mem>>) src(%arg19 : memref<128x128xf32, #tpu.memory_space<vmem>>) dst(%dma_wait3A_153 : memref<10000x128xf32, #tpu.memory_space<vmem_shared>>)
    %dma_wait3A_154 = arith.constant 0 : i32
    %dma_wait3A_155 = tpu.memref_slice %arg3[%dma_wait3A_154] : memref<640000xi32, #tpu.memory_space<hbm>> -> memref<128xi32, #tpu.memory_space<hbm>>
    %dma_wait3A_156 = arith.constant 0 : i32
    %dma_wait3A_157 = tpu.memref_slice %arg3[%dma_wait3A_156] : memref<640000xi32, #tpu.memory_space<hbm>> -> memref<128xi32, #tpu.memory_space<hbm>>
    tpu.wait_dma2 semaphore(%arg25 : memref<!tpu.dma_semaphore, #tpu.memory_space<semaphore_mem>>) src(%dma_wait3A_157 : memref<128xi32, #tpu.memory_space<hbm>>) dst(%arg10 : memref<128xi32, #tpu.memory_space<vmem>>)
    %dma_wait3A_158 = arith.constant 0 : i32
    %dma_wait3A_159 = tpu.memref_slice %arg3[%dma_wait3A_158] : memref<640000xi32, #tpu.memory_space<hbm>> -> memref<128xi32, #tpu.memory_space<hbm>>
    %dma_wait3A_160 = arith.constant 0 : i32
    %dma_wait3A_161 = tpu.memref_slice %arg3[%dma_wait3A_160] : memref<640000xi32, #tpu.memory_space<hbm>> -> memref<128xi32, #tpu.memory_space<hbm>>
    tpu.wait_dma2 semaphore(%arg31 : memref<!tpu.dma_semaphore, #tpu.memory_space<semaphore_mem>>) src(%dma_wait3A_161 : memref<128xi32, #tpu.memory_space<hbm>>) dst(%arg16 : memref<128xi32, #tpu.memory_space<vmem>>)
    %dma_start3A_162 = arith.constant 0 : i32
    %dma_start3A_163 = arith.constant 0 : i32
    %dma_start3A_164 = tpu.memref_slice %arg2[%dma_start3A_162, %dma_start3A_163] : memref<10000x128xf32, #tpu.memory_space<hbm>> -> memref<10000x128xf32, #tpu.memory_space<hbm>>
    tpu.enqueue_indirect_dma source(%dma_start3A_164 : memref<10000x128xf32, #tpu.memory_space<hbm>>) target(%arg19 : memref<128x128xf32, #tpu.memory_space<vmem>>) offsets(%arg10 : memref<128xi32, #tpu.memory_space<vmem>>) semaphore(%arg34 : memref<!tpu.dma_semaphore, #tpu.memory_space<semaphore_mem>>)
    %dma_wait3A_165 = arith.constant 0 : i32
    %dma_wait3A_166 = arith.constant 0 : i32
    %dma_wait3A_167 = tpu.memref_slice %arg2[%dma_wait3A_165, %dma_wait3A_166] : memref<10000x128xf32, #tpu.memory_space<hbm>> -> memref<10000x128xf32, #tpu.memory_space<hbm>>
    tpu.wait_indirect_dma semaphore(%arg33 : memref<!tpu.dma_semaphore, #tpu.memory_space<semaphore_mem>>) src(%dma_wait3A_167 : memref<10000x128xf32, #tpu.memory_space<hbm>>) dst(%arg18 : memref<128x128xf32, #tpu.memory_space<vmem>>)
    %dma_start3A_168 = arith.constant 0 : i32
    %dma_start3A_169 = arith.constant 0 : i32
    %dma_start3A_170 = tpu.memref_slice %arg5[%dma_start3A_168, %dma_start3A_169] : memref<10000x128xf32, #tpu.memory_space<vmem_shared>> -> memref<10000x128xf32, #tpu.memory_space<vmem_shared>>
    tpu.enqueue_indirect_dma source(%arg18 : memref<128x128xf32, #tpu.memory_space<vmem>>) target(%dma_start3A_170 : memref<10000x128xf32, #tpu.memory_space<vmem_shared>>) offsets(%arg15 : memref<128xi32, #tpu.memory_space<vmem>>) semaphore(%arg36 : memref<!tpu.dma_semaphore, #tpu.memory_space<semaphore_mem>>) {add = true}
    %dma_wait3A_171 = arith.constant 0 : i32
    %dma_wait3A_172 = arith.constant 0 : i32
    %dma_wait3A_173 = tpu.memref_slice %arg5[%dma_wait3A_171, %dma_wait3A_172] : memref<10000x128xf32, #tpu.memory_space<vmem_shared>> -> memref<10000x128xf32, #tpu.memory_space<vmem_shared>>
    tpu.wait_indirect_dma semaphore(%arg38 : memref<!tpu.dma_semaphore, #tpu.memory_space<semaphore_mem>>) src(%arg20 : memref<128x128xf32, #tpu.memory_space<vmem>>) dst(%dma_wait3A_173 : memref<10000x128xf32, #tpu.memory_space<vmem_shared>>)
    %dma_wait3A_174 = arith.constant 0 : i32
    %dma_wait3A_175 = tpu.memref_slice %arg3[%dma_wait3A_174] : memref<640000xi32, #tpu.memory_space<hbm>> -> memref<128xi32, #tpu.memory_space<hbm>>
    %dma_wait3A_176 = arith.constant 0 : i32
    %dma_wait3A_177 = tpu.memref_slice %arg3[%dma_wait3A_176] : memref<640000xi32, #tpu.memory_space<hbm>> -> memref<128xi32, #tpu.memory_space<hbm>>
    tpu.wait_dma2 semaphore(%arg26 : memref<!tpu.dma_semaphore, #tpu.memory_space<semaphore_mem>>) src(%dma_wait3A_177 : memref<128xi32, #tpu.memory_space<hbm>>) dst(%arg11 : memref<128xi32, #tpu.memory_space<vmem>>)
    %dma_wait3A_178 = arith.constant 0 : i32
    %dma_wait3A_179 = tpu.memref_slice %arg3[%dma_wait3A_178] : memref<640000xi32, #tpu.memory_space<hbm>> -> memref<128xi32, #tpu.memory_space<hbm>>
    %dma_wait3A_180 = arith.constant 0 : i32
    %dma_wait3A_181 = tpu.memref_slice %arg3[%dma_wait3A_180] : memref<640000xi32, #tpu.memory_space<hbm>> -> memref<128xi32, #tpu.memory_space<hbm>>
    tpu.wait_dma2 semaphore(%arg32 : memref<!tpu.dma_semaphore, #tpu.memory_space<semaphore_mem>>) src(%dma_wait3A_181 : memref<128xi32, #tpu.memory_space<hbm>>) dst(%arg17 : memref<128xi32, #tpu.memory_space<vmem>>)
    %dma_start3A_182 = arith.constant 0 : i32
    %dma_start3A_183 = arith.constant 0 : i32
    %dma_start3A_184 = tpu.memref_slice %arg2[%dma_start3A_182, %dma_start3A_183] : memref<10000x128xf32, #tpu.memory_space<hbm>> -> memref<10000x128xf32, #tpu.memory_space<hbm>>
    tpu.enqueue_indirect_dma source(%dma_start3A_184 : memref<10000x128xf32, #tpu.memory_space<hbm>>) target(%arg20 : memref<128x128xf32, #tpu.memory_space<vmem>>) offsets(%arg11 : memref<128xi32, #tpu.memory_space<vmem>>) semaphore(%arg35 : memref<!tpu.dma_semaphore, #tpu.memory_space<semaphore_mem>>)
    %dma_wait3A_185 = arith.constant 0 : i32
    %dma_wait3A_186 = arith.constant 0 : i32
    %dma_wait3A_187 = tpu.memref_slice %arg2[%dma_wait3A_185, %dma_wait3A_186] : memref<10000x128xf32, #tpu.memory_space<hbm>> -> memref<10000x128xf32, #tpu.memory_space<hbm>>
    tpu.wait_indirect_dma semaphore(%arg34 : memref<!tpu.dma_semaphore, #tpu.memory_space<semaphore_mem>>) src(%dma_wait3A_187 : memref<10000x128xf32, #tpu.memory_space<hbm>>) dst(%arg19 : memref<128x128xf32, #tpu.memory_space<vmem>>)
    %dma_start3A_188 = arith.constant 0 : i32
    %dma_start3A_189 = arith.constant 0 : i32
    %dma_start3A_190 = tpu.memref_slice %arg5[%dma_start3A_188, %dma_start3A_189] : memref<10000x128xf32, #tpu.memory_space<vmem_shared>> -> memref<10000x128xf32, #tpu.memory_space<vmem_shared>>
    tpu.enqueue_indirect_dma source(%arg19 : memref<128x128xf32, #tpu.memory_space<vmem>>) target(%dma_start3A_190 : memref<10000x128xf32, #tpu.memory_space<vmem_shared>>) offsets(%arg16 : memref<128xi32, #tpu.memory_space<vmem>>) semaphore(%arg37 : memref<!tpu.dma_semaphore, #tpu.memory_space<semaphore_mem>>) {add = true}
    %dma_wait3A_191 = arith.constant 0 : i32
    %dma_wait3A_192 = arith.constant 0 : i32
    %dma_wait3A_193 = tpu.memref_slice %arg5[%dma_wait3A_191, %dma_wait3A_192] : memref<10000x128xf32, #tpu.memory_space<vmem_shared>> -> memref<10000x128xf32, #tpu.memory_space<vmem_shared>>
    tpu.wait_indirect_dma semaphore(%arg36 : memref<!tpu.dma_semaphore, #tpu.memory_space<semaphore_mem>>) src(%arg18 : memref<128x128xf32, #tpu.memory_space<vmem>>) dst(%dma_wait3A_193 : memref<10000x128xf32, #tpu.memory_space<vmem_shared>>)
    %dma_wait3A_194 = arith.constant 0 : i32
    %dma_wait3A_195 = arith.constant 0 : i32
    %dma_wait3A_196 = tpu.memref_slice %arg2[%dma_wait3A_194, %dma_wait3A_195] : memref<10000x128xf32, #tpu.memory_space<hbm>> -> memref<10000x128xf32, #tpu.memory_space<hbm>>
    tpu.wait_indirect_dma semaphore(%arg35 : memref<!tpu.dma_semaphore, #tpu.memory_space<semaphore_mem>>) src(%dma_wait3A_196 : memref<10000x128xf32, #tpu.memory_space<hbm>>) dst(%arg20 : memref<128x128xf32, #tpu.memory_space<vmem>>)
    %dma_start3A_197 = arith.constant 0 : i32
    %dma_start3A_198 = arith.constant 0 : i32
    %dma_start3A_199 = tpu.memref_slice %arg5[%dma_start3A_197, %dma_start3A_198] : memref<10000x128xf32, #tpu.memory_space<vmem_shared>> -> memref<10000x128xf32, #tpu.memory_space<vmem_shared>>
    tpu.enqueue_indirect_dma source(%arg20 : memref<128x128xf32, #tpu.memory_space<vmem>>) target(%dma_start3A_199 : memref<10000x128xf32, #tpu.memory_space<vmem_shared>>) offsets(%arg17 : memref<128xi32, #tpu.memory_space<vmem>>) semaphore(%arg38 : memref<!tpu.dma_semaphore, #tpu.memory_space<semaphore_mem>>) {add = true}
    %dma_wait3A_200 = arith.constant 0 : i32
    %dma_wait3A_201 = arith.constant 0 : i32
    %dma_wait3A_202 = tpu.memref_slice %arg5[%dma_wait3A_200, %dma_wait3A_201] : memref<10000x128xf32, #tpu.memory_space<vmem_shared>> -> memref<10000x128xf32, #tpu.memory_space<vmem_shared>>
    tpu.wait_indirect_dma semaphore(%arg37 : memref<!tpu.dma_semaphore, #tpu.memory_space<semaphore_mem>>) src(%arg19 : memref<128x128xf32, #tpu.memory_space<vmem>>) dst(%dma_wait3A_202 : memref<10000x128xf32, #tpu.memory_space<vmem_shared>>)
    %dma_wait3A_203 = arith.constant 0 : i32
    %dma_wait3A_204 = arith.constant 0 : i32
    %dma_wait3A_205 = tpu.memref_slice %arg5[%dma_wait3A_203, %dma_wait3A_204] : memref<10000x128xf32, #tpu.memory_space<vmem_shared>> -> memref<10000x128xf32, #tpu.memory_space<vmem_shared>>
    tpu.wait_indirect_dma semaphore(%arg38 : memref<!tpu.dma_semaphore, #tpu.memory_space<semaphore_mem>>) src(%arg20 : memref<128x128xf32, #tpu.memory_space<vmem>>) dst(%dma_wait3A_205 : memref<10000x128xf32, #tpu.memory_space<vmem_shared>>)
    %lt3A = arith.constant 4 : i32
    %lt3A_206 = arith.cmpi slt, %add3A, %lt3A : i32
    %convert_element_type3A_207 = arith.extui %lt3A_206 : i1 to i32
    %cond3A_208 = arith.constant 0 : i32
    %cond3A_209 = arith.cmpi ne, %convert_element_type3A_207, %cond3A_208 : i32
    scf.if %cond3A_209 {
      %add3A_218 = arith.constant 2496 : i32
      %add3A_219 = arith.addi %add3A_218, %add3A : i32
      %mul3A_220 = arith.constant 128 : i32
      %mul3A_221 = arith.muli %add3A_219, %mul3A_220 : i32
      "tpu.region"() ({
        %run_scoped3A = tpu.sem_alloc : memref<!tpu.dma_semaphore, #tpu.memory_space<semaphore_mem>>
        %dma_start3A_236 = tpu.memref_slice %arg3[%mul3A_221] : memref<640000xi32, #tpu.memory_space<hbm>> -> memref<128xi32, #tpu.memory_space<hbm>>
        %dma_start3A_237 = tpu.memref_slice %arg3[%mul3A_221] : memref<640000xi32, #tpu.memory_space<hbm>> -> memref<128xi32, #tpu.memory_space<hbm>>
        tpu.enqueue_dma source(%dma_start3A_237 : memref<128xi32, #tpu.memory_space<hbm>>) target(%arg6 : memref<128xi32, #tpu.memory_space<vmem>>) target_semaphore(%run_scoped3A : memref<!tpu.dma_semaphore, #tpu.memory_space<semaphore_mem>>)
        %dma_wait3A_238 = tpu.memref_slice %arg3[%mul3A_221] : memref<640000xi32, #tpu.memory_space<hbm>> -> memref<128xi32, #tpu.memory_space<hbm>>
        %dma_wait3A_239 = tpu.memref_slice %arg3[%mul3A_221] : memref<640000xi32, #tpu.memory_space<hbm>> -> memref<128xi32, #tpu.memory_space<hbm>>
        tpu.wait_dma2 semaphore(%run_scoped3A : memref<!tpu.dma_semaphore, #tpu.memory_space<semaphore_mem>>) src(%dma_wait3A_239 : memref<128xi32, #tpu.memory_space<hbm>>) dst(%arg6 : memref<128xi32, #tpu.memory_space<vmem>>)
        tpu.yield
      }) : () -> ()
      %add3A_222 = arith.constant 320000 : i32
      %add3A_223 = arith.addi %add3A_222, %mul3A_221 : i32
      "tpu.region"() ({
        %run_scoped3A = tpu.sem_alloc : memref<!tpu.dma_semaphore, #tpu.memory_space<semaphore_mem>>
        %dma_start3A_236 = tpu.memref_slice %arg3[%add3A_223] : memref<640000xi32, #tpu.memory_space<hbm>> -> memref<128xi32, #tpu.memory_space<hbm>>
        %dma_start3A_237 = tpu.memref_slice %arg3[%add3A_223] : memref<640000xi32, #tpu.memory_space<hbm>> -> memref<128xi32, #tpu.memory_space<hbm>>
        tpu.enqueue_dma source(%dma_start3A_237 : memref<128xi32, #tpu.memory_space<hbm>>) target(%arg12 : memref<128xi32, #tpu.memory_space<vmem>>) target_semaphore(%run_scoped3A : memref<!tpu.dma_semaphore, #tpu.memory_space<semaphore_mem>>)
        %dma_wait3A_238 = tpu.memref_slice %arg3[%add3A_223] : memref<640000xi32, #tpu.memory_space<hbm>> -> memref<128xi32, #tpu.memory_space<hbm>>
        %dma_wait3A_239 = tpu.memref_slice %arg3[%add3A_223] : memref<640000xi32, #tpu.memory_space<hbm>> -> memref<128xi32, #tpu.memory_space<hbm>>
        tpu.wait_dma2 semaphore(%run_scoped3A : memref<!tpu.dma_semaphore, #tpu.memory_space<semaphore_mem>>) src(%dma_wait3A_239 : memref<128xi32, #tpu.memory_space<hbm>>) dst(%arg12 : memref<128xi32, #tpu.memory_space<vmem>>)
        tpu.yield
      }) : () -> ()
      %dma_start3A_224 = arith.constant 0 : i32
      %dma_start3A_225 = arith.constant 0 : i32
      %dma_start3A_226 = tpu.memref_slice %arg2[%dma_start3A_224, %dma_start3A_225] : memref<10000x128xf32, #tpu.memory_space<hbm>> -> memref<10000x128xf32, #tpu.memory_space<hbm>>
      tpu.enqueue_indirect_dma source(%dma_start3A_226 : memref<10000x128xf32, #tpu.memory_space<hbm>>) target(%arg18 : memref<128x128xf32, #tpu.memory_space<vmem>>) offsets(%arg6 : memref<128xi32, #tpu.memory_space<vmem>>) semaphore(%arg33 : memref<!tpu.dma_semaphore, #tpu.memory_space<semaphore_mem>>)
      %dma_wait3A_227 = arith.constant 0 : i32
      %dma_wait3A_228 = arith.constant 0 : i32
      %dma_wait3A_229 = tpu.memref_slice %arg2[%dma_wait3A_227, %dma_wait3A_228] : memref<10000x128xf32, #tpu.memory_space<hbm>> -> memref<10000x128xf32, #tpu.memory_space<hbm>>
      tpu.wait_indirect_dma semaphore(%arg33 : memref<!tpu.dma_semaphore, #tpu.memory_space<semaphore_mem>>) src(%dma_wait3A_229 : memref<10000x128xf32, #tpu.memory_space<hbm>>) dst(%arg18 : memref<128x128xf32, #tpu.memory_space<vmem>>)
      %dma_start3A_230 = arith.constant 0 : i32
      %dma_start3A_231 = arith.constant 0 : i32
      %dma_start3A_232 = tpu.memref_slice %arg5[%dma_start3A_230, %dma_start3A_231] : memref<10000x128xf32, #tpu.memory_space<vmem_shared>> -> memref<10000x128xf32, #tpu.memory_space<vmem_shared>>
      tpu.enqueue_indirect_dma source(%arg18 : memref<128x128xf32, #tpu.memory_space<vmem>>) target(%dma_start3A_232 : memref<10000x128xf32, #tpu.memory_space<vmem_shared>>) offsets(%arg12 : memref<128xi32, #tpu.memory_space<vmem>>) semaphore(%arg36 : memref<!tpu.dma_semaphore, #tpu.memory_space<semaphore_mem>>) {add = true}
      %dma_wait3A_233 = arith.constant 0 : i32
      %dma_wait3A_234 = arith.constant 0 : i32
      %dma_wait3A_235 = tpu.memref_slice %arg5[%dma_wait3A_233, %dma_wait3A_234] : memref<10000x128xf32, #tpu.memory_space<vmem_shared>> -> memref<10000x128xf32, #tpu.memory_space<vmem_shared>>
      tpu.wait_indirect_dma semaphore(%arg36 : memref<!tpu.dma_semaphore, #tpu.memory_space<semaphore_mem>>) src(%arg18 : memref<128x128xf32, #tpu.memory_space<vmem>>) dst(%dma_wait3A_235 : memref<10000x128xf32, #tpu.memory_space<vmem_shared>>)
    } else {
    }
    %barrier3A_210 = arith.constant 0 : index
    tpu.barrier barrier_id(%barrier3A_210)
    %mul3A_211 = arith.constant 624 : i32
    %mul3A_212 = arith.muli %arg1, %mul3A_211 : i32
    "tpu.region"() ({
      %run_scoped3A = tpu.sem_alloc : memref<!tpu.dma_semaphore, #tpu.memory_space<semaphore_mem>>
      %dma_start3A_218 = arith.constant 0 : i32
      %dma_start3A_219 = tpu.memref_slice %arg4[%arg0, %mul3A_212, %dma_start3A_218] : memref<2x10000x128xf32, #tpu.memory_space<hbm>> -> memref<1x624x128xf32, #tpu.memory_space<hbm>>
      %dma_start3A_220 = tpu.memref_squeeze %dma_start3A_219 : memref<1x624x128xf32, #tpu.memory_space<hbm>> -> memref<624x128xf32, #tpu.memory_space<hbm>>
      %dma_start3A_221 = arith.constant 0 : i32
      %dma_start3A_222 = tpu.memref_slice %arg5[%mul3A_212, %dma_start3A_221] : memref<10000x128xf32, #tpu.memory_space<vmem_shared>> -> memref<624x128xf32, #tpu.memory_space<vmem_shared>>
      tpu.enqueue_dma source(%dma_start3A_222 : memref<624x128xf32, #tpu.memory_space<vmem_shared>>) target(%dma_start3A_220 : memref<624x128xf32, #tpu.memory_space<hbm>>) target_semaphore(%run_scoped3A : memref<!tpu.dma_semaphore, #tpu.memory_space<semaphore_mem>>)
      %dma_wait3A_223 = arith.constant 0 : i32
      %dma_wait3A_224 = tpu.memref_slice %arg4[%arg0, %mul3A_212, %dma_wait3A_223] : memref<2x10000x128xf32, #tpu.memory_space<hbm>> -> memref<1x624x128xf32, #tpu.memory_space<hbm>>
      %dma_wait3A_225 = tpu.memref_squeeze %dma_wait3A_224 : memref<1x624x128xf32, #tpu.memory_space<hbm>> -> memref<624x128xf32, #tpu.memory_space<hbm>>
      %dma_wait3A_226 = arith.constant 0 : i32
      %dma_wait3A_227 = tpu.memref_slice %arg5[%mul3A_212, %dma_wait3A_226] : memref<10000x128xf32, #tpu.memory_space<vmem_shared>> -> memref<624x128xf32, #tpu.memory_space<vmem_shared>>
      tpu.wait_dma2 semaphore(%run_scoped3A : memref<!tpu.dma_semaphore, #tpu.memory_space<semaphore_mem>>) src(%dma_wait3A_227 : memref<624x128xf32, #tpu.memory_space<vmem_shared>>) dst(%dma_wait3A_225 : memref<624x128xf32, #tpu.memory_space<hbm>>)
      tpu.yield
    }) : () -> ()
    %eq3A_213 = arith.constant 15 : i32
    %eq3A_214 = arith.cmpi eq, %arg1, %eq3A_213 : i32
    %convert_element_type3A_215 = arith.extui %eq3A_214 : i1 to i32
    %cond3A_216 = arith.constant 0 : i32
    %cond3A_217 = arith.cmpi ne, %convert_element_type3A_215, %cond3A_216 : i32
    scf.if %cond3A_217 {
      "tpu.region"() ({
        %run_scoped3A = tpu.sem_alloc : memref<!tpu.dma_semaphore, #tpu.memory_space<semaphore_mem>>
        %dma_start3A_218 = arith.constant 9984 : i32
        %dma_start3A_219 = arith.constant 0 : i32
        %dma_start3A_220 = tpu.memref_slice %arg4[%arg0, %dma_start3A_218, %dma_start3A_219] : memref<2x10000x128xf32, #tpu.memory_space<hbm>> -> memref<1x16x128xf32, #tpu.memory_space<hbm>>
        %dma_start3A_221 = tpu.memref_squeeze %dma_start3A_220 : memref<1x16x128xf32, #tpu.memory_space<hbm>> -> memref<16x128xf32, #tpu.memory_space<hbm>>
        %dma_start3A_222 = arith.constant 9984 : i32
        %dma_start3A_223 = arith.constant 0 : i32
        %dma_start3A_224 = tpu.memref_slice %arg5[%dma_start3A_222, %dma_start3A_223] : memref<10000x128xf32, #tpu.memory_space<vmem_shared>> -> memref<16x128xf32, #tpu.memory_space<vmem_shared>>
        tpu.enqueue_dma source(%dma_start3A_224 : memref<16x128xf32, #tpu.memory_space<vmem_shared>>) target(%dma_start3A_221 : memref<16x128xf32, #tpu.memory_space<hbm>>) target_semaphore(%run_scoped3A : memref<!tpu.dma_semaphore, #tpu.memory_space<semaphore_mem>>)
        %dma_wait3A_225 = arith.constant 9984 : i32
        %dma_wait3A_226 = arith.constant 0 : i32
        %dma_wait3A_227 = tpu.memref_slice %arg4[%arg0, %dma_wait3A_225, %dma_wait3A_226] : memref<2x10000x128xf32, #tpu.memory_space<hbm>> -> memref<1x16x128xf32, #tpu.memory_space<hbm>>
        %dma_wait3A_228 = tpu.memref_squeeze %dma_wait3A_227 : memref<1x16x128xf32, #tpu.memory_space<hbm>> -> memref<16x128xf32, #tpu.memory_space<hbm>>
        %dma_wait3A_229 = arith.constant 9984 : i32
        %dma_wait3A_230 = arith.constant 0 : i32
        %dma_wait3A_231 = tpu.memref_slice %arg5[%dma_wait3A_229, %dma_wait3A_230] : memref<10000x128xf32, #tpu.memory_space<vmem_shared>> -> memref<16x128xf32, #tpu.memory_space<vmem_shared>>
        tpu.wait_dma2 semaphore(%run_scoped3A : memref<!tpu.dma_semaphore, #tpu.memory_space<semaphore_mem>>) src(%dma_wait3A_231 : memref<16x128xf32, #tpu.memory_space<vmem_shared>>) dst(%dma_wait3A_228 : memref<16x128xf32, #tpu.memory_space<hbm>>)
        tpu.yield
      }) : () -> ()
    } else {
    }
    return
  }
}

#map = affine_map<(d0, d1) -> (0)>
module attributes {stable_mosaic.version = 14 : i64} {
  func.func @_degree_kernel(%arg0: i32, %arg1: i32, %arg2: memref<640000xi32, #tpu.memory_space<hbm>>, %arg3: memref<40960xf32, #tpu.memory_space<hbm>>, %arg4: memref<10240xf32, #tpu.memory_space<vmem_shared>>, %arg5: memref<10240xf32, #tpu.memory_space<vmem_shared>>, %arg6: memref<9984xi32, #tpu.memory_space<vmem>>, %arg7: memref<9984xi32, #tpu.memory_space<vmem>>, %arg8: memref<78x128xi32, #tpu.memory_space<vmem>>, %arg9: memref<78x128xi32, #tpu.memory_space<vmem>>, %arg10: memref<128xi32, #tpu.memory_space<vmem>>, %arg11: memref<128xi32, #tpu.memory_space<vmem>>, %arg12: memref<128xf32, #tpu.memory_space<vmem>>, %arg13: memref<640xf32, #tpu.memory_space<vmem>>, %arg14: memref<!tpu.dma_semaphore, #tpu.memory_space<semaphore_mem>>) attributes {dimension_semantics = [#tpu.dimension_semantics<core_parallel>, #tpu.dimension_semantics<subcore_parallel>], iteration_bounds = array<i64: 2, 16>, scalar_prefetch = 0 : i64, scratch_operands = 11 : i64, tpu.core_type = #tpu.core_type<sc_vector_subcore>, window_params = [{transform_indices = #map}, {transform_indices = #map}]} {
    %mul3A = arith.constant 2 : i32
    %mul3A_0 = arith.muli %arg1, %mul3A : i32
    %add3A = arith.addi %mul3A_0, %arg0 : i32
    %mul3A_1 = arith.constant 9984 : i32
    %mul3A_2 = arith.muli %add3A, %mul3A_1 : i32
    "tpu.region"() ({
      %run_scoped3A = tpu.sem_alloc : memref<!tpu.dma_semaphore, #tpu.memory_space<semaphore_mem>>
      %dma_start3A = tpu.memref_slice %arg2[%mul3A_2] : memref<640000xi32, #tpu.memory_space<hbm>> -> memref<9984xi32, #tpu.memory_space<hbm>>
      %dma_start3A_350 = tpu.memref_slice %arg2[%mul3A_2] : memref<640000xi32, #tpu.memory_space<hbm>> -> memref<9984xi32, #tpu.memory_space<hbm>>
      tpu.enqueue_dma source(%dma_start3A_350 : memref<9984xi32, #tpu.memory_space<hbm>>) target(%arg6 : memref<9984xi32, #tpu.memory_space<vmem>>) target_semaphore(%run_scoped3A : memref<!tpu.dma_semaphore, #tpu.memory_space<semaphore_mem>>)
      %dma_wait3A = tpu.memref_slice %arg2[%mul3A_2] : memref<640000xi32, #tpu.memory_space<hbm>> -> memref<9984xi32, #tpu.memory_space<hbm>>
      %dma_wait3A_351 = tpu.memref_slice %arg2[%mul3A_2] : memref<640000xi32, #tpu.memory_space<hbm>> -> memref<9984xi32, #tpu.memory_space<hbm>>
      tpu.wait_dma2 semaphore(%run_scoped3A : memref<!tpu.dma_semaphore, #tpu.memory_space<semaphore_mem>>) src(%dma_wait3A_351 : memref<9984xi32, #tpu.memory_space<hbm>>) dst(%arg6 : memref<9984xi32, #tpu.memory_space<vmem>>)
      tpu.yield
    }) : () -> ()
    %mul3A_3 = arith.constant 9984 : i32
    %mul3A_4 = arith.muli %add3A, %mul3A_3 : i32
    %add3A_5 = arith.constant 320000 : i32
    %add3A_6 = arith.addi %add3A_5, %mul3A_4 : i32
    "tpu.region"() ({
      %run_scoped3A = tpu.sem_alloc : memref<!tpu.dma_semaphore, #tpu.memory_space<semaphore_mem>>
      %dma_start3A = tpu.memref_slice %arg2[%add3A_6] : memref<640000xi32, #tpu.memory_space<hbm>> -> memref<9984xi32, #tpu.memory_space<hbm>>
      %dma_start3A_350 = tpu.memref_slice %arg2[%add3A_6] : memref<640000xi32, #tpu.memory_space<hbm>> -> memref<9984xi32, #tpu.memory_space<hbm>>
      tpu.enqueue_dma source(%dma_start3A_350 : memref<9984xi32, #tpu.memory_space<hbm>>) target(%arg7 : memref<9984xi32, #tpu.memory_space<vmem>>) target_semaphore(%run_scoped3A : memref<!tpu.dma_semaphore, #tpu.memory_space<semaphore_mem>>)
      %dma_wait3A = tpu.memref_slice %arg2[%add3A_6] : memref<640000xi32, #tpu.memory_space<hbm>> -> memref<9984xi32, #tpu.memory_space<hbm>>
      %dma_wait3A_351 = tpu.memref_slice %arg2[%add3A_6] : memref<640000xi32, #tpu.memory_space<hbm>> -> memref<9984xi32, #tpu.memory_space<hbm>>
      tpu.wait_dma2 semaphore(%run_scoped3A : memref<!tpu.dma_semaphore, #tpu.memory_space<semaphore_mem>>) src(%dma_wait3A_351 : memref<9984xi32, #tpu.memory_space<hbm>>) dst(%arg7 : memref<9984xi32, #tpu.memory_space<vmem>>)
      tpu.yield
    }) : () -> ()
    %lt3A = arith.constant 4 : i32
    %lt3A_7 = arith.cmpi slt, %add3A, %lt3A : i32
    %convert_element_type3A = arith.extui %lt3A_7 : i1 to i32
    %cond3A = arith.constant 0 : i32
    %cond3A_8 = arith.cmpi ne, %convert_element_type3A, %cond3A : i32
    scf.if %cond3A_8 {
      %add3A_350 = arith.constant 2496 : i32
      %add3A_351 = arith.addi %add3A_350, %add3A : i32
      %mul3A_352 = arith.constant 128 : i32
      %mul3A_353 = arith.muli %add3A_351, %mul3A_352 : i32
      "tpu.region"() ({
        %run_scoped3A = tpu.sem_alloc : memref<!tpu.dma_semaphore, #tpu.memory_space<semaphore_mem>>
        %dma_start3A = tpu.memref_slice %arg2[%mul3A_353] : memref<640000xi32, #tpu.memory_space<hbm>> -> memref<128xi32, #tpu.memory_space<hbm>>
        %dma_start3A_356 = tpu.memref_slice %arg2[%mul3A_353] : memref<640000xi32, #tpu.memory_space<hbm>> -> memref<128xi32, #tpu.memory_space<hbm>>
        tpu.enqueue_dma source(%dma_start3A_356 : memref<128xi32, #tpu.memory_space<hbm>>) target(%arg10 : memref<128xi32, #tpu.memory_space<vmem>>) target_semaphore(%run_scoped3A : memref<!tpu.dma_semaphore, #tpu.memory_space<semaphore_mem>>)
        %dma_wait3A = tpu.memref_slice %arg2[%mul3A_353] : memref<640000xi32, #tpu.memory_space<hbm>> -> memref<128xi32, #tpu.memory_space<hbm>>
        %dma_wait3A_357 = tpu.memref_slice %arg2[%mul3A_353] : memref<640000xi32, #tpu.memory_space<hbm>> -> memref<128xi32, #tpu.memory_space<hbm>>
        tpu.wait_dma2 semaphore(%run_scoped3A : memref<!tpu.dma_semaphore, #tpu.memory_space<semaphore_mem>>) src(%dma_wait3A_357 : memref<128xi32, #tpu.memory_space<hbm>>) dst(%arg10 : memref<128xi32, #tpu.memory_space<vmem>>)
        tpu.yield
      }) : () -> ()
      %add3A_354 = arith.constant 320000 : i32
      %add3A_355 = arith.addi %add3A_354, %mul3A_353 : i32
      "tpu.region"() ({
        %run_scoped3A = tpu.sem_alloc : memref<!tpu.dma_semaphore, #tpu.memory_space<semaphore_mem>>
        %dma_start3A = tpu.memref_slice %arg2[%add3A_355] : memref<640000xi32, #tpu.memory_space<hbm>> -> memref<128xi32, #tpu.memory_space<hbm>>
        %dma_start3A_356 = tpu.memref_slice %arg2[%add3A_355] : memref<640000xi32, #tpu.memory_space<hbm>> -> memref<128xi32, #tpu.memory_space<hbm>>
        tpu.enqueue_dma source(%dma_start3A_356 : memref<128xi32, #tpu.memory_space<hbm>>) target(%arg11 : memref<128xi32, #tpu.memory_space<vmem>>) target_semaphore(%run_scoped3A : memref<!tpu.dma_semaphore, #tpu.memory_space<semaphore_mem>>)
        %dma_wait3A = tpu.memref_slice %arg2[%add3A_355] : memref<640000xi32, #tpu.memory_space<hbm>> -> memref<128xi32, #tpu.memory_space<hbm>>
        %dma_wait3A_357 = tpu.memref_slice %arg2[%add3A_355] : memref<640000xi32, #tpu.memory_space<hbm>> -> memref<128xi32, #tpu.memory_space<hbm>>
        tpu.wait_dma2 semaphore(%run_scoped3A : memref<!tpu.dma_semaphore, #tpu.memory_space<semaphore_mem>>) src(%dma_wait3A_357 : memref<128xi32, #tpu.memory_space<hbm>>) dst(%arg11 : memref<128xi32, #tpu.memory_space<vmem>>)
        tpu.yield
      }) : () -> ()
    } else {
    }
    %scan3A = arith.constant 0 : i32
    %scan3A_9 = arith.constant 0 : i32
    %scan3A_10 = arith.constant 624 : i32
    %scan3A_11 = arith.addi %scan3A_9, %scan3A_10 : i32
    %scan3A_12 = arith.constant 1 : i32
    %scan3A_13 = scf.for %scan3A_350 = %scan3A_9 to %scan3A_11 step %scan3A_12 iter_args(%scan3A_351 = %scan3A) -> (i32)  : i32 {
      %jit3A = arith.constant 8 : i32
      %div3A = arith.divsi %scan3A_350, %jit3A : i32
      %sign3A = arith.constant 0 : i32
      %sign3A_352 = arith.cmpi sgt, %scan3A_350, %sign3A : i32
      %sign3A_353 = arith.extui %sign3A_352 : i1 to i32
      %sign3A_354 = arith.constant 0 : i32
      %sign3A_355 = arith.cmpi slt, %scan3A_350, %sign3A_354 : i32
      %sign3A_356 = arith.extui %sign3A_355 : i1 to i32
      %sign3A_357 = arith.subi %sign3A_353, %sign3A_356 : i32
      %sign3A_358 = arith.constant 0 : i32
      %sign3A_359 = arith.cmpi sgt, %jit3A, %sign3A_358 : i32
      %sign3A_360 = arith.extui %sign3A_359 : i1 to i32
      %sign3A_361 = arith.constant 0 : i32
      %sign3A_362 = arith.cmpi slt, %jit3A, %sign3A_361 : i32
      %sign3A_363 = arith.extui %sign3A_362 : i1 to i32
      %sign3A_364 = arith.subi %sign3A_360, %sign3A_363 : i32
      %ne3A = arith.cmpi ne, %sign3A_357, %sign3A_364 : i32
      %rem3A = arith.remsi %scan3A_350, %jit3A : i32
      %ne3A_365 = arith.constant 0 : i32
      %ne3A_366 = arith.cmpi ne, %rem3A, %ne3A_365 : i32
      %and3A = arith.andi %ne3A, %ne3A_366 : i1
      %sub3A = arith.constant 1 : i32
      %sub3A_367 = arith.subi %div3A, %sub3A : i32
      %select_n3A = arith.select %and3A, %sub3A_367, %div3A : i32
      %jit3A_368 = arith.constant 8 : i32
      %eq3A = arith.constant 0 : i32
      %eq3A_369 = arith.cmpi eq, %jit3A_368, %eq3A : i32
      %jit3A_370 = arith.constant 1 : i32
      %select_n3A_371 = arith.select %eq3A_369, %jit3A_370, %jit3A_368 : i32
      %rem3A_372 = arith.remsi %scan3A_350, %select_n3A_371 : i32
      %ne3A_373 = arith.constant 0 : i32
      %ne3A_374 = arith.cmpi ne, %rem3A_372, %ne3A_373 : i32
      %lt3A_375 = arith.constant 0 : i32
      %lt3A_376 = arith.cmpi slt, %rem3A_372, %lt3A_375 : i32
      %lt3A_377 = arith.constant 0 : i32
      %lt3A_378 = arith.cmpi slt, %select_n3A_371, %lt3A_377 : i32
      %ne3A_379 = arith.xori %lt3A_376, %lt3A_378 : i1
      %and3A_380 = arith.andi %ne3A_379, %ne3A_374 : i1
      %add3A_381 = arith.addi %rem3A_372, %select_n3A_371 : i32
      %select_n3A_382 = arith.select %and3A_380, %add3A_381, %rem3A_372 : i32
      %mul3A_383 = arith.constant 16 : i32
      %mul3A_384 = arith.muli %scan3A_350, %mul3A_383 : i32
      %get3A = arith.index_cast %mul3A_384 : i32 to index
      %get3A_385 = tpu.vector_load %arg6[%get3A] {strides = array<i32>} : memref<9984xi32, #tpu.memory_space<vmem>>, vector<16xi32>,
      %get3A_386 = vector.shape_cast %get3A_385 : vector<16xi32> to vector<16xi32>
      %mul3A_387 = arith.constant 16 : i32
      %mul3A_388 = arith.muli %select_n3A_382, %mul3A_387 : i32
      %swap3A_389 = arith.index_cast %select_n3A : i32 to index
      %swap3A_390 = arith.index_cast %mul3A_388 : i32 to index
      %swap3A_391 = tpu.vector_load %arg8[%swap3A_389, %swap3A_390] {strides = array<i32>} : memref<78x128xi32, #tpu.memory_space<vmem>>, vector<1x16xi32>,
      %swap3A_392 = vector.shape_cast %swap3A_391 : vector<1x16xi32> to vector<16xi32>
      %swap3A_393 = vector.shape_cast %get3A_386 : vector<16xi32> to vector<1x16xi32>
      tpu.vector_store %arg8[%swap3A_389, %swap3A_390], %swap3A_393 {strides = array<i32>} : memref<78x128xi32, #tpu.memory_space<vmem>>, vector<1x16xi32>,
      %get3A_394 = arith.index_cast %mul3A_384 : i32 to index
      %get3A_395 = tpu.vector_load %arg7[%get3A_394] {strides = array<i32>} : memref<9984xi32, #tpu.memory_space<vmem>>, vector<16xi32>,
      %get3A_396 = vector.shape_cast %get3A_395 : vector<16xi32> to vector<16xi32>
      %mul3A_397 = arith.constant 16 : i32
      %mul3A_398 = arith.muli %select_n3A_382, %mul3A_397 : i32
      %swap3A_399 = arith.index_cast %select_n3A : i32 to index
      %swap3A_400 = arith.index_cast %mul3A_398 : i32 to index
      %swap3A_401 = tpu.vector_load %arg9[%swap3A_399, %swap3A_400] {strides = array<i32>} : memref<78x128xi32, #tpu.memory_space<vmem>>, vector<1x16xi32>,
      %swap3A_402 = vector.shape_cast %swap3A_401 : vector<1x16xi32> to vector<16xi32>
      %swap3A_403 = vector.shape_cast %get3A_396 : vector<16xi32> to vector<1x16xi32>
      tpu.vector_store %arg9[%swap3A_399, %swap3A_400], %swap3A_403 {strides = array<i32>} : memref<78x128xi32, #tpu.memory_space<vmem>>, vector<1x16xi32>,
      %scan3A_404 = arith.constant 0 : i32
      scf.yield %scan3A_404 : i32
    }
    %scan3A_14 = arith.constant 624 : i32
    %broadcast_in_dim3A = arith.constant 1.000000e+00 : f32
    %broadcast_in_dim3A_15 = vector.broadcast %broadcast_in_dim3A : f32 to vector<16xf32>
    %swap3A = arith.constant 0 : index
    %swap3A_16 = tpu.vector_load %arg12[%swap3A] {strides = array<i32>} : memref<128xf32, #tpu.memory_space<vmem>>, vector<16xf32>,
    %swap3A_17 = vector.shape_cast %swap3A_16 : vector<16xf32> to vector<16xf32>
    %swap3A_18 = vector.shape_cast %broadcast_in_dim3A_15 : vector<16xf32> to vector<16xf32>
    tpu.vector_store %arg12[%swap3A], %swap3A_18 {strides = array<i32>} : memref<128xf32, #tpu.memory_space<vmem>>, vector<16xf32>,
    %broadcast_in_dim3A_19 = arith.constant 1.000000e+00 : f32
    %broadcast_in_dim3A_20 = vector.broadcast %broadcast_in_dim3A_19 : f32 to vector<16xf32>
    %swap3A_21 = arith.constant 16 : index
    %swap3A_22 = tpu.vector_load %arg12[%swap3A_21] {strides = array<i32>} : memref<128xf32, #tpu.memory_space<vmem>>, vector<16xf32>,
    %swap3A_23 = vector.shape_cast %swap3A_22 : vector<16xf32> to vector<16xf32>
    %swap3A_24 = vector.shape_cast %broadcast_in_dim3A_20 : vector<16xf32> to vector<16xf32>
    tpu.vector_store %arg12[%swap3A_21], %swap3A_24 {strides = array<i32>} : memref<128xf32, #tpu.memory_space<vmem>>, vector<16xf32>,
    %broadcast_in_dim3A_25 = arith.constant 1.000000e+00 : f32
    %broadcast_in_dim3A_26 = vector.broadcast %broadcast_in_dim3A_25 : f32 to vector<16xf32>
    %swap3A_27 = arith.constant 32 : index
    %swap3A_28 = tpu.vector_load %arg12[%swap3A_27] {strides = array<i32>} : memref<128xf32, #tpu.memory_space<vmem>>, vector<16xf32>,
    %swap3A_29 = vector.shape_cast %swap3A_28 : vector<16xf32> to vector<16xf32>
    %swap3A_30 = vector.shape_cast %broadcast_in_dim3A_26 : vector<16xf32> to vector<16xf32>
    tpu.vector_store %arg12[%swap3A_27], %swap3A_30 {strides = array<i32>} : memref<128xf32, #tpu.memory_space<vmem>>, vector<16xf32>,
    %broadcast_in_dim3A_31 = arith.constant 1.000000e+00 : f32
    %broadcast_in_dim3A_32 = vector.broadcast %broadcast_in_dim3A_31 : f32 to vector<16xf32>
    %swap3A_33 = arith.constant 48 : index
    %swap3A_34 = tpu.vector_load %arg12[%swap3A_33] {strides = array<i32>} : memref<128xf32, #tpu.memory_space<vmem>>, vector<16xf32>,
    %swap3A_35 = vector.shape_cast %swap3A_34 : vector<16xf32> to vector<16xf32>
    %swap3A_36 = vector.shape_cast %broadcast_in_dim3A_32 : vector<16xf32> to vector<16xf32>
    tpu.vector_store %arg12[%swap3A_33], %swap3A_36 {strides = array<i32>} : memref<128xf32, #tpu.memory_space<vmem>>, vector<16xf32>,
    %broadcast_in_dim3A_37 = arith.constant 1.000000e+00 : f32
    %broadcast_in_dim3A_38 = vector.broadcast %broadcast_in_dim3A_37 : f32 to vector<16xf32>
    %swap3A_39 = arith.constant 64 : index
    %swap3A_40 = tpu.vector_load %arg12[%swap3A_39] {strides = array<i32>} : memref<128xf32, #tpu.memory_space<vmem>>, vector<16xf32>,
    %swap3A_41 = vector.shape_cast %swap3A_40 : vector<16xf32> to vector<16xf32>
    %swap3A_42 = vector.shape_cast %broadcast_in_dim3A_38 : vector<16xf32> to vector<16xf32>
    tpu.vector_store %arg12[%swap3A_39], %swap3A_42 {strides = array<i32>} : memref<128xf32, #tpu.memory_space<vmem>>, vector<16xf32>,
    %broadcast_in_dim3A_43 = arith.constant 1.000000e+00 : f32
    %broadcast_in_dim3A_44 = vector.broadcast %broadcast_in_dim3A_43 : f32 to vector<16xf32>
    %swap3A_45 = arith.constant 80 : index
    %swap3A_46 = tpu.vector_load %arg12[%swap3A_45] {strides = array<i32>} : memref<128xf32, #tpu.memory_space<vmem>>, vector<16xf32>,
    %swap3A_47 = vector.shape_cast %swap3A_46 : vector<16xf32> to vector<16xf32>
    %swap3A_48 = vector.shape_cast %broadcast_in_dim3A_44 : vector<16xf32> to vector<16xf32>
    tpu.vector_store %arg12[%swap3A_45], %swap3A_48 {strides = array<i32>} : memref<128xf32, #tpu.memory_space<vmem>>, vector<16xf32>,
    %broadcast_in_dim3A_49 = arith.constant 1.000000e+00 : f32
    %broadcast_in_dim3A_50 = vector.broadcast %broadcast_in_dim3A_49 : f32 to vector<16xf32>
    %swap3A_51 = arith.constant 96 : index
    %swap3A_52 = tpu.vector_load %arg12[%swap3A_51] {strides = array<i32>} : memref<128xf32, #tpu.memory_space<vmem>>, vector<16xf32>,
    %swap3A_53 = vector.shape_cast %swap3A_52 : vector<16xf32> to vector<16xf32>
    %swap3A_54 = vector.shape_cast %broadcast_in_dim3A_50 : vector<16xf32> to vector<16xf32>
    tpu.vector_store %arg12[%swap3A_51], %swap3A_54 {strides = array<i32>} : memref<128xf32, #tpu.memory_space<vmem>>, vector<16xf32>,
    %broadcast_in_dim3A_55 = arith.constant 1.000000e+00 : f32
    %broadcast_in_dim3A_56 = vector.broadcast %broadcast_in_dim3A_55 : f32 to vector<16xf32>
    %swap3A_57 = arith.constant 112 : index
    %swap3A_58 = tpu.vector_load %arg12[%swap3A_57] {strides = array<i32>} : memref<128xf32, #tpu.memory_space<vmem>>, vector<16xf32>,
    %swap3A_59 = vector.shape_cast %swap3A_58 : vector<16xf32> to vector<16xf32>
    %swap3A_60 = vector.shape_cast %broadcast_in_dim3A_56 : vector<16xf32> to vector<16xf32>
    tpu.vector_store %arg12[%swap3A_57], %swap3A_60 {strides = array<i32>} : memref<128xf32, #tpu.memory_space<vmem>>, vector<16xf32>,
    %broadcast_in_dim3A_61 = arith.constant 0.000000e+00 : f32
    %broadcast_in_dim3A_62 = vector.broadcast %broadcast_in_dim3A_61 : f32 to vector<16xf32>
    %swap3A_63 = arith.constant 0 : index
    %swap3A_64 = tpu.vector_load %arg13[%swap3A_63] {strides = array<i32>} : memref<640xf32, #tpu.memory_space<vmem>>, vector<16xf32>,
    %swap3A_65 = vector.shape_cast %swap3A_64 : vector<16xf32> to vector<16xf32>
    %swap3A_66 = vector.shape_cast %broadcast_in_dim3A_62 : vector<16xf32> to vector<16xf32>
    tpu.vector_store %arg13[%swap3A_63], %swap3A_66 {strides = array<i32>} : memref<640xf32, #tpu.memory_space<vmem>>, vector<16xf32>,
    %broadcast_in_dim3A_67 = arith.constant 0.000000e+00 : f32
    %broadcast_in_dim3A_68 = vector.broadcast %broadcast_in_dim3A_67 : f32 to vector<16xf32>
    %swap3A_69 = arith.constant 16 : index
    %swap3A_70 = tpu.vector_load %arg13[%swap3A_69] {strides = array<i32>} : memref<640xf32, #tpu.memory_space<vmem>>, vector<16xf32>,
    %swap3A_71 = vector.shape_cast %swap3A_70 : vector<16xf32> to vector<16xf32>
    %swap3A_72 = vector.shape_cast %broadcast_in_dim3A_68 : vector<16xf32> to vector<16xf32>
    tpu.vector_store %arg13[%swap3A_69], %swap3A_72 {strides = array<i32>} : memref<640xf32, #tpu.memory_space<vmem>>, vector<16xf32>,
    %broadcast_in_dim3A_73 = arith.constant 0.000000e+00 : f32
    %broadcast_in_dim3A_74 = vector.broadcast %broadcast_in_dim3A_73 : f32 to vector<16xf32>
    %swap3A_75 = arith.constant 32 : index
    %swap3A_76 = tpu.vector_load %arg13[%swap3A_75] {strides = array<i32>} : memref<640xf32, #tpu.memory_space<vmem>>, vector<16xf32>,
    %swap3A_77 = vector.shape_cast %swap3A_76 : vector<16xf32> to vector<16xf32>
    %swap3A_78 = vector.shape_cast %broadcast_in_dim3A_74 : vector<16xf32> to vector<16xf32>
    tpu.vector_store %arg13[%swap3A_75], %swap3A_78 {strides = array<i32>} : memref<640xf32, #tpu.memory_space<vmem>>, vector<16xf32>,
    %broadcast_in_dim3A_79 = arith.constant 0.000000e+00 : f32
    %broadcast_in_dim3A_80 = vector.broadcast %broadcast_in_dim3A_79 : f32 to vector<16xf32>
    %swap3A_81 = arith.constant 48 : index
    %swap3A_82 = tpu.vector_load %arg13[%swap3A_81] {strides = array<i32>} : memref<640xf32, #tpu.memory_space<vmem>>, vector<16xf32>,
    %swap3A_83 = vector.shape_cast %swap3A_82 : vector<16xf32> to vector<16xf32>
    %swap3A_84 = vector.shape_cast %broadcast_in_dim3A_80 : vector<16xf32> to vector<16xf32>
    tpu.vector_store %arg13[%swap3A_81], %swap3A_84 {strides = array<i32>} : memref<640xf32, #tpu.memory_space<vmem>>, vector<16xf32>,
    %broadcast_in_dim3A_85 = arith.constant 0.000000e+00 : f32
    %broadcast_in_dim3A_86 = vector.broadcast %broadcast_in_dim3A_85 : f32 to vector<16xf32>
    %swap3A_87 = arith.constant 64 : index
    %swap3A_88 = tpu.vector_load %arg13[%swap3A_87] {strides = array<i32>} : memref<640xf32, #tpu.memory_space<vmem>>, vector<16xf32>,
    %swap3A_89 = vector.shape_cast %swap3A_88 : vector<16xf32> to vector<16xf32>
    %swap3A_90 = vector.shape_cast %broadcast_in_dim3A_86 : vector<16xf32> to vector<16xf32>
    tpu.vector_store %arg13[%swap3A_87], %swap3A_90 {strides = array<i32>} : memref<640xf32, #tpu.memory_space<vmem>>, vector<16xf32>,
    %broadcast_in_dim3A_91 = arith.constant 0.000000e+00 : f32
    %broadcast_in_dim3A_92 = vector.broadcast %broadcast_in_dim3A_91 : f32 to vector<16xf32>
    %swap3A_93 = arith.constant 80 : index
    %swap3A_94 = tpu.vector_load %arg13[%swap3A_93] {strides = array<i32>} : memref<640xf32, #tpu.memory_space<vmem>>, vector<16xf32>,
    %swap3A_95 = vector.shape_cast %swap3A_94 : vector<16xf32> to vector<16xf32>
    %swap3A_96 = vector.shape_cast %broadcast_in_dim3A_92 : vector<16xf32> to vector<16xf32>
    tpu.vector_store %arg13[%swap3A_93], %swap3A_96 {strides = array<i32>} : memref<640xf32, #tpu.memory_space<vmem>>, vector<16xf32>,
    %broadcast_in_dim3A_97 = arith.constant 0.000000e+00 : f32
    %broadcast_in_dim3A_98 = vector.broadcast %broadcast_in_dim3A_97 : f32 to vector<16xf32>
    %swap3A_99 = arith.constant 96 : index
    %swap3A_100 = tpu.vector_load %arg13[%swap3A_99] {strides = array<i32>} : memref<640xf32, #tpu.memory_space<vmem>>, vector<16xf32>,
    %swap3A_101 = vector.shape_cast %swap3A_100 : vector<16xf32> to vector<16xf32>
    %swap3A_102 = vector.shape_cast %broadcast_in_dim3A_98 : vector<16xf32> to vector<16xf32>
    tpu.vector_store %arg13[%swap3A_99], %swap3A_102 {strides = array<i32>} : memref<640xf32, #tpu.memory_space<vmem>>, vector<16xf32>,
    %broadcast_in_dim3A_103 = arith.constant 0.000000e+00 : f32
    %broadcast_in_dim3A_104 = vector.broadcast %broadcast_in_dim3A_103 : f32 to vector<16xf32>
    %swap3A_105 = arith.constant 112 : index
    %swap3A_106 = tpu.vector_load %arg13[%swap3A_105] {strides = array<i32>} : memref<640xf32, #tpu.memory_space<vmem>>, vector<16xf32>,
    %swap3A_107 = vector.shape_cast %swap3A_106 : vector<16xf32> to vector<16xf32>
    %swap3A_108 = vector.shape_cast %broadcast_in_dim3A_104 : vector<16xf32> to vector<16xf32>
    tpu.vector_store %arg13[%swap3A_105], %swap3A_108 {strides = array<i32>} : memref<640xf32, #tpu.memory_space<vmem>>, vector<16xf32>,
    %broadcast_in_dim3A_109 = arith.constant 0.000000e+00 : f32
    %broadcast_in_dim3A_110 = vector.broadcast %broadcast_in_dim3A_109 : f32 to vector<16xf32>
    %swap3A_111 = arith.constant 128 : index
    %swap3A_112 = tpu.vector_load %arg13[%swap3A_111] {strides = array<i32>} : memref<640xf32, #tpu.memory_space<vmem>>, vector<16xf32>,
    %swap3A_113 = vector.shape_cast %swap3A_112 : vector<16xf32> to vector<16xf32>
    %swap3A_114 = vector.shape_cast %broadcast_in_dim3A_110 : vector<16xf32> to vector<16xf32>
    tpu.vector_store %arg13[%swap3A_111], %swap3A_114 {strides = array<i32>} : memref<640xf32, #tpu.memory_space<vmem>>, vector<16xf32>,
    %broadcast_in_dim3A_115 = arith.constant 0.000000e+00 : f32
    %broadcast_in_dim3A_116 = vector.broadcast %broadcast_in_dim3A_115 : f32 to vector<16xf32>
    %swap3A_117 = arith.constant 144 : index
    %swap3A_118 = tpu.vector_load %arg13[%swap3A_117] {strides = array<i32>} : memref<640xf32, #tpu.memory_space<vmem>>, vector<16xf32>,
    %swap3A_119 = vector.shape_cast %swap3A_118 : vector<16xf32> to vector<16xf32>
    %swap3A_120 = vector.shape_cast %broadcast_in_dim3A_116 : vector<16xf32> to vector<16xf32>
    tpu.vector_store %arg13[%swap3A_117], %swap3A_120 {strides = array<i32>} : memref<640xf32, #tpu.memory_space<vmem>>, vector<16xf32>,
    %broadcast_in_dim3A_121 = arith.constant 0.000000e+00 : f32
    %broadcast_in_dim3A_122 = vector.broadcast %broadcast_in_dim3A_121 : f32 to vector<16xf32>
    %swap3A_123 = arith.constant 160 : index
    %swap3A_124 = tpu.vector_load %arg13[%swap3A_123] {strides = array<i32>} : memref<640xf32, #tpu.memory_space<vmem>>, vector<16xf32>,
    %swap3A_125 = vector.shape_cast %swap3A_124 : vector<16xf32> to vector<16xf32>
    %swap3A_126 = vector.shape_cast %broadcast_in_dim3A_122 : vector<16xf32> to vector<16xf32>
    tpu.vector_store %arg13[%swap3A_123], %swap3A_126 {strides = array<i32>} : memref<640xf32, #tpu.memory_space<vmem>>, vector<16xf32>,
    %broadcast_in_dim3A_127 = arith.constant 0.000000e+00 : f32
    %broadcast_in_dim3A_128 = vector.broadcast %broadcast_in_dim3A_127 : f32 to vector<16xf32>
    %swap3A_129 = arith.constant 176 : index
    %swap3A_130 = tpu.vector_load %arg13[%swap3A_129] {strides = array<i32>} : memref<640xf32, #tpu.memory_space<vmem>>, vector<16xf32>,
    %swap3A_131 = vector.shape_cast %swap3A_130 : vector<16xf32> to vector<16xf32>
    %swap3A_132 = vector.shape_cast %broadcast_in_dim3A_128 : vector<16xf32> to vector<16xf32>
    tpu.vector_store %arg13[%swap3A_129], %swap3A_132 {strides = array<i32>} : memref<640xf32, #tpu.memory_space<vmem>>, vector<16xf32>,
    %broadcast_in_dim3A_133 = arith.constant 0.000000e+00 : f32
    %broadcast_in_dim3A_134 = vector.broadcast %broadcast_in_dim3A_133 : f32 to vector<16xf32>
    %swap3A_135 = arith.constant 192 : index
    %swap3A_136 = tpu.vector_load %arg13[%swap3A_135] {strides = array<i32>} : memref<640xf32, #tpu.memory_space<vmem>>, vector<16xf32>,
    %swap3A_137 = vector.shape_cast %swap3A_136 : vector<16xf32> to vector<16xf32>
    %swap3A_138 = vector.shape_cast %broadcast_in_dim3A_134 : vector<16xf32> to vector<16xf32>
    tpu.vector_store %arg13[%swap3A_135], %swap3A_138 {strides = array<i32>} : memref<640xf32, #tpu.memory_space<vmem>>, vector<16xf32>,
    %broadcast_in_dim3A_139 = arith.constant 0.000000e+00 : f32
    %broadcast_in_dim3A_140 = vector.broadcast %broadcast_in_dim3A_139 : f32 to vector<16xf32>
    %swap3A_141 = arith.constant 208 : index
    %swap3A_142 = tpu.vector_load %arg13[%swap3A_141] {strides = array<i32>} : memref<640xf32, #tpu.memory_space<vmem>>, vector<16xf32>,
    %swap3A_143 = vector.shape_cast %swap3A_142 : vector<16xf32> to vector<16xf32>
    %swap3A_144 = vector.shape_cast %broadcast_in_dim3A_140 : vector<16xf32> to vector<16xf32>
    tpu.vector_store %arg13[%swap3A_141], %swap3A_144 {strides = array<i32>} : memref<640xf32, #tpu.memory_space<vmem>>, vector<16xf32>,
    %broadcast_in_dim3A_145 = arith.constant 0.000000e+00 : f32
    %broadcast_in_dim3A_146 = vector.broadcast %broadcast_in_dim3A_145 : f32 to vector<16xf32>
    %swap3A_147 = arith.constant 224 : index
    %swap3A_148 = tpu.vector_load %arg13[%swap3A_147] {strides = array<i32>} : memref<640xf32, #tpu.memory_space<vmem>>, vector<16xf32>,
    %swap3A_149 = vector.shape_cast %swap3A_148 : vector<16xf32> to vector<16xf32>
    %swap3A_150 = vector.shape_cast %broadcast_in_dim3A_146 : vector<16xf32> to vector<16xf32>
    tpu.vector_store %arg13[%swap3A_147], %swap3A_150 {strides = array<i32>} : memref<640xf32, #tpu.memory_space<vmem>>, vector<16xf32>,
    %broadcast_in_dim3A_151 = arith.constant 0.000000e+00 : f32
    %broadcast_in_dim3A_152 = vector.broadcast %broadcast_in_dim3A_151 : f32 to vector<16xf32>
    %swap3A_153 = arith.constant 240 : index
    %swap3A_154 = tpu.vector_load %arg13[%swap3A_153] {strides = array<i32>} : memref<640xf32, #tpu.memory_space<vmem>>, vector<16xf32>,
    %swap3A_155 = vector.shape_cast %swap3A_154 : vector<16xf32> to vector<16xf32>
    %swap3A_156 = vector.shape_cast %broadcast_in_dim3A_152 : vector<16xf32> to vector<16xf32>
    tpu.vector_store %arg13[%swap3A_153], %swap3A_156 {strides = array<i32>} : memref<640xf32, #tpu.memory_space<vmem>>, vector<16xf32>,
    %broadcast_in_dim3A_157 = arith.constant 0.000000e+00 : f32
    %broadcast_in_dim3A_158 = vector.broadcast %broadcast_in_dim3A_157 : f32 to vector<16xf32>
    %swap3A_159 = arith.constant 256 : index
    %swap3A_160 = tpu.vector_load %arg13[%swap3A_159] {strides = array<i32>} : memref<640xf32, #tpu.memory_space<vmem>>, vector<16xf32>,
    %swap3A_161 = vector.shape_cast %swap3A_160 : vector<16xf32> to vector<16xf32>
    %swap3A_162 = vector.shape_cast %broadcast_in_dim3A_158 : vector<16xf32> to vector<16xf32>
    tpu.vector_store %arg13[%swap3A_159], %swap3A_162 {strides = array<i32>} : memref<640xf32, #tpu.memory_space<vmem>>, vector<16xf32>,
    %broadcast_in_dim3A_163 = arith.constant 0.000000e+00 : f32
    %broadcast_in_dim3A_164 = vector.broadcast %broadcast_in_dim3A_163 : f32 to vector<16xf32>
    %swap3A_165 = arith.constant 272 : index
    %swap3A_166 = tpu.vector_load %arg13[%swap3A_165] {strides = array<i32>} : memref<640xf32, #tpu.memory_space<vmem>>, vector<16xf32>,
    %swap3A_167 = vector.shape_cast %swap3A_166 : vector<16xf32> to vector<16xf32>
    %swap3A_168 = vector.shape_cast %broadcast_in_dim3A_164 : vector<16xf32> to vector<16xf32>
    tpu.vector_store %arg13[%swap3A_165], %swap3A_168 {strides = array<i32>} : memref<640xf32, #tpu.memory_space<vmem>>, vector<16xf32>,
    %broadcast_in_dim3A_169 = arith.constant 0.000000e+00 : f32
    %broadcast_in_dim3A_170 = vector.broadcast %broadcast_in_dim3A_169 : f32 to vector<16xf32>
    %swap3A_171 = arith.constant 288 : index
    %swap3A_172 = tpu.vector_load %arg13[%swap3A_171] {strides = array<i32>} : memref<640xf32, #tpu.memory_space<vmem>>, vector<16xf32>,
    %swap3A_173 = vector.shape_cast %swap3A_172 : vector<16xf32> to vector<16xf32>
    %swap3A_174 = vector.shape_cast %broadcast_in_dim3A_170 : vector<16xf32> to vector<16xf32>
    tpu.vector_store %arg13[%swap3A_171], %swap3A_174 {strides = array<i32>} : memref<640xf32, #tpu.memory_space<vmem>>, vector<16xf32>,
    %broadcast_in_dim3A_175 = arith.constant 0.000000e+00 : f32
    %broadcast_in_dim3A_176 = vector.broadcast %broadcast_in_dim3A_175 : f32 to vector<16xf32>
    %swap3A_177 = arith.constant 304 : index
    %swap3A_178 = tpu.vector_load %arg13[%swap3A_177] {strides = array<i32>} : memref<640xf32, #tpu.memory_space<vmem>>, vector<16xf32>,
    %swap3A_179 = vector.shape_cast %swap3A_178 : vector<16xf32> to vector<16xf32>
    %swap3A_180 = vector.shape_cast %broadcast_in_dim3A_176 : vector<16xf32> to vector<16xf32>
    tpu.vector_store %arg13[%swap3A_177], %swap3A_180 {strides = array<i32>} : memref<640xf32, #tpu.memory_space<vmem>>, vector<16xf32>,
    %broadcast_in_dim3A_181 = arith.constant 0.000000e+00 : f32
    %broadcast_in_dim3A_182 = vector.broadcast %broadcast_in_dim3A_181 : f32 to vector<16xf32>
    %swap3A_183 = arith.constant 320 : index
    %swap3A_184 = tpu.vector_load %arg13[%swap3A_183] {strides = array<i32>} : memref<640xf32, #tpu.memory_space<vmem>>, vector<16xf32>,
    %swap3A_185 = vector.shape_cast %swap3A_184 : vector<16xf32> to vector<16xf32>
    %swap3A_186 = vector.shape_cast %broadcast_in_dim3A_182 : vector<16xf32> to vector<16xf32>
    tpu.vector_store %arg13[%swap3A_183], %swap3A_186 {strides = array<i32>} : memref<640xf32, #tpu.memory_space<vmem>>, vector<16xf32>,
    %broadcast_in_dim3A_187 = arith.constant 0.000000e+00 : f32
    %broadcast_in_dim3A_188 = vector.broadcast %broadcast_in_dim3A_187 : f32 to vector<16xf32>
    %swap3A_189 = arith.constant 336 : index
    %swap3A_190 = tpu.vector_load %arg13[%swap3A_189] {strides = array<i32>} : memref<640xf32, #tpu.memory_space<vmem>>, vector<16xf32>,
    %swap3A_191 = vector.shape_cast %swap3A_190 : vector<16xf32> to vector<16xf32>
    %swap3A_192 = vector.shape_cast %broadcast_in_dim3A_188 : vector<16xf32> to vector<16xf32>
    tpu.vector_store %arg13[%swap3A_189], %swap3A_192 {strides = array<i32>} : memref<640xf32, #tpu.memory_space<vmem>>, vector<16xf32>,
    %broadcast_in_dim3A_193 = arith.constant 0.000000e+00 : f32
    %broadcast_in_dim3A_194 = vector.broadcast %broadcast_in_dim3A_193 : f32 to vector<16xf32>
    %swap3A_195 = arith.constant 352 : index
    %swap3A_196 = tpu.vector_load %arg13[%swap3A_195] {strides = array<i32>} : memref<640xf32, #tpu.memory_space<vmem>>, vector<16xf32>,
    %swap3A_197 = vector.shape_cast %swap3A_196 : vector<16xf32> to vector<16xf32>
    %swap3A_198 = vector.shape_cast %broadcast_in_dim3A_194 : vector<16xf32> to vector<16xf32>
    tpu.vector_store %arg13[%swap3A_195], %swap3A_198 {strides = array<i32>} : memref<640xf32, #tpu.memory_space<vmem>>, vector<16xf32>,
    %broadcast_in_dim3A_199 = arith.constant 0.000000e+00 : f32
    %broadcast_in_dim3A_200 = vector.broadcast %broadcast_in_dim3A_199 : f32 to vector<16xf32>
    %swap3A_201 = arith.constant 368 : index
    %swap3A_202 = tpu.vector_load %arg13[%swap3A_201] {strides = array<i32>} : memref<640xf32, #tpu.memory_space<vmem>>, vector<16xf32>,
    %swap3A_203 = vector.shape_cast %swap3A_202 : vector<16xf32> to vector<16xf32>
    %swap3A_204 = vector.shape_cast %broadcast_in_dim3A_200 : vector<16xf32> to vector<16xf32>
    tpu.vector_store %arg13[%swap3A_201], %swap3A_204 {strides = array<i32>} : memref<640xf32, #tpu.memory_space<vmem>>, vector<16xf32>,
    %broadcast_in_dim3A_205 = arith.constant 0.000000e+00 : f32
    %broadcast_in_dim3A_206 = vector.broadcast %broadcast_in_dim3A_205 : f32 to vector<16xf32>
    %swap3A_207 = arith.constant 384 : index
    %swap3A_208 = tpu.vector_load %arg13[%swap3A_207] {strides = array<i32>} : memref<640xf32, #tpu.memory_space<vmem>>, vector<16xf32>,
    %swap3A_209 = vector.shape_cast %swap3A_208 : vector<16xf32> to vector<16xf32>
    %swap3A_210 = vector.shape_cast %broadcast_in_dim3A_206 : vector<16xf32> to vector<16xf32>
    tpu.vector_store %arg13[%swap3A_207], %swap3A_210 {strides = array<i32>} : memref<640xf32, #tpu.memory_space<vmem>>, vector<16xf32>,
    %broadcast_in_dim3A_211 = arith.constant 0.000000e+00 : f32
    %broadcast_in_dim3A_212 = vector.broadcast %broadcast_in_dim3A_211 : f32 to vector<16xf32>
    %swap3A_213 = arith.constant 400 : index
    %swap3A_214 = tpu.vector_load %arg13[%swap3A_213] {strides = array<i32>} : memref<640xf32, #tpu.memory_space<vmem>>, vector<16xf32>,
    %swap3A_215 = vector.shape_cast %swap3A_214 : vector<16xf32> to vector<16xf32>
    %swap3A_216 = vector.shape_cast %broadcast_in_dim3A_212 : vector<16xf32> to vector<16xf32>
    tpu.vector_store %arg13[%swap3A_213], %swap3A_216 {strides = array<i32>} : memref<640xf32, #tpu.memory_space<vmem>>, vector<16xf32>,
    %broadcast_in_dim3A_217 = arith.constant 0.000000e+00 : f32
    %broadcast_in_dim3A_218 = vector.broadcast %broadcast_in_dim3A_217 : f32 to vector<16xf32>
    %swap3A_219 = arith.constant 416 : index
    %swap3A_220 = tpu.vector_load %arg13[%swap3A_219] {strides = array<i32>} : memref<640xf32, #tpu.memory_space<vmem>>, vector<16xf32>,
    %swap3A_221 = vector.shape_cast %swap3A_220 : vector<16xf32> to vector<16xf32>
    %swap3A_222 = vector.shape_cast %broadcast_in_dim3A_218 : vector<16xf32> to vector<16xf32>
    tpu.vector_store %arg13[%swap3A_219], %swap3A_222 {strides = array<i32>} : memref<640xf32, #tpu.memory_space<vmem>>, vector<16xf32>,
    %broadcast_in_dim3A_223 = arith.constant 0.000000e+00 : f32
    %broadcast_in_dim3A_224 = vector.broadcast %broadcast_in_dim3A_223 : f32 to vector<16xf32>
    %swap3A_225 = arith.constant 432 : index
    %swap3A_226 = tpu.vector_load %arg13[%swap3A_225] {strides = array<i32>} : memref<640xf32, #tpu.memory_space<vmem>>, vector<16xf32>,
    %swap3A_227 = vector.shape_cast %swap3A_226 : vector<16xf32> to vector<16xf32>
    %swap3A_228 = vector.shape_cast %broadcast_in_dim3A_224 : vector<16xf32> to vector<16xf32>
    tpu.vector_store %arg13[%swap3A_225], %swap3A_228 {strides = array<i32>} : memref<640xf32, #tpu.memory_space<vmem>>, vector<16xf32>,
    %broadcast_in_dim3A_229 = arith.constant 0.000000e+00 : f32
    %broadcast_in_dim3A_230 = vector.broadcast %broadcast_in_dim3A_229 : f32 to vector<16xf32>
    %swap3A_231 = arith.constant 448 : index
    %swap3A_232 = tpu.vector_load %arg13[%swap3A_231] {strides = array<i32>} : memref<640xf32, #tpu.memory_space<vmem>>, vector<16xf32>,
    %swap3A_233 = vector.shape_cast %swap3A_232 : vector<16xf32> to vector<16xf32>
    %swap3A_234 = vector.shape_cast %broadcast_in_dim3A_230 : vector<16xf32> to vector<16xf32>
    tpu.vector_store %arg13[%swap3A_231], %swap3A_234 {strides = array<i32>} : memref<640xf32, #tpu.memory_space<vmem>>, vector<16xf32>,
    %broadcast_in_dim3A_235 = arith.constant 0.000000e+00 : f32
    %broadcast_in_dim3A_236 = vector.broadcast %broadcast_in_dim3A_235 : f32 to vector<16xf32>
    %swap3A_237 = arith.constant 464 : index
    %swap3A_238 = tpu.vector_load %arg13[%swap3A_237] {strides = array<i32>} : memref<640xf32, #tpu.memory_space<vmem>>, vector<16xf32>,
    %swap3A_239 = vector.shape_cast %swap3A_238 : vector<16xf32> to vector<16xf32>
    %swap3A_240 = vector.shape_cast %broadcast_in_dim3A_236 : vector<16xf32> to vector<16xf32>
    tpu.vector_store %arg13[%swap3A_237], %swap3A_240 {strides = array<i32>} : memref<640xf32, #tpu.memory_space<vmem>>, vector<16xf32>,
    %broadcast_in_dim3A_241 = arith.constant 0.000000e+00 : f32
    %broadcast_in_dim3A_242 = vector.broadcast %broadcast_in_dim3A_241 : f32 to vector<16xf32>
    %swap3A_243 = arith.constant 480 : index
    %swap3A_244 = tpu.vector_load %arg13[%swap3A_243] {strides = array<i32>} : memref<640xf32, #tpu.memory_space<vmem>>, vector<16xf32>,
    %swap3A_245 = vector.shape_cast %swap3A_244 : vector<16xf32> to vector<16xf32>
    %swap3A_246 = vector.shape_cast %broadcast_in_dim3A_242 : vector<16xf32> to vector<16xf32>
    tpu.vector_store %arg13[%swap3A_243], %swap3A_246 {strides = array<i32>} : memref<640xf32, #tpu.memory_space<vmem>>, vector<16xf32>,
    %broadcast_in_dim3A_247 = arith.constant 0.000000e+00 : f32
    %broadcast_in_dim3A_248 = vector.broadcast %broadcast_in_dim3A_247 : f32 to vector<16xf32>
    %swap3A_249 = arith.constant 496 : index
    %swap3A_250 = tpu.vector_load %arg13[%swap3A_249] {strides = array<i32>} : memref<640xf32, #tpu.memory_space<vmem>>, vector<16xf32>,
    %swap3A_251 = vector.shape_cast %swap3A_250 : vector<16xf32> to vector<16xf32>
    %swap3A_252 = vector.shape_cast %broadcast_in_dim3A_248 : vector<16xf32> to vector<16xf32>
    tpu.vector_store %arg13[%swap3A_249], %swap3A_252 {strides = array<i32>} : memref<640xf32, #tpu.memory_space<vmem>>, vector<16xf32>,
    %broadcast_in_dim3A_253 = arith.constant 0.000000e+00 : f32
    %broadcast_in_dim3A_254 = vector.broadcast %broadcast_in_dim3A_253 : f32 to vector<16xf32>
    %swap3A_255 = arith.constant 512 : index
    %swap3A_256 = tpu.vector_load %arg13[%swap3A_255] {strides = array<i32>} : memref<640xf32, #tpu.memory_space<vmem>>, vector<16xf32>,
    %swap3A_257 = vector.shape_cast %swap3A_256 : vector<16xf32> to vector<16xf32>
    %swap3A_258 = vector.shape_cast %broadcast_in_dim3A_254 : vector<16xf32> to vector<16xf32>
    tpu.vector_store %arg13[%swap3A_255], %swap3A_258 {strides = array<i32>} : memref<640xf32, #tpu.memory_space<vmem>>, vector<16xf32>,
    %broadcast_in_dim3A_259 = arith.constant 0.000000e+00 : f32
    %broadcast_in_dim3A_260 = vector.broadcast %broadcast_in_dim3A_259 : f32 to vector<16xf32>
    %swap3A_261 = arith.constant 528 : index
    %swap3A_262 = tpu.vector_load %arg13[%swap3A_261] {strides = array<i32>} : memref<640xf32, #tpu.memory_space<vmem>>, vector<16xf32>,
    %swap3A_263 = vector.shape_cast %swap3A_262 : vector<16xf32> to vector<16xf32>
    %swap3A_264 = vector.shape_cast %broadcast_in_dim3A_260 : vector<16xf32> to vector<16xf32>
    tpu.vector_store %arg13[%swap3A_261], %swap3A_264 {strides = array<i32>} : memref<640xf32, #tpu.memory_space<vmem>>, vector<16xf32>,
    %broadcast_in_dim3A_265 = arith.constant 0.000000e+00 : f32
    %broadcast_in_dim3A_266 = vector.broadcast %broadcast_in_dim3A_265 : f32 to vector<16xf32>
    %swap3A_267 = arith.constant 544 : index
    %swap3A_268 = tpu.vector_load %arg13[%swap3A_267] {strides = array<i32>} : memref<640xf32, #tpu.memory_space<vmem>>, vector<16xf32>,
    %swap3A_269 = vector.shape_cast %swap3A_268 : vector<16xf32> to vector<16xf32>
    %swap3A_270 = vector.shape_cast %broadcast_in_dim3A_266 : vector<16xf32> to vector<16xf32>
    tpu.vector_store %arg13[%swap3A_267], %swap3A_270 {strides = array<i32>} : memref<640xf32, #tpu.memory_space<vmem>>, vector<16xf32>,
    %broadcast_in_dim3A_271 = arith.constant 0.000000e+00 : f32
    %broadcast_in_dim3A_272 = vector.broadcast %broadcast_in_dim3A_271 : f32 to vector<16xf32>
    %swap3A_273 = arith.constant 560 : index
    %swap3A_274 = tpu.vector_load %arg13[%swap3A_273] {strides = array<i32>} : memref<640xf32, #tpu.memory_space<vmem>>, vector<16xf32>,
    %swap3A_275 = vector.shape_cast %swap3A_274 : vector<16xf32> to vector<16xf32>
    %swap3A_276 = vector.shape_cast %broadcast_in_dim3A_272 : vector<16xf32> to vector<16xf32>
    tpu.vector_store %arg13[%swap3A_273], %swap3A_276 {strides = array<i32>} : memref<640xf32, #tpu.memory_space<vmem>>, vector<16xf32>,
    %broadcast_in_dim3A_277 = arith.constant 0.000000e+00 : f32
    %broadcast_in_dim3A_278 = vector.broadcast %broadcast_in_dim3A_277 : f32 to vector<16xf32>
    %swap3A_279 = arith.constant 576 : index
    %swap3A_280 = tpu.vector_load %arg13[%swap3A_279] {strides = array<i32>} : memref<640xf32, #tpu.memory_space<vmem>>, vector<16xf32>,
    %swap3A_281 = vector.shape_cast %swap3A_280 : vector<16xf32> to vector<16xf32>
    %swap3A_282 = vector.shape_cast %broadcast_in_dim3A_278 : vector<16xf32> to vector<16xf32>
    tpu.vector_store %arg13[%swap3A_279], %swap3A_282 {strides = array<i32>} : memref<640xf32, #tpu.memory_space<vmem>>, vector<16xf32>,
    %broadcast_in_dim3A_283 = arith.constant 0.000000e+00 : f32
    %broadcast_in_dim3A_284 = vector.broadcast %broadcast_in_dim3A_283 : f32 to vector<16xf32>
    %swap3A_285 = arith.constant 592 : index
    %swap3A_286 = tpu.vector_load %arg13[%swap3A_285] {strides = array<i32>} : memref<640xf32, #tpu.memory_space<vmem>>, vector<16xf32>,
    %swap3A_287 = vector.shape_cast %swap3A_286 : vector<16xf32> to vector<16xf32>
    %swap3A_288 = vector.shape_cast %broadcast_in_dim3A_284 : vector<16xf32> to vector<16xf32>
    tpu.vector_store %arg13[%swap3A_285], %swap3A_288 {strides = array<i32>} : memref<640xf32, #tpu.memory_space<vmem>>, vector<16xf32>,
    %broadcast_in_dim3A_289 = arith.constant 0.000000e+00 : f32
    %broadcast_in_dim3A_290 = vector.broadcast %broadcast_in_dim3A_289 : f32 to vector<16xf32>
    %swap3A_291 = arith.constant 608 : index
    %swap3A_292 = tpu.vector_load %arg13[%swap3A_291] {strides = array<i32>} : memref<640xf32, #tpu.memory_space<vmem>>, vector<16xf32>,
    %swap3A_293 = vector.shape_cast %swap3A_292 : vector<16xf32> to vector<16xf32>
    %swap3A_294 = vector.shape_cast %broadcast_in_dim3A_290 : vector<16xf32> to vector<16xf32>
    tpu.vector_store %arg13[%swap3A_291], %swap3A_294 {strides = array<i32>} : memref<640xf32, #tpu.memory_space<vmem>>, vector<16xf32>,
    %broadcast_in_dim3A_295 = arith.constant 0.000000e+00 : f32
    %broadcast_in_dim3A_296 = vector.broadcast %broadcast_in_dim3A_295 : f32 to vector<16xf32>
    %swap3A_297 = arith.constant 624 : index
    %swap3A_298 = tpu.vector_load %arg13[%swap3A_297] {strides = array<i32>} : memref<640xf32, #tpu.memory_space<vmem>>, vector<16xf32>,
    %swap3A_299 = vector.shape_cast %swap3A_298 : vector<16xf32> to vector<16xf32>
    %swap3A_300 = vector.shape_cast %broadcast_in_dim3A_296 : vector<16xf32> to vector<16xf32>
    tpu.vector_store %arg13[%swap3A_297], %swap3A_300 {strides = array<i32>} : memref<640xf32, #tpu.memory_space<vmem>>, vector<16xf32>,
    %mul3A_301 = arith.constant 640 : i32
    %mul3A_302 = arith.muli %arg1, %mul3A_301 : i32
    %add3A_303 = arith.constant 0 : i32
    %add3A_304 = arith.addi %mul3A_302, %add3A_303 : i32
    "tpu.region"() ({
      %run_scoped3A = tpu.sem_alloc : memref<!tpu.dma_semaphore, #tpu.memory_space<semaphore_mem>>
      %dma_start3A = tpu.memref_slice %arg4[%add3A_304] : memref<10240xf32, #tpu.memory_space<vmem_shared>> -> memref<640xf32, #tpu.memory_space<vmem_shared>>
      %dma_start3A_350 = tpu.memref_slice %arg4[%add3A_304] : memref<10240xf32, #tpu.memory_space<vmem_shared>> -> memref<640xf32, #tpu.memory_space<vmem_shared>>
      tpu.enqueue_dma source(%arg13 : memref<640xf32, #tpu.memory_space<vmem>>) target(%dma_start3A_350 : memref<640xf32, #tpu.memory_space<vmem_shared>>) target_semaphore(%run_scoped3A : memref<!tpu.dma_semaphore, #tpu.memory_space<semaphore_mem>>)
      %dma_wait3A = tpu.memref_slice %arg4[%add3A_304] : memref<10240xf32, #tpu.memory_space<vmem_shared>> -> memref<640xf32, #tpu.memory_space<vmem_shared>>
      %dma_wait3A_351 = tpu.memref_slice %arg4[%add3A_304] : memref<10240xf32, #tpu.memory_space<vmem_shared>> -> memref<640xf32, #tpu.memory_space<vmem_shared>>
      tpu.wait_dma2 semaphore(%run_scoped3A : memref<!tpu.dma_semaphore, #tpu.memory_space<semaphore_mem>>) src(%arg13 : memref<640xf32, #tpu.memory_space<vmem>>) dst(%dma_wait3A_351 : memref<640xf32, #tpu.memory_space<vmem_shared>>)
      tpu.yield
    }) : () -> ()
    %mul3A_305 = arith.constant 640 : i32
    %mul3A_306 = arith.muli %arg1, %mul3A_305 : i32
    %add3A_307 = arith.constant 0 : i32
    %add3A_308 = arith.addi %mul3A_306, %add3A_307 : i32
    "tpu.region"() ({
      %run_scoped3A = tpu.sem_alloc : memref<!tpu.dma_semaphore, #tpu.memory_space<semaphore_mem>>
      %dma_start3A = tpu.memref_slice %arg5[%add3A_308] : memref<10240xf32, #tpu.memory_space<vmem_shared>> -> memref<640xf32, #tpu.memory_space<vmem_shared>>
      %dma_start3A_350 = tpu.memref_slice %arg5[%add3A_308] : memref<10240xf32, #tpu.memory_space<vmem_shared>> -> memref<640xf32, #tpu.memory_space<vmem_shared>>
      tpu.enqueue_dma source(%arg13 : memref<640xf32, #tpu.memory_space<vmem>>) target(%dma_start3A_350 : memref<640xf32, #tpu.memory_space<vmem_shared>>) target_semaphore(%run_scoped3A : memref<!tpu.dma_semaphore, #tpu.memory_space<semaphore_mem>>)
      %dma_wait3A = tpu.memref_slice %arg5[%add3A_308] : memref<10240xf32, #tpu.memory_space<vmem_shared>> -> memref<640xf32, #tpu.memory_space<vmem_shared>>
      %dma_wait3A_351 = tpu.memref_slice %arg5[%add3A_308] : memref<10240xf32, #tpu.memory_space<vmem_shared>> -> memref<640xf32, #tpu.memory_space<vmem_shared>>
      tpu.wait_dma2 semaphore(%run_scoped3A : memref<!tpu.dma_semaphore, #tpu.memory_space<semaphore_mem>>) src(%arg13 : memref<640xf32, #tpu.memory_space<vmem>>) dst(%dma_wait3A_351 : memref<640xf32, #tpu.memory_space<vmem_shared>>)
      tpu.yield
    }) : () -> ()
    %barrier3A = arith.constant 0 : index
    tpu.barrier barrier_id(%barrier3A)
    %scan3A_309 = arith.constant 0 : i32
    %scan3A_310 = arith.constant 0 : i32
    %scan3A_311 = arith.constant 78 : i32
    %scan3A_312 = arith.addi %scan3A_310, %scan3A_311 : i32
    %scan3A_313 = arith.constant 1 : i32
    %scan3A_314 = scf.for %scan3A_350 = %scan3A_310 to %scan3A_312 step %scan3A_313 iter_args(%scan3A_351 = %scan3A_309) -> (i32)  : i32 {
      %dma_start3A = arith.constant 0 : i32
      %dma_start3A_352 = tpu.memref_slice %arg8[%scan3A_350, %dma_start3A] : memref<78x128xi32, #tpu.memory_space<vmem>> -> memref<1x128xi32, #tpu.memory_space<vmem>>
      %dma_start3A_353 = tpu.memref_squeeze %dma_start3A_352 : memref<1x128xi32, #tpu.memory_space<vmem>> -> memref<128xi32, #tpu.memory_space<vmem>>
      %dma_start3A_354 = arith.constant 0 : i32
      %dma_start3A_355 = tpu.memref_slice %arg4[%dma_start3A_354] : memref<10240xf32, #tpu.memory_space<vmem_shared>> -> memref<10240xf32, #tpu.memory_space<vmem_shared>>
      tpu.enqueue_indirect_dma source(%arg12 : memref<128xf32, #tpu.memory_space<vmem>>) target(%dma_start3A_355 : memref<10240xf32, #tpu.memory_space<vmem_shared>>) offsets(%dma_start3A_353 : memref<128xi32, #tpu.memory_space<vmem>>) semaphore(%arg14 : memref<!tpu.dma_semaphore, #tpu.memory_space<semaphore_mem>>) {add = true}
      %dma_start3A_356 = arith.constant 0 : i32
      %dma_start3A_357 = tpu.memref_slice %arg9[%scan3A_350, %dma_start3A_356] : memref<78x128xi32, #tpu.memory_space<vmem>> -> memref<1x128xi32, #tpu.memory_space<vmem>>
      %dma_start3A_358 = tpu.memref_squeeze %dma_start3A_357 : memref<1x128xi32, #tpu.memory_space<vmem>> -> memref<128xi32, #tpu.memory_space<vmem>>
      %dma_start3A_359 = arith.constant 0 : i32
      %dma_start3A_360 = tpu.memref_slice %arg5[%dma_start3A_359] : memref<10240xf32, #tpu.memory_space<vmem_shared>> -> memref<10240xf32, #tpu.memory_space<vmem_shared>>
      tpu.enqueue_indirect_dma source(%arg12 : memref<128xf32, #tpu.memory_space<vmem>>) target(%dma_start3A_360 : memref<10240xf32, #tpu.memory_space<vmem_shared>>) offsets(%dma_start3A_358 : memref<128xi32, #tpu.memory_space<vmem>>) semaphore(%arg14 : memref<!tpu.dma_semaphore, #tpu.memory_space<semaphore_mem>>) {add = true}
      %scan3A_361 = arith.constant 0 : i32
      scf.yield %scan3A_361 : i32
    }
    %scan3A_315 = arith.constant 78 : i32
    %lt3A_316 = arith.constant 4 : i32
    %lt3A_317 = arith.cmpi slt, %add3A, %lt3A_316 : i32
    %convert_element_type3A_318 = arith.extui %lt3A_317 : i1 to i32
    %cond3A_319 = arith.constant 0 : i32
    %cond3A_320 = arith.cmpi ne, %convert_element_type3A_318, %cond3A_319 : i32
    scf.if %cond3A_320 {
      %dma_start3A = arith.constant 0 : i32
      %dma_start3A_350 = tpu.memref_slice %arg4[%dma_start3A] : memref<10240xf32, #tpu.memory_space<vmem_shared>> -> memref<10240xf32, #tpu.memory_space<vmem_shared>>
      tpu.enqueue_indirect_dma source(%arg12 : memref<128xf32, #tpu.memory_space<vmem>>) target(%dma_start3A_350 : memref<10240xf32, #tpu.memory_space<vmem_shared>>) offsets(%arg10 : memref<128xi32, #tpu.memory_space<vmem>>) semaphore(%arg14 : memref<!tpu.dma_semaphore, #tpu.memory_space<semaphore_mem>>) {add = true}
      %dma_start3A_351 = arith.constant 0 : i32
      %dma_start3A_352 = tpu.memref_slice %arg5[%dma_start3A_351] : memref<10240xf32, #tpu.memory_space<vmem_shared>> -> memref<10240xf32, #tpu.memory_space<vmem_shared>>
      tpu.enqueue_indirect_dma source(%arg12 : memref<128xf32, #tpu.memory_space<vmem>>) target(%dma_start3A_352 : memref<10240xf32, #tpu.memory_space<vmem_shared>>) offsets(%arg11 : memref<128xi32, #tpu.memory_space<vmem>>) semaphore(%arg14 : memref<!tpu.dma_semaphore, #tpu.memory_space<semaphore_mem>>) {add = true}
    } else {
    }
    %scan3A_321 = arith.constant 0 : i32
    %scan3A_322 = arith.constant 0 : i32
    %scan3A_323 = arith.constant 78 : i32
    %scan3A_324 = arith.addi %scan3A_322, %scan3A_323 : i32
    %scan3A_325 = arith.constant 1 : i32
    %scan3A_326 = scf.for %scan3A_350 = %scan3A_322 to %scan3A_324 step %scan3A_325 iter_args(%scan3A_351 = %scan3A_321) -> (i32)  : i32 {
      %dma_wait3A = arith.constant 0 : i32
      %dma_wait3A_352 = tpu.memref_slice %arg8[%scan3A_350, %dma_wait3A] : memref<78x128xi32, #tpu.memory_space<vmem>> -> memref<1x128xi32, #tpu.memory_space<vmem>>
      %dma_wait3A_353 = tpu.memref_squeeze %dma_wait3A_352 : memref<1x128xi32, #tpu.memory_space<vmem>> -> memref<128xi32, #tpu.memory_space<vmem>>
      %dma_wait3A_354 = arith.constant 0 : i32
      %dma_wait3A_355 = tpu.memref_slice %arg4[%dma_wait3A_354] : memref<10240xf32, #tpu.memory_space<vmem_shared>> -> memref<10240xf32, #tpu.memory_space<vmem_shared>>
      tpu.wait_indirect_dma semaphore(%arg14 : memref<!tpu.dma_semaphore, #tpu.memory_space<semaphore_mem>>) src(%arg12 : memref<128xf32, #tpu.memory_space<vmem>>) dst(%dma_wait3A_355 : memref<10240xf32, #tpu.memory_space<vmem_shared>>)
      %dma_wait3A_356 = arith.constant 0 : i32
      %dma_wait3A_357 = tpu.memref_slice %arg9[%scan3A_350, %dma_wait3A_356] : memref<78x128xi32, #tpu.memory_space<vmem>> -> memref<1x128xi32, #tpu.memory_space<vmem>>
      %dma_wait3A_358 = tpu.memref_squeeze %dma_wait3A_357 : memref<1x128xi32, #tpu.memory_space<vmem>> -> memref<128xi32, #tpu.memory_space<vmem>>
      %dma_wait3A_359 = arith.constant 0 : i32
      %dma_wait3A_360 = tpu.memref_slice %arg5[%dma_wait3A_359] : memref<10240xf32, #tpu.memory_space<vmem_shared>> -> memref<10240xf32, #tpu.memory_space<vmem_shared>>
      tpu.wait_indirect_dma semaphore(%arg14 : memref<!tpu.dma_semaphore, #tpu.memory_space<semaphore_mem>>) src(%arg12 : memref<128xf32, #tpu.memory_space<vmem>>) dst(%dma_wait3A_360 : memref<10240xf32, #tpu.memory_space<vmem_shared>>)
      %scan3A_361 = arith.constant 0 : i32
      scf.yield %scan3A_361 : i32
    }
    %scan3A_327 = arith.constant 78 : i32
    %lt3A_328 = arith.constant 4 : i32
    %lt3A_329 = arith.cmpi slt, %add3A, %lt3A_328 : i32
    %convert_element_type3A_330 = arith.extui %lt3A_329 : i1 to i32
    %cond3A_331 = arith.constant 0 : i32
    %cond3A_332 = arith.cmpi ne, %convert_element_type3A_330, %cond3A_331 : i32
    scf.if %cond3A_332 {
      %dma_wait3A = arith.constant 0 : i32
      %dma_wait3A_350 = tpu.memref_slice %arg4[%dma_wait3A] : memref<10240xf32, #tpu.memory_space<vmem_shared>> -> memref<10240xf32, #tpu.memory_space<vmem_shared>>
      tpu.wait_indirect_dma semaphore(%arg14 : memref<!tpu.dma_semaphore, #tpu.memory_space<semaphore_mem>>) src(%arg12 : memref<128xf32, #tpu.memory_space<vmem>>) dst(%dma_wait3A_350 : memref<10240xf32, #tpu.memory_space<vmem_shared>>)
      %dma_wait3A_351 = arith.constant 0 : i32
      %dma_wait3A_352 = tpu.memref_slice %arg5[%dma_wait3A_351] : memref<10240xf32, #tpu.memory_space<vmem_shared>> -> memref<10240xf32, #tpu.memory_space<vmem_shared>>
      tpu.wait_indirect_dma semaphore(%arg14 : memref<!tpu.dma_semaphore, #tpu.memory_space<semaphore_mem>>) src(%arg12 : memref<128xf32, #tpu.memory_space<vmem>>) dst(%dma_wait3A_352 : memref<10240xf32, #tpu.memory_space<vmem_shared>>)
    } else {
    }
    %barrier3A_333 = arith.constant 0 : index
    tpu.barrier barrier_id(%barrier3A_333)
    %mul3A_334 = arith.constant 2 : i32
    %mul3A_335 = arith.muli %arg0, %mul3A_334 : i32
    %mul3A_336 = arith.constant 10240 : i32
    %mul3A_337 = arith.muli %mul3A_335, %mul3A_336 : i32
    %mul3A_338 = arith.constant 640 : i32
    %mul3A_339 = arith.muli %arg1, %mul3A_338 : i32
    "tpu.region"() ({
      %run_scoped3A = tpu.sem_alloc : memref<!tpu.dma_semaphore, #tpu.memory_space<semaphore_mem>>
      %dma_start3A = tpu.memref_slice %arg4[%mul3A_339] : memref<10240xf32, #tpu.memory_space<vmem_shared>> -> memref<640xf32, #tpu.memory_space<vmem_shared>>
      %dma_start3A_350 = tpu.memref_slice %arg4[%mul3A_339] : memref<10240xf32, #tpu.memory_space<vmem_shared>> -> memref<640xf32, #tpu.memory_space<vmem_shared>>
      tpu.enqueue_dma source(%dma_start3A_350 : memref<640xf32, #tpu.memory_space<vmem_shared>>) target(%arg13 : memref<640xf32, #tpu.memory_space<vmem>>) target_semaphore(%run_scoped3A : memref<!tpu.dma_semaphore, #tpu.memory_space<semaphore_mem>>)
      %dma_wait3A = tpu.memref_slice %arg4[%mul3A_339] : memref<10240xf32, #tpu.memory_space<vmem_shared>> -> memref<640xf32, #tpu.memory_space<vmem_shared>>
      %dma_wait3A_351 = tpu.memref_slice %arg4[%mul3A_339] : memref<10240xf32, #tpu.memory_space<vmem_shared>> -> memref<640xf32, #tpu.memory_space<vmem_shared>>
      tpu.wait_dma2 semaphore(%run_scoped3A : memref<!tpu.dma_semaphore, #tpu.memory_space<semaphore_mem>>) src(%dma_wait3A_351 : memref<640xf32, #tpu.memory_space<vmem_shared>>) dst(%arg13 : memref<640xf32, #tpu.memory_space<vmem>>)
      tpu.yield
    }) : () -> ()
    %add3A_340 = arith.addi %mul3A_337, %mul3A_339 : i32
    "tpu.region"() ({
      %run_scoped3A = tpu.sem_alloc : memref<!tpu.dma_semaphore, #tpu.memory_space<semaphore_mem>>
      %dma_start3A = tpu.memref_slice %arg3[%add3A_340] : memref<40960xf32, #tpu.memory_space<hbm>> -> memref<640xf32, #tpu.memory_space<hbm>>
      %dma_start3A_350 = tpu.memref_slice %arg3[%add3A_340] : memref<40960xf32, #tpu.memory_space<hbm>> -> memref<640xf32, #tpu.memory_space<hbm>>
      tpu.enqueue_dma source(%arg13 : memref<640xf32, #tpu.memory_space<vmem>>) target(%dma_start3A_350 : memref<640xf32, #tpu.memory_space<hbm>>) target_semaphore(%run_scoped3A : memref<!tpu.dma_semaphore, #tpu.memory_space<semaphore_mem>>)
      %dma_wait3A = tpu.memref_slice %arg3[%add3A_340] : memref<40960xf32, #tpu.memory_space<hbm>> -> memref<640xf32, #tpu.memory_space<hbm>>
      %dma_wait3A_351 = tpu.memref_slice %arg3[%add3A_340] : memref<40960xf32, #tpu.memory_space<hbm>> -> memref<640xf32, #tpu.memory_space<hbm>>
      tpu.wait_dma2 semaphore(%run_scoped3A : memref<!tpu.dma_semaphore, #tpu.memory_space<semaphore_mem>>) src(%arg13 : memref<640xf32, #tpu.memory_space<vmem>>) dst(%dma_wait3A_351 : memref<640xf32, #tpu.memory_space<hbm>>)
      tpu.yield
    }) : () -> ()
    %mul3A_341 = arith.constant 2 : i32
    %mul3A_342 = arith.muli %arg0, %mul3A_341 : i32
    %mul3A_343 = arith.constant 10240 : i32
    %mul3A_344 = arith.muli %mul3A_342, %mul3A_343 : i32
    %add3A_345 = arith.constant 10240 : i32
    %add3A_346 = arith.addi %mul3A_344, %add3A_345 : i32
    %mul3A_347 = arith.constant 640 : i32
    %mul3A_348 = arith.muli %arg1, %mul3A_347 : i32
    "tpu.region"() ({
      %run_scoped3A = tpu.sem_alloc : memref<!tpu.dma_semaphore, #tpu.memory_space<semaphore_mem>>
      %dma_start3A = tpu.memref_slice %arg5[%mul3A_348] : memref<10240xf32, #tpu.memory_space<vmem_shared>> -> memref<640xf32, #tpu.memory_space<vmem_shared>>
      %dma_start3A_350 = tpu.memref_slice %arg5[%mul3A_348] : memref<10240xf32, #tpu.memory_space<vmem_shared>> -> memref<640xf32, #tpu.memory_space<vmem_shared>>
      tpu.enqueue_dma source(%dma_start3A_350 : memref<640xf32, #tpu.memory_space<vmem_shared>>) target(%arg13 : memref<640xf32, #tpu.memory_space<vmem>>) target_semaphore(%run_scoped3A : memref<!tpu.dma_semaphore, #tpu.memory_space<semaphore_mem>>)
      %dma_wait3A = tpu.memref_slice %arg5[%mul3A_348] : memref<10240xf32, #tpu.memory_space<vmem_shared>> -> memref<640xf32, #tpu.memory_space<vmem_shared>>
      %dma_wait3A_351 = tpu.memref_slice %arg5[%mul3A_348] : memref<10240xf32, #tpu.memory_space<vmem_shared>> -> memref<640xf32, #tpu.memory_space<vmem_shared>>
      tpu.wait_dma2 semaphore(%run_scoped3A : memref<!tpu.dma_semaphore, #tpu.memory_space<semaphore_mem>>) src(%dma_wait3A_351 : memref<640xf32, #tpu.memory_space<vmem_shared>>) dst(%arg13 : memref<640xf32, #tpu.memory_space<vmem>>)
      tpu.yield
    }) : () -> ()
    %add3A_349 = arith.addi %add3A_346, %mul3A_348 : i32
    "tpu.region"() ({
      %run_scoped3A = tpu.sem_alloc : memref<!tpu.dma_semaphore, #tpu.memory_space<semaphore_mem>>
      %dma_start3A = tpu.memref_slice %arg3[%add3A_349] : memref<40960xf32, #tpu.memory_space<hbm>> -> memref<640xf32, #tpu.memory_space<hbm>>
      %dma_start3A_350 = tpu.memref_slice %arg3[%add3A_349] : memref<40960xf32, #tpu.memory_space<hbm>> -> memref<640xf32, #tpu.memory_space<hbm>>
      tpu.enqueue_dma source(%arg13 : memref<640xf32, #tpu.memory_space<vmem>>) target(%dma_start3A_350 : memref<640xf32, #tpu.memory_space<hbm>>) target_semaphore(%run_scoped3A : memref<!tpu.dma_semaphore, #tpu.memory_space<semaphore_mem>>)
      %dma_wait3A = tpu.memref_slice %arg3[%add3A_349] : memref<40960xf32, #tpu.memory_space<hbm>> -> memref<640xf32, #tpu.memory_space<hbm>>
      %dma_wait3A_351 = tpu.memref_slice %arg3[%add3A_349] : memref<40960xf32, #tpu.memory_space<hbm>> -> memref<640xf32, #tpu.memory_space<hbm>>
      tpu.wait_dma2 semaphore(%run_scoped3A : memref<!tpu.dma_semaphore, #tpu.memory_space<semaphore_mem>>) src(%arg13 : memref<640xf32, #tpu.memory_space<vmem>>) dst(%dma_wait3A_351 : memref<640xf32, #tpu.memory_space<hbm>>)
      tpu.yield
    }) : () -> ()
    return
  }
}

module attributes {stable_mosaic.version = 14 : i64} {
  func.func @_scale_body(%arg0: memref<10000x128xf32, #tpu.memory_space<vmem>>, %arg1: memref<2x80x128xf32, #tpu.memory_space<vmem>>, %arg2: memref<10000x128xf32, #tpu.memory_space<vmem>>) attributes {dimension_semantics = [], scalar_prefetch = 0 : i64, scratch_operands = 0 : i64, tpu.core_type = #tpu.core_type<tc>} {
    %get3A = arith.constant 0 : index
    %get3A_0 = arith.constant 0 : index
    %get3A_1 = vector.load %arg0[%get3A, %get3A_0] : memref<10000x128xf32, #tpu.memory_space<vmem>>, vector<10000x128xf32>
    %get3A_2 = arith.constant 0 : index
    %get3A_3 = arith.constant 0 : index
    %get3A_4 = arith.constant 0 : index
    %get3A_5 = vector.load %arg1[%get3A_2, %get3A_3, %get3A_4] : memref<2x80x128xf32, #tpu.memory_space<vmem>>, vector<1x80x128xf32>
    %get3A_6 = vector.shape_cast %get3A_5 : vector<1x80x128xf32> to vector<80x128xf32>
    %get3A_7 = arith.constant 1 : index
    %get3A_8 = arith.constant 0 : index
    %get3A_9 = arith.constant 0 : index
    %get3A_10 = vector.load %arg1[%get3A_7, %get3A_8, %get3A_9] : memref<2x80x128xf32, #tpu.memory_space<vmem>>, vector<1x80x128xf32>
    %get3A_11 = vector.shape_cast %get3A_10 : vector<1x80x128xf32> to vector<80x128xf32>
    %add3A = arith.addf %get3A_6, %get3A_11 : vector<80x128xf32>
    %max3A = arith.constant 1.000000e+00 : f32
    %max3A_12 = vector.broadcast %max3A : f32 to vector<80x128xf32>
    %max3A_13 = arith.maximumf %add3A, %max3A_12 : vector<80x128xf32>
    %rsqrt3A = math.rsqrt %max3A_13 : vector<80x128xf32>
    %transpose3A = tpu.transpose %rsqrt3A, [1, 0] : vector<80x128xf32> -> vector<128x80xf32>
    %slice3A = vector.extract_strided_slice %transpose3A {offsets = [0, 0], sizes = [128, 1], strides = [1, 1]} : vector<128x80xf32> to vector<128x1xf32>
    %slice3A_14 = vector.extract_strided_slice %transpose3A {offsets = [0, 1], sizes = [128, 1], strides = [1, 1]} : vector<128x80xf32> to vector<128x1xf32>
    %slice3A_15 = vector.extract_strided_slice %transpose3A {offsets = [0, 2], sizes = [128, 1], strides = [1, 1]} : vector<128x80xf32> to vector<128x1xf32>
    %slice3A_16 = vector.extract_strided_slice %transpose3A {offsets = [0, 3], sizes = [128, 1], strides = [1, 1]} : vector<128x80xf32> to vector<128x1xf32>
    %slice3A_17 = vector.extract_strided_slice %transpose3A {offsets = [0, 4], sizes = [128, 1], strides = [1, 1]} : vector<128x80xf32> to vector<128x1xf32>
    %slice3A_18 = vector.extract_strided_slice %transpose3A {offsets = [0, 5], sizes = [128, 1], strides = [1, 1]} : vector<128x80xf32> to vector<128x1xf32>
    %slice3A_19 = vector.extract_strided_slice %transpose3A {offsets = [0, 6], sizes = [128, 1], strides = [1, 1]} : vector<128x80xf32> to vector<128x1xf32>
    %slice3A_20 = vector.extract_strided_slice %transpose3A {offsets = [0, 7], sizes = [128, 1], strides = [1, 1]} : vector<128x80xf32> to vector<128x1xf32>
    %slice3A_21 = vector.extract_strided_slice %transpose3A {offsets = [0, 8], sizes = [128, 1], strides = [1, 1]} : vector<128x80xf32> to vector<128x1xf32>
    %slice3A_22 = vector.extract_strided_slice %transpose3A {offsets = [0, 9], sizes = [128, 1], strides = [1, 1]} : vector<128x80xf32> to vector<128x1xf32>
    %slice3A_23 = vector.extract_strided_slice %transpose3A {offsets = [0, 10], sizes = [128, 1], strides = [1, 1]} : vector<128x80xf32> to vector<128x1xf32>
    %slice3A_24 = vector.extract_strided_slice %transpose3A {offsets = [0, 11], sizes = [128, 1], strides = [1, 1]} : vector<128x80xf32> to vector<128x1xf32>
    %slice3A_25 = vector.extract_strided_slice %transpose3A {offsets = [0, 12], sizes = [128, 1], strides = [1, 1]} : vector<128x80xf32> to vector<128x1xf32>
    %slice3A_26 = vector.extract_strided_slice %transpose3A {offsets = [0, 13], sizes = [128, 1], strides = [1, 1]} : vector<128x80xf32> to vector<128x1xf32>
    %slice3A_27 = vector.extract_strided_slice %transpose3A {offsets = [0, 14], sizes = [128, 1], strides = [1, 1]} : vector<128x80xf32> to vector<128x1xf32>
    %slice3A_28 = vector.extract_strided_slice %transpose3A {offsets = [0, 15], sizes = [128, 1], strides = [1, 1]} : vector<128x80xf32> to vector<128x1xf32>
    %slice3A_29 = vector.extract_strided_slice %transpose3A {offsets = [0, 16], sizes = [128, 1], strides = [1, 1]} : vector<128x80xf32> to vector<128x1xf32>
    %slice3A_30 = vector.extract_strided_slice %transpose3A {offsets = [0, 17], sizes = [128, 1], strides = [1, 1]} : vector<128x80xf32> to vector<128x1xf32>
    %slice3A_31 = vector.extract_strided_slice %transpose3A {offsets = [0, 18], sizes = [128, 1], strides = [1, 1]} : vector<128x80xf32> to vector<128x1xf32>
    %slice3A_32 = vector.extract_strided_slice %transpose3A {offsets = [0, 19], sizes = [128, 1], strides = [1, 1]} : vector<128x80xf32> to vector<128x1xf32>
    %slice3A_33 = vector.extract_strided_slice %transpose3A {offsets = [0, 20], sizes = [128, 1], strides = [1, 1]} : vector<128x80xf32> to vector<128x1xf32>
    %slice3A_34 = vector.extract_strided_slice %transpose3A {offsets = [0, 21], sizes = [128, 1], strides = [1, 1]} : vector<128x80xf32> to vector<128x1xf32>
    %slice3A_35 = vector.extract_strided_slice %transpose3A {offsets = [0, 22], sizes = [128, 1], strides = [1, 1]} : vector<128x80xf32> to vector<128x1xf32>
    %slice3A_36 = vector.extract_strided_slice %transpose3A {offsets = [0, 23], sizes = [128, 1], strides = [1, 1]} : vector<128x80xf32> to vector<128x1xf32>
    %slice3A_37 = vector.extract_strided_slice %transpose3A {offsets = [0, 24], sizes = [128, 1], strides = [1, 1]} : vector<128x80xf32> to vector<128x1xf32>
    %slice3A_38 = vector.extract_strided_slice %transpose3A {offsets = [0, 25], sizes = [128, 1], strides = [1, 1]} : vector<128x80xf32> to vector<128x1xf32>
    %slice3A_39 = vector.extract_strided_slice %transpose3A {offsets = [0, 26], sizes = [128, 1], strides = [1, 1]} : vector<128x80xf32> to vector<128x1xf32>
    %slice3A_40 = vector.extract_strided_slice %transpose3A {offsets = [0, 27], sizes = [128, 1], strides = [1, 1]} : vector<128x80xf32> to vector<128x1xf32>
    %slice3A_41 = vector.extract_strided_slice %transpose3A {offsets = [0, 28], sizes = [128, 1], strides = [1, 1]} : vector<128x80xf32> to vector<128x1xf32>
    %slice3A_42 = vector.extract_strided_slice %transpose3A {offsets = [0, 29], sizes = [128, 1], strides = [1, 1]} : vector<128x80xf32> to vector<128x1xf32>
    %slice3A_43 = vector.extract_strided_slice %transpose3A {offsets = [0, 30], sizes = [128, 1], strides = [1, 1]} : vector<128x80xf32> to vector<128x1xf32>
    %slice3A_44 = vector.extract_strided_slice %transpose3A {offsets = [0, 31], sizes = [128, 1], strides = [1, 1]} : vector<128x80xf32> to vector<128x1xf32>
    %slice3A_45 = vector.extract_strided_slice %transpose3A {offsets = [0, 32], sizes = [128, 1], strides = [1, 1]} : vector<128x80xf32> to vector<128x1xf32>
    %slice3A_46 = vector.extract_strided_slice %transpose3A {offsets = [0, 33], sizes = [128, 1], strides = [1, 1]} : vector<128x80xf32> to vector<128x1xf32>
    %slice3A_47 = vector.extract_strided_slice %transpose3A {offsets = [0, 34], sizes = [128, 1], strides = [1, 1]} : vector<128x80xf32> to vector<128x1xf32>
    %slice3A_48 = vector.extract_strided_slice %transpose3A {offsets = [0, 35], sizes = [128, 1], strides = [1, 1]} : vector<128x80xf32> to vector<128x1xf32>
    %slice3A_49 = vector.extract_strided_slice %transpose3A {offsets = [0, 36], sizes = [128, 1], strides = [1, 1]} : vector<128x80xf32> to vector<128x1xf32>
    %slice3A_50 = vector.extract_strided_slice %transpose3A {offsets = [0, 37], sizes = [128, 1], strides = [1, 1]} : vector<128x80xf32> to vector<128x1xf32>
    %slice3A_51 = vector.extract_strided_slice %transpose3A {offsets = [0, 38], sizes = [128, 1], strides = [1, 1]} : vector<128x80xf32> to vector<128x1xf32>
    %slice3A_52 = vector.extract_strided_slice %transpose3A {offsets = [0, 39], sizes = [128, 1], strides = [1, 1]} : vector<128x80xf32> to vector<128x1xf32>
    %slice3A_53 = vector.extract_strided_slice %transpose3A {offsets = [0, 40], sizes = [128, 1], strides = [1, 1]} : vector<128x80xf32> to vector<128x1xf32>
    %slice3A_54 = vector.extract_strided_slice %transpose3A {offsets = [0, 41], sizes = [128, 1], strides = [1, 1]} : vector<128x80xf32> to vector<128x1xf32>
    %slice3A_55 = vector.extract_strided_slice %transpose3A {offsets = [0, 42], sizes = [128, 1], strides = [1, 1]} : vector<128x80xf32> to vector<128x1xf32>
    %slice3A_56 = vector.extract_strided_slice %transpose3A {offsets = [0, 43], sizes = [128, 1], strides = [1, 1]} : vector<128x80xf32> to vector<128x1xf32>
    %slice3A_57 = vector.extract_strided_slice %transpose3A {offsets = [0, 44], sizes = [128, 1], strides = [1, 1]} : vector<128x80xf32> to vector<128x1xf32>
    %slice3A_58 = vector.extract_strided_slice %transpose3A {offsets = [0, 45], sizes = [128, 1], strides = [1, 1]} : vector<128x80xf32> to vector<128x1xf32>
    %slice3A_59 = vector.extract_strided_slice %transpose3A {offsets = [0, 46], sizes = [128, 1], strides = [1, 1]} : vector<128x80xf32> to vector<128x1xf32>
    %slice3A_60 = vector.extract_strided_slice %transpose3A {offsets = [0, 47], sizes = [128, 1], strides = [1, 1]} : vector<128x80xf32> to vector<128x1xf32>
    %slice3A_61 = vector.extract_strided_slice %transpose3A {offsets = [0, 48], sizes = [128, 1], strides = [1, 1]} : vector<128x80xf32> to vector<128x1xf32>
    %slice3A_62 = vector.extract_strided_slice %transpose3A {offsets = [0, 49], sizes = [128, 1], strides = [1, 1]} : vector<128x80xf32> to vector<128x1xf32>
    %slice3A_63 = vector.extract_strided_slice %transpose3A {offsets = [0, 50], sizes = [128, 1], strides = [1, 1]} : vector<128x80xf32> to vector<128x1xf32>
    %slice3A_64 = vector.extract_strided_slice %transpose3A {offsets = [0, 51], sizes = [128, 1], strides = [1, 1]} : vector<128x80xf32> to vector<128x1xf32>
    %slice3A_65 = vector.extract_strided_slice %transpose3A {offsets = [0, 52], sizes = [128, 1], strides = [1, 1]} : vector<128x80xf32> to vector<128x1xf32>
    %slice3A_66 = vector.extract_strided_slice %transpose3A {offsets = [0, 53], sizes = [128, 1], strides = [1, 1]} : vector<128x80xf32> to vector<128x1xf32>
    %slice3A_67 = vector.extract_strided_slice %transpose3A {offsets = [0, 54], sizes = [128, 1], strides = [1, 1]} : vector<128x80xf32> to vector<128x1xf32>
    %slice3A_68 = vector.extract_strided_slice %transpose3A {offsets = [0, 55], sizes = [128, 1], strides = [1, 1]} : vector<128x80xf32> to vector<128x1xf32>
    %slice3A_69 = vector.extract_strided_slice %transpose3A {offsets = [0, 56], sizes = [128, 1], strides = [1, 1]} : vector<128x80xf32> to vector<128x1xf32>
    %slice3A_70 = vector.extract_strided_slice %transpose3A {offsets = [0, 57], sizes = [128, 1], strides = [1, 1]} : vector<128x80xf32> to vector<128x1xf32>
    %slice3A_71 = vector.extract_strided_slice %transpose3A {offsets = [0, 58], sizes = [128, 1], strides = [1, 1]} : vector<128x80xf32> to vector<128x1xf32>
    %slice3A_72 = vector.extract_strided_slice %transpose3A {offsets = [0, 59], sizes = [128, 1], strides = [1, 1]} : vector<128x80xf32> to vector<128x1xf32>
    %slice3A_73 = vector.extract_strided_slice %transpose3A {offsets = [0, 60], sizes = [128, 1], strides = [1, 1]} : vector<128x80xf32> to vector<128x1xf32>
    %slice3A_74 = vector.extract_strided_slice %transpose3A {offsets = [0, 61], sizes = [128, 1], strides = [1, 1]} : vector<128x80xf32> to vector<128x1xf32>
    %slice3A_75 = vector.extract_strided_slice %transpose3A {offsets = [0, 62], sizes = [128, 1], strides = [1, 1]} : vector<128x80xf32> to vector<128x1xf32>
    %slice3A_76 = vector.extract_strided_slice %transpose3A {offsets = [0, 63], sizes = [128, 1], strides = [1, 1]} : vector<128x80xf32> to vector<128x1xf32>
    %slice3A_77 = vector.extract_strided_slice %transpose3A {offsets = [0, 64], sizes = [128, 1], strides = [1, 1]} : vector<128x80xf32> to vector<128x1xf32>
    %slice3A_78 = vector.extract_strided_slice %transpose3A {offsets = [0, 65], sizes = [128, 1], strides = [1, 1]} : vector<128x80xf32> to vector<128x1xf32>
    %slice3A_79 = vector.extract_strided_slice %transpose3A {offsets = [0, 66], sizes = [128, 1], strides = [1, 1]} : vector<128x80xf32> to vector<128x1xf32>
    %slice3A_80 = vector.extract_strided_slice %transpose3A {offsets = [0, 67], sizes = [128, 1], strides = [1, 1]} : vector<128x80xf32> to vector<128x1xf32>
    %slice3A_81 = vector.extract_strided_slice %transpose3A {offsets = [0, 68], sizes = [128, 1], strides = [1, 1]} : vector<128x80xf32> to vector<128x1xf32>
    %slice3A_82 = vector.extract_strided_slice %transpose3A {offsets = [0, 69], sizes = [128, 1], strides = [1, 1]} : vector<128x80xf32> to vector<128x1xf32>
    %slice3A_83 = vector.extract_strided_slice %transpose3A {offsets = [0, 70], sizes = [128, 1], strides = [1, 1]} : vector<128x80xf32> to vector<128x1xf32>
    %slice3A_84 = vector.extract_strided_slice %transpose3A {offsets = [0, 71], sizes = [128, 1], strides = [1, 1]} : vector<128x80xf32> to vector<128x1xf32>
    %slice3A_85 = vector.extract_strided_slice %transpose3A {offsets = [0, 72], sizes = [128, 1], strides = [1, 1]} : vector<128x80xf32> to vector<128x1xf32>
    %slice3A_86 = vector.extract_strided_slice %transpose3A {offsets = [0, 73], sizes = [128, 1], strides = [1, 1]} : vector<128x80xf32> to vector<128x1xf32>
    %slice3A_87 = vector.extract_strided_slice %transpose3A {offsets = [0, 74], sizes = [128, 1], strides = [1, 1]} : vector<128x80xf32> to vector<128x1xf32>
    %slice3A_88 = vector.extract_strided_slice %transpose3A {offsets = [0, 75], sizes = [128, 1], strides = [1, 1]} : vector<128x80xf32> to vector<128x1xf32>
    %slice3A_89 = vector.extract_strided_slice %transpose3A {offsets = [0, 76], sizes = [128, 1], strides = [1, 1]} : vector<128x80xf32> to vector<128x1xf32>
    %slice3A_90 = vector.extract_strided_slice %transpose3A {offsets = [0, 77], sizes = [128, 1], strides = [1, 1]} : vector<128x80xf32> to vector<128x1xf32>
    %slice3A_91 = vector.extract_strided_slice %transpose3A {offsets = [0, 78], sizes = [128, 1], strides = [1, 1]} : vector<128x80xf32> to vector<128x1xf32>
    %slice3A_92 = vector.extract_strided_slice %transpose3A {offsets = [0, 79], sizes = [128, 1], strides = [1, 1]} : vector<128x80xf32> to vector<128x1xf32>
    %concatenate3A = tpu.concatenate %slice3A, %slice3A_14, %slice3A_15, %slice3A_16, %slice3A_17, %slice3A_18, %slice3A_19, %slice3A_20, %slice3A_21, %slice3A_22, %slice3A_23, %slice3A_24, %slice3A_25, %slice3A_26, %slice3A_27, %slice3A_28, %slice3A_29, %slice3A_30, %slice3A_31, %slice3A_32, %slice3A_33, %slice3A_34, %slice3A_35, %slice3A_36, %slice3A_37, %slice3A_38, %slice3A_39, %slice3A_40, %slice3A_41, %slice3A_42, %slice3A_43, %slice3A_44, %slice3A_45, %slice3A_46, %slice3A_47, %slice3A_48, %slice3A_49, %slice3A_50, %slice3A_51, %slice3A_52, %slice3A_53, %slice3A_54, %slice3A_55, %slice3A_56, %slice3A_57, %slice3A_58, %slice3A_59, %slice3A_60, %slice3A_61, %slice3A_62, %slice3A_63, %slice3A_64, %slice3A_65, %slice3A_66, %slice3A_67, %slice3A_68, %slice3A_69, %slice3A_70, %slice3A_71, %slice3A_72, %slice3A_73, %slice3A_74, %slice3A_75, %slice3A_76, %slice3A_77, %slice3A_78, %slice3A_79, %slice3A_80, %slice3A_81, %slice3A_82, %slice3A_83, %slice3A_84, %slice3A_85, %slice3A_86, %slice3A_87, %slice3A_88, %slice3A_89, %slice3A_90, %slice3A_91, %slice3A_92 in 0 : vector<128x1xf32>, vector<128x1xf32>, vector<128x1xf32>, vector<128x1xf32>, vector<128x1xf32>, vector<128x1xf32>, vector<128x1xf32>, vector<128x1xf32>, vector<128x1xf32>, vector<128x1xf32>, vector<128x1xf32>, vector<128x1xf32>, vector<128x1xf32>, vector<128x1xf32>, vector<128x1xf32>, vector<128x1xf32>, vector<128x1xf32>, vector<128x1xf32>, vector<128x1xf32>, vector<128x1xf32>, vector<128x1xf32>, vector<128x1xf32>, vector<128x1xf32>, vector<128x1xf32>, vector<128x1xf32>, vector<128x1xf32>, vector<128x1xf32>, vector<128x1xf32>, vector<128x1xf32>, vector<128x1xf32>, vector<128x1xf32>, vector<128x1xf32>, vector<128x1xf32>, vector<128x1xf32>, vector<128x1xf32>, vector<128x1xf32>, vector<128x1xf32>, vector<128x1xf32>, vector<128x1xf32>, vector<128x1xf32>, vector<128x1xf32>, vector<128x1xf32>, vector<128x1xf32>, vector<128x1xf32>, vector<128x1xf32>, vector<128x1xf32>, vector<128x1xf32>, vector<128x1xf32>, vector<128x1xf32>, vector<128x1xf32>, vector<128x1xf32>, vector<128x1xf32>, vector<128x1xf32>, vector<128x1xf32>, vector<128x1xf32>, vector<128x1xf32>, vector<128x1xf32>, vector<128x1xf32>, vector<128x1xf32>, vector<128x1xf32>, vector<128x1xf32>, vector<128x1xf32>, vector<128x1xf32>, vector<128x1xf32>, vector<128x1xf32>, vector<128x1xf32>, vector<128x1xf32>, vector<128x1xf32>, vector<128x1xf32>, vector<128x1xf32>, vector<128x1xf32>, vector<128x1xf32>, vector<128x1xf32>, vector<128x1xf32>, vector<128x1xf32>, vector<128x1xf32>, vector<128x1xf32>, vector<128x1xf32>, vector<128x1xf32>, vector<128x1xf32> -> vector<10240x1xf32>
    %slice3A_93 = vector.extract_strided_slice %concatenate3A {offsets = [0, 0], sizes = [10000, 1], strides = [1, 1]} : vector<10240x1xf32> to vector<10000x1xf32>
    %mul3A = vector.broadcast %slice3A_93 : vector<10000x1xf32> to vector<10000x128xf32>
    %mul3A_94 = arith.mulf %get3A_1, %mul3A : vector<10000x128xf32>
    %swap3A = arith.constant 0 : index
    %swap3A_95 = arith.constant 0 : index
    %swap3A_96 = vector.load %arg2[%swap3A, %swap3A_95] : memref<10000x128xf32, #tpu.memory_space<vmem>>, vector<10000x128xf32>
    tpu.vector_store %arg2[%swap3A, %swap3A_95], %mul3A_94 {strides = array<i32>} : memref<10000x128xf32, #tpu.memory_space<vmem>>, vector<10000x128xf32>,
    return
  }
}

module attributes {stable_mosaic.version = 14 : i64} {
  func.func @_combine_body(%arg0: memref<2x10000x128xf32, #tpu.memory_space<vmem>>, %arg1: memref<2x80x128xf32, #tpu.memory_space<vmem>>, %arg2: memref<10000x128xf32, #tpu.memory_space<vmem>>) attributes {dimension_semantics = [], scalar_prefetch = 0 : i64, scratch_operands = 0 : i64, tpu.core_type = #tpu.core_type<tc>} {
    %get3A = arith.constant 0 : index
    %get3A_0 = arith.constant 0 : index
    %get3A_1 = arith.constant 0 : index
    %get3A_2 = vector.load %arg0[%get3A, %get3A_0, %get3A_1] : memref<2x10000x128xf32, #tpu.memory_space<vmem>>, vector<1x10000x128xf32>
    %get3A_3 = vector.shape_cast %get3A_2 : vector<1x10000x128xf32> to vector<10000x128xf32>
    %get3A_4 = arith.constant 1 : index
    %get3A_5 = arith.constant 0 : index
    %get3A_6 = arith.constant 0 : index
    %get3A_7 = vector.load %arg0[%get3A_4, %get3A_5, %get3A_6] : memref<2x10000x128xf32, #tpu.memory_space<vmem>>, vector<1x10000x128xf32>
    %get3A_8 = vector.shape_cast %get3A_7 : vector<1x10000x128xf32> to vector<10000x128xf32>
    %add3A = arith.addf %get3A_3, %get3A_8 : vector<10000x128xf32>
    %get3A_9 = arith.constant 0 : index
    %get3A_10 = arith.constant 0 : index
    %get3A_11 = arith.constant 0 : index
    %get3A_12 = vector.load %arg1[%get3A_9, %get3A_10, %get3A_11] : memref<2x80x128xf32, #tpu.memory_space<vmem>>, vector<1x80x128xf32>
    %get3A_13 = vector.shape_cast %get3A_12 : vector<1x80x128xf32> to vector<80x128xf32>
    %get3A_14 = arith.constant 1 : index
    %get3A_15 = arith.constant 0 : index
    %get3A_16 = arith.constant 0 : index
    %get3A_17 = vector.load %arg1[%get3A_14, %get3A_15, %get3A_16] : memref<2x80x128xf32, #tpu.memory_space<vmem>>, vector<1x80x128xf32>
    %get3A_18 = vector.shape_cast %get3A_17 : vector<1x80x128xf32> to vector<80x128xf32>
    %add3A_19 = arith.addf %get3A_13, %get3A_18 : vector<80x128xf32>
    %max3A = arith.constant 1.000000e+00 : f32
    %max3A_20 = vector.broadcast %max3A : f32 to vector<80x128xf32>
    %max3A_21 = arith.maximumf %add3A_19, %max3A_20 : vector<80x128xf32>
    %rsqrt3A = math.rsqrt %max3A_21 : vector<80x128xf32>
    %transpose3A = tpu.transpose %rsqrt3A, [1, 0] : vector<80x128xf32> -> vector<128x80xf32>
    %slice3A = vector.extract_strided_slice %transpose3A {offsets = [0, 0], sizes = [128, 1], strides = [1, 1]} : vector<128x80xf32> to vector<128x1xf32>
    %slice3A_22 = vector.extract_strided_slice %transpose3A {offsets = [0, 1], sizes = [128, 1], strides = [1, 1]} : vector<128x80xf32> to vector<128x1xf32>
    %slice3A_23 = vector.extract_strided_slice %transpose3A {offsets = [0, 2], sizes = [128, 1], strides = [1, 1]} : vector<128x80xf32> to vector<128x1xf32>
    %slice3A_24 = vector.extract_strided_slice %transpose3A {offsets = [0, 3], sizes = [128, 1], strides = [1, 1]} : vector<128x80xf32> to vector<128x1xf32>
    %slice3A_25 = vector.extract_strided_slice %transpose3A {offsets = [0, 4], sizes = [128, 1], strides = [1, 1]} : vector<128x80xf32> to vector<128x1xf32>
    %slice3A_26 = vector.extract_strided_slice %transpose3A {offsets = [0, 5], sizes = [128, 1], strides = [1, 1]} : vector<128x80xf32> to vector<128x1xf32>
    %slice3A_27 = vector.extract_strided_slice %transpose3A {offsets = [0, 6], sizes = [128, 1], strides = [1, 1]} : vector<128x80xf32> to vector<128x1xf32>
    %slice3A_28 = vector.extract_strided_slice %transpose3A {offsets = [0, 7], sizes = [128, 1], strides = [1, 1]} : vector<128x80xf32> to vector<128x1xf32>
    %slice3A_29 = vector.extract_strided_slice %transpose3A {offsets = [0, 8], sizes = [128, 1], strides = [1, 1]} : vector<128x80xf32> to vector<128x1xf32>
    %slice3A_30 = vector.extract_strided_slice %transpose3A {offsets = [0, 9], sizes = [128, 1], strides = [1, 1]} : vector<128x80xf32> to vector<128x1xf32>
    %slice3A_31 = vector.extract_strided_slice %transpose3A {offsets = [0, 10], sizes = [128, 1], strides = [1, 1]} : vector<128x80xf32> to vector<128x1xf32>
    %slice3A_32 = vector.extract_strided_slice %transpose3A {offsets = [0, 11], sizes = [128, 1], strides = [1, 1]} : vector<128x80xf32> to vector<128x1xf32>
    %slice3A_33 = vector.extract_strided_slice %transpose3A {offsets = [0, 12], sizes = [128, 1], strides = [1, 1]} : vector<128x80xf32> to vector<128x1xf32>
    %slice3A_34 = vector.extract_strided_slice %transpose3A {offsets = [0, 13], sizes = [128, 1], strides = [1, 1]} : vector<128x80xf32> to vector<128x1xf32>
    %slice3A_35 = vector.extract_strided_slice %transpose3A {offsets = [0, 14], sizes = [128, 1], strides = [1, 1]} : vector<128x80xf32> to vector<128x1xf32>
    %slice3A_36 = vector.extract_strided_slice %transpose3A {offsets = [0, 15], sizes = [128, 1], strides = [1, 1]} : vector<128x80xf32> to vector<128x1xf32>
    %slice3A_37 = vector.extract_strided_slice %transpose3A {offsets = [0, 16], sizes = [128, 1], strides = [1, 1]} : vector<128x80xf32> to vector<128x1xf32>
    %slice3A_38 = vector.extract_strided_slice %transpose3A {offsets = [0, 17], sizes = [128, 1], strides = [1, 1]} : vector<128x80xf32> to vector<128x1xf32>
    %slice3A_39 = vector.extract_strided_slice %transpose3A {offsets = [0, 18], sizes = [128, 1], strides = [1, 1]} : vector<128x80xf32> to vector<128x1xf32>
    %slice3A_40 = vector.extract_strided_slice %transpose3A {offsets = [0, 19], sizes = [128, 1], strides = [1, 1]} : vector<128x80xf32> to vector<128x1xf32>
    %slice3A_41 = vector.extract_strided_slice %transpose3A {offsets = [0, 20], sizes = [128, 1], strides = [1, 1]} : vector<128x80xf32> to vector<128x1xf32>
    %slice3A_42 = vector.extract_strided_slice %transpose3A {offsets = [0, 21], sizes = [128, 1], strides = [1, 1]} : vector<128x80xf32> to vector<128x1xf32>
    %slice3A_43 = vector.extract_strided_slice %transpose3A {offsets = [0, 22], sizes = [128, 1], strides = [1, 1]} : vector<128x80xf32> to vector<128x1xf32>
    %slice3A_44 = vector.extract_strided_slice %transpose3A {offsets = [0, 23], sizes = [128, 1], strides = [1, 1]} : vector<128x80xf32> to vector<128x1xf32>
    %slice3A_45 = vector.extract_strided_slice %transpose3A {offsets = [0, 24], sizes = [128, 1], strides = [1, 1]} : vector<128x80xf32> to vector<128x1xf32>
    %slice3A_46 = vector.extract_strided_slice %transpose3A {offsets = [0, 25], sizes = [128, 1], strides = [1, 1]} : vector<128x80xf32> to vector<128x1xf32>
    %slice3A_47 = vector.extract_strided_slice %transpose3A {offsets = [0, 26], sizes = [128, 1], strides = [1, 1]} : vector<128x80xf32> to vector<128x1xf32>
    %slice3A_48 = vector.extract_strided_slice %transpose3A {offsets = [0, 27], sizes = [128, 1], strides = [1, 1]} : vector<128x80xf32> to vector<128x1xf32>
    %slice3A_49 = vector.extract_strided_slice %transpose3A {offsets = [0, 28], sizes = [128, 1], strides = [1, 1]} : vector<128x80xf32> to vector<128x1xf32>
    %slice3A_50 = vector.extract_strided_slice %transpose3A {offsets = [0, 29], sizes = [128, 1], strides = [1, 1]} : vector<128x80xf32> to vector<128x1xf32>
    %slice3A_51 = vector.extract_strided_slice %transpose3A {offsets = [0, 30], sizes = [128, 1], strides = [1, 1]} : vector<128x80xf32> to vector<128x1xf32>
    %slice3A_52 = vector.extract_strided_slice %transpose3A {offsets = [0, 31], sizes = [128, 1], strides = [1, 1]} : vector<128x80xf32> to vector<128x1xf32>
    %slice3A_53 = vector.extract_strided_slice %transpose3A {offsets = [0, 32], sizes = [128, 1], strides = [1, 1]} : vector<128x80xf32> to vector<128x1xf32>
    %slice3A_54 = vector.extract_strided_slice %transpose3A {offsets = [0, 33], sizes = [128, 1], strides = [1, 1]} : vector<128x80xf32> to vector<128x1xf32>
    %slice3A_55 = vector.extract_strided_slice %transpose3A {offsets = [0, 34], sizes = [128, 1], strides = [1, 1]} : vector<128x80xf32> to vector<128x1xf32>
    %slice3A_56 = vector.extract_strided_slice %transpose3A {offsets = [0, 35], sizes = [128, 1], strides = [1, 1]} : vector<128x80xf32> to vector<128x1xf32>
    %slice3A_57 = vector.extract_strided_slice %transpose3A {offsets = [0, 36], sizes = [128, 1], strides = [1, 1]} : vector<128x80xf32> to vector<128x1xf32>
    %slice3A_58 = vector.extract_strided_slice %transpose3A {offsets = [0, 37], sizes = [128, 1], strides = [1, 1]} : vector<128x80xf32> to vector<128x1xf32>
    %slice3A_59 = vector.extract_strided_slice %transpose3A {offsets = [0, 38], sizes = [128, 1], strides = [1, 1]} : vector<128x80xf32> to vector<128x1xf32>
    %slice3A_60 = vector.extract_strided_slice %transpose3A {offsets = [0, 39], sizes = [128, 1], strides = [1, 1]} : vector<128x80xf32> to vector<128x1xf32>
    %slice3A_61 = vector.extract_strided_slice %transpose3A {offsets = [0, 40], sizes = [128, 1], strides = [1, 1]} : vector<128x80xf32> to vector<128x1xf32>
    %slice3A_62 = vector.extract_strided_slice %transpose3A {offsets = [0, 41], sizes = [128, 1], strides = [1, 1]} : vector<128x80xf32> to vector<128x1xf32>
    %slice3A_63 = vector.extract_strided_slice %transpose3A {offsets = [0, 42], sizes = [128, 1], strides = [1, 1]} : vector<128x80xf32> to vector<128x1xf32>
    %slice3A_64 = vector.extract_strided_slice %transpose3A {offsets = [0, 43], sizes = [128, 1], strides = [1, 1]} : vector<128x80xf32> to vector<128x1xf32>
    %slice3A_65 = vector.extract_strided_slice %transpose3A {offsets = [0, 44], sizes = [128, 1], strides = [1, 1]} : vector<128x80xf32> to vector<128x1xf32>
    %slice3A_66 = vector.extract_strided_slice %transpose3A {offsets = [0, 45], sizes = [128, 1], strides = [1, 1]} : vector<128x80xf32> to vector<128x1xf32>
    %slice3A_67 = vector.extract_strided_slice %transpose3A {offsets = [0, 46], sizes = [128, 1], strides = [1, 1]} : vector<128x80xf32> to vector<128x1xf32>
    %slice3A_68 = vector.extract_strided_slice %transpose3A {offsets = [0, 47], sizes = [128, 1], strides = [1, 1]} : vector<128x80xf32> to vector<128x1xf32>
    %slice3A_69 = vector.extract_strided_slice %transpose3A {offsets = [0, 48], sizes = [128, 1], strides = [1, 1]} : vector<128x80xf32> to vector<128x1xf32>
    %slice3A_70 = vector.extract_strided_slice %transpose3A {offsets = [0, 49], sizes = [128, 1], strides = [1, 1]} : vector<128x80xf32> to vector<128x1xf32>
    %slice3A_71 = vector.extract_strided_slice %transpose3A {offsets = [0, 50], sizes = [128, 1], strides = [1, 1]} : vector<128x80xf32> to vector<128x1xf32>
    %slice3A_72 = vector.extract_strided_slice %transpose3A {offsets = [0, 51], sizes = [128, 1], strides = [1, 1]} : vector<128x80xf32> to vector<128x1xf32>
    %slice3A_73 = vector.extract_strided_slice %transpose3A {offsets = [0, 52], sizes = [128, 1], strides = [1, 1]} : vector<128x80xf32> to vector<128x1xf32>
    %slice3A_74 = vector.extract_strided_slice %transpose3A {offsets = [0, 53], sizes = [128, 1], strides = [1, 1]} : vector<128x80xf32> to vector<128x1xf32>
    %slice3A_75 = vector.extract_strided_slice %transpose3A {offsets = [0, 54], sizes = [128, 1], strides = [1, 1]} : vector<128x80xf32> to vector<128x1xf32>
    %slice3A_76 = vector.extract_strided_slice %transpose3A {offsets = [0, 55], sizes = [128, 1], strides = [1, 1]} : vector<128x80xf32> to vector<128x1xf32>
    %slice3A_77 = vector.extract_strided_slice %transpose3A {offsets = [0, 56], sizes = [128, 1], strides = [1, 1]} : vector<128x80xf32> to vector<128x1xf32>
    %slice3A_78 = vector.extract_strided_slice %transpose3A {offsets = [0, 57], sizes = [128, 1], strides = [1, 1]} : vector<128x80xf32> to vector<128x1xf32>
    %slice3A_79 = vector.extract_strided_slice %transpose3A {offsets = [0, 58], sizes = [128, 1], strides = [1, 1]} : vector<128x80xf32> to vector<128x1xf32>
    %slice3A_80 = vector.extract_strided_slice %transpose3A {offsets = [0, 59], sizes = [128, 1], strides = [1, 1]} : vector<128x80xf32> to vector<128x1xf32>
    %slice3A_81 = vector.extract_strided_slice %transpose3A {offsets = [0, 60], sizes = [128, 1], strides = [1, 1]} : vector<128x80xf32> to vector<128x1xf32>
    %slice3A_82 = vector.extract_strided_slice %transpose3A {offsets = [0, 61], sizes = [128, 1], strides = [1, 1]} : vector<128x80xf32> to vector<128x1xf32>
    %slice3A_83 = vector.extract_strided_slice %transpose3A {offsets = [0, 62], sizes = [128, 1], strides = [1, 1]} : vector<128x80xf32> to vector<128x1xf32>
    %slice3A_84 = vector.extract_strided_slice %transpose3A {offsets = [0, 63], sizes = [128, 1], strides = [1, 1]} : vector<128x80xf32> to vector<128x1xf32>
    %slice3A_85 = vector.extract_strided_slice %transpose3A {offsets = [0, 64], sizes = [128, 1], strides = [1, 1]} : vector<128x80xf32> to vector<128x1xf32>
    %slice3A_86 = vector.extract_strided_slice %transpose3A {offsets = [0, 65], sizes = [128, 1], strides = [1, 1]} : vector<128x80xf32> to vector<128x1xf32>
    %slice3A_87 = vector.extract_strided_slice %transpose3A {offsets = [0, 66], sizes = [128, 1], strides = [1, 1]} : vector<128x80xf32> to vector<128x1xf32>
    %slice3A_88 = vector.extract_strided_slice %transpose3A {offsets = [0, 67], sizes = [128, 1], strides = [1, 1]} : vector<128x80xf32> to vector<128x1xf32>
    %slice3A_89 = vector.extract_strided_slice %transpose3A {offsets = [0, 68], sizes = [128, 1], strides = [1, 1]} : vector<128x80xf32> to vector<128x1xf32>
    %slice3A_90 = vector.extract_strided_slice %transpose3A {offsets = [0, 69], sizes = [128, 1], strides = [1, 1]} : vector<128x80xf32> to vector<128x1xf32>
    %slice3A_91 = vector.extract_strided_slice %transpose3A {offsets = [0, 70], sizes = [128, 1], strides = [1, 1]} : vector<128x80xf32> to vector<128x1xf32>
    %slice3A_92 = vector.extract_strided_slice %transpose3A {offsets = [0, 71], sizes = [128, 1], strides = [1, 1]} : vector<128x80xf32> to vector<128x1xf32>
    %slice3A_93 = vector.extract_strided_slice %transpose3A {offsets = [0, 72], sizes = [128, 1], strides = [1, 1]} : vector<128x80xf32> to vector<128x1xf32>
    %slice3A_94 = vector.extract_strided_slice %transpose3A {offsets = [0, 73], sizes = [128, 1], strides = [1, 1]} : vector<128x80xf32> to vector<128x1xf32>
    %slice3A_95 = vector.extract_strided_slice %transpose3A {offsets = [0, 74], sizes = [128, 1], strides = [1, 1]} : vector<128x80xf32> to vector<128x1xf32>
    %slice3A_96 = vector.extract_strided_slice %transpose3A {offsets = [0, 75], sizes = [128, 1], strides = [1, 1]} : vector<128x80xf32> to vector<128x1xf32>
    %slice3A_97 = vector.extract_strided_slice %transpose3A {offsets = [0, 76], sizes = [128, 1], strides = [1, 1]} : vector<128x80xf32> to vector<128x1xf32>
    %slice3A_98 = vector.extract_strided_slice %transpose3A {offsets = [0, 77], sizes = [128, 1], strides = [1, 1]} : vector<128x80xf32> to vector<128x1xf32>
    %slice3A_99 = vector.extract_strided_slice %transpose3A {offsets = [0, 78], sizes = [128, 1], strides = [1, 1]} : vector<128x80xf32> to vector<128x1xf32>
    %slice3A_100 = vector.extract_strided_slice %transpose3A {offsets = [0, 79], sizes = [128, 1], strides = [1, 1]} : vector<128x80xf32> to vector<128x1xf32>
    %concatenate3A = tpu.concatenate %slice3A, %slice3A_22, %slice3A_23, %slice3A_24, %slice3A_25, %slice3A_26, %slice3A_27, %slice3A_28, %slice3A_29, %slice3A_30, %slice3A_31, %slice3A_32, %slice3A_33, %slice3A_34, %slice3A_35, %slice3A_36, %slice3A_37, %slice3A_38, %slice3A_39, %slice3A_40, %slice3A_41, %slice3A_42, %slice3A_43, %slice3A_44, %slice3A_45, %slice3A_46, %slice3A_47, %slice3A_48, %slice3A_49, %slice3A_50, %slice3A_51, %slice3A_52, %slice3A_53, %slice3A_54, %slice3A_55, %slice3A_56, %slice3A_57, %slice3A_58, %slice3A_59, %slice3A_60, %slice3A_61, %slice3A_62, %slice3A_63, %slice3A_64, %slice3A_65, %slice3A_66, %slice3A_67, %slice3A_68, %slice3A_69, %slice3A_70, %slice3A_71, %slice3A_72, %slice3A_73, %slice3A_74, %slice3A_75, %slice3A_76, %slice3A_77, %slice3A_78, %slice3A_79, %slice3A_80, %slice3A_81, %slice3A_82, %slice3A_83, %slice3A_84, %slice3A_85, %slice3A_86, %slice3A_87, %slice3A_88, %slice3A_89, %slice3A_90, %slice3A_91, %slice3A_92, %slice3A_93, %slice3A_94, %slice3A_95, %slice3A_96, %slice3A_97, %slice3A_98, %slice3A_99, %slice3A_100 in 0 : vector<128x1xf32>, vector<128x1xf32>, vector<128x1xf32>, vector<128x1xf32>, vector<128x1xf32>, vector<128x1xf32>, vector<128x1xf32>, vector<128x1xf32>, vector<128x1xf32>, vector<128x1xf32>, vector<128x1xf32>, vector<128x1xf32>, vector<128x1xf32>, vector<128x1xf32>, vector<128x1xf32>, vector<128x1xf32>, vector<128x1xf32>, vector<128x1xf32>, vector<128x1xf32>, vector<128x1xf32>, vector<128x1xf32>, vector<128x1xf32>, vector<128x1xf32>, vector<128x1xf32>, vector<128x1xf32>, vector<128x1xf32>, vector<128x1xf32>, vector<128x1xf32>, vector<128x1xf32>, vector<128x1xf32>, vector<128x1xf32>, vector<128x1xf32>, vector<128x1xf32>, vector<128x1xf32>, vector<128x1xf32>, vector<128x1xf32>, vector<128x1xf32>, vector<128x1xf32>, vector<128x1xf32>, vector<128x1xf32>, vector<128x1xf32>, vector<128x1xf32>, vector<128x1xf32>, vector<128x1xf32>, vector<128x1xf32>, vector<128x1xf32>, vector<128x1xf32>, vector<128x1xf32>, vector<128x1xf32>, vector<128x1xf32>, vector<128x1xf32>, vector<128x1xf32>, vector<128x1xf32>, vector<128x1xf32>, vector<128x1xf32>, vector<128x1xf32>, vector<128x1xf32>, vector<128x1xf32>, vector<128x1xf32>, vector<128x1xf32>, vector<128x1xf32>, vector<128x1xf32>, vector<128x1xf32>, vector<128x1xf32>, vector<128x1xf32>, vector<128x1xf32>, vector<128x1xf32>, vector<128x1xf32>, vector<128x1xf32>, vector<128x1xf32>, vector<128x1xf32>, vector<128x1xf32>, vector<128x1xf32>, vector<128x1xf32>, vector<128x1xf32>, vector<128x1xf32>, vector<128x1xf32>, vector<128x1xf32>, vector<128x1xf32>, vector<128x1xf32> -> vector<10240x1xf32>
    %slice3A_101 = vector.extract_strided_slice %concatenate3A {offsets = [0, 0], sizes = [10000, 1], strides = [1, 1]} : vector<10240x1xf32> to vector<10000x1xf32>
    %mul3A = vector.broadcast %slice3A_101 : vector<10000x1xf32> to vector<10000x128xf32>
    %mul3A_102 = arith.mulf %add3A, %mul3A : vector<10000x128xf32>
    %swap3A = arith.constant 0 : index
    %swap3A_103 = arith.constant 0 : index
    %swap3A_104 = vector.load %arg2[%swap3A, %swap3A_103] : memref<10000x128xf32, #tpu.memory_space<vmem>>, vector<10000x128xf32>
    tpu.vector_store %arg2[%swap3A, %swap3A_103], %mul3A_102 {strides = array<i32>} : memref<10000x128xf32, #tpu.memory_space<vmem>>, vector<10000x128xf32>,
    return
  }
}

</mosaic_0001>

<sc_bundles>
// kernel: kernel.6.cloned.1.call-start
scs
__scs_entry_jumppad:
0x0: {  	(pc) =	sbr.rel $0x88, $3  }
0x1: {  	(tag) =	ssettag $0x0;
	lr =	simm.s32 $0x1  }
0x2: {  	[smem:$0x3F9F] =	sst lr;
	_ =	strace $0xD0000000  }
0x3: {  	_ = 	snop  }
0x4: {  	_ = 	snop  }
0x5: {  	_ = 	snop  }
0x6: {  	_ = 	snop  }
0x7: {  	_ = 	snop  }
__scs_overlays_trampoline_lowered:
0x8: {  	[smem:$0x3FAE] =	sst s0  }
0x9: {  	[smem:$0x3FAF] =	sst s1  }
0xa: {  	[smem:$0x3FB0] =	sst s2  }
0xb: {  	[smem:$0x3FB1] =	sst s3  }
0xc: {  	[smem:$0x3FB2] =	sst s4  }
0xd: {  	[smem:$0x3FB3] =	sst s5  }
0xe: {  	[smem:$0x3FB4] =	sst s6  }
0xf: {  	[smem:$0x3FB5] =	sst s7  }
0x10: {  	[smem:$0x3FB6] =	sst s8  }
0x11: {  	[smem:$0x3FB7] =	sst s9;
	s0 =	simm.s32 @!p0 $0x0  }
0x12: {  	s1 =	sld [smem:$0x3F9D];
	s0 =	simm.s32 @p0 $0x1  }
0x13: {  	[smem:$0x3FB8] =	sst s0;
	s0 =	simm.s32 @!p1 $0x0  }
0x14: {  	s2 =	sld [smem:$0x3F9C];
	s0 =	simm.s32 @p1 $0x1  }
0x15: {  	[smem:$0x3FB9] =	sst s0;
	s0 =	simm.s32 @!p2 $0x0  }
0x16: {  	s3 =	sld [smem:$0x3FDB];
	s0 =	simm.s32 @p2 $0x1  }
0x17: {  	s4 =	simm.s32 $0x1BF5;
	[smem:$0x3FBB] =	sst s0  }
0x18: {  	s0 =	sld [smem:$0x3F9E];
	_ =	swait.ge [sflag:s4], $0x0  }
0x19: {  	s7 =	sld [smem:$0x3F9F]  }
0x1a: {  	s8 =	sadd.s32 $0xFFFFE003, lr  }
0x1b: {  	s9 =	sadd.s32 $0xFFFFFEF7, lr;
	s5 =	simm.s32 $0xFFFFFFFF;
	p2 =	slt.u32 s8, $0xFFFFF086  }
0x1c: {  	p1 =	slt.u32 s9, $0xF7A;
	s5 =	simm.s32 @!p2 $0x0  }
0x1d: {  	s5 =	simm.s32 @p1 $0x1;
	p0 =	seq.s32 s7, s2  }
0x1e: {  	s7 =	smul.u32 @!p0 $0xF7A, s2;
	p2 =	seq.s32 @!p0 s5, $0x0  }
0x1f: {  	s9 =	smul.u32 $0xF7A, s1;
	s8 =	simm.s32 @!p0 $0x1BF5;
	p2 =	por !p2, p0  }
0x20: {  	[sflag:s8] =	ssyncset.s32 @!p0 $0xFFFFF086;
	s6 =	sadd.s32 @!p0 s3, s7;
	s7 =	simm.s32 @!p0 $0x108  }
0x21: {  	s3 =	sadd.s32 s3, s9;
	s6 =	sadd.s32 @!p0 $0x88, s6;
	s7 =	simm.s32 @p2 $0x1082  }
0x22: {  	[simem:s7], [sflag:s8] =	dma.local @!p0 [hbm:s6], $0xF7A  }
0x23: {  	s9 =	sor.u32 $0xD0000000, s2;
	s6 =	simm.s32 $0x108;
	_ =	swait.ge @!p0 [sflag:s8], $0x0  }
0x24: {  	s3 =	sadd.s32 $0x88, s3;
	s6 =	simm.s32 @!p1 $0x1082;
	[sflag:s4] =	ssyncset.s32 $0xFFFFF086  }
0x25: {  	[simem:s6], [sflag:s4] =	dma.local [hbm:s3], $0xF7A  }
0x26: {  	[smem:$0x3F9F] =	sst s1;
	(tag) =	ssettag s2;
	_ =	strace s9  }
0x27: {  	s1 =	sld [smem:$0x3FAF]  }
0x28: {  	s2 =	sld [smem:$0x3FB0]  }
0x29: {  	s4 =	sld [smem:$0x3FB2]  }
0x2a: {  	p0 =	seq.s32 s5, $0x0;
	s5 =	sld [smem:$0x3FB3]  }
0x2b: {  	s6 =	sld [smem:$0x3FB4]  }
0x2c: {  	s7 =	sld [smem:$0x3FB5]  }
0x2d: {  	s3 =	simm.s32 $0x108;
	s8 =	sld [smem:$0x3FB6]  }
0x2e: {  	s3 =	simm.s32 @!p0 $0x1082;
	s9 =	sld [smem:$0x3FB7]  }
0x2f: {  	lr =	sadd.s32 s0, s3;
	s0 =	sld [smem:$0x3FAE]  }
0x30: {  	s3 =	sld [smem:$0x3FB1]  }
0x31: {  	[smem:$0x3FBA] =	sst s10  }
0x32: {  	s10 =	sld [smem:$0x3FB8];
	_ =	sdelay $0x3  }
0x33: {  	p0 =	seq.s32 s10, $0x1;
	s10 =	sld [smem:$0x3FBA];
	_ =	sdelay $0x3  }
0x34: {  	[smem:$0x3FBA] =	sst s10  }
0x35: {  	s10 =	sld [smem:$0x3FB9];
	_ =	sdelay $0x3  }
0x36: {  	p1 =	seq.s32 s10, $0x1;
	s10 =	sld [smem:$0x3FBA];
	_ =	sdelay $0x3  }
0x37: {  	[smem:$0x3FBA] =	sst s10  }
0x38: {  	s10 =	sld [smem:$0x3FBB]  }
0x39: {  	_ = 	snop;
	(pc) =	sbr.ind lr, $3  }
0x3a: {  	_ = 	snop  }
0x3b: {  	_ = 	snop  }
0x3c: {  	p2 =	seq.s32 s10, $0x1;
	s10 =	sld [smem:$0x3FBA]  }
0x3d: {  	_ =	shalt  }
0x3e: {  	_ =	shalt  }
0x3f: {  	_ =	shalt  }
0x40: {  	_ =	shalt  }
0x41: {  	_ =	shalt  }
0x42: {  	_ =	shalt  }
0x43: {  	_ =	shalt  }
0x44: {  	_ =	shalt  }
0x45: {  	_ =	shalt  }
0x46: {  	_ =	shalt  }
0x47: {  	_ =	shalt  }
0x48: {  	_ =	shalt  }
0x49: {  	_ =	shalt  }
0x4a: {  	_ =	shalt  }
0x4b: {  	_ =	shalt  }
0x4c: {  	_ =	shalt  }
0x4d: {  	_ =	shalt  }
0x4e: {  	_ =	shalt  }
0x4f: {  	_ =	shalt  }
0x50: {  	_ =	shalt  }
0x51: {  	_ =	shalt  }
0x52: {  	_ =	shalt  }
0x53: {  	_ =	shalt  }
0x54: {  	_ =	shalt  }
0x55: {  	_ =	shalt  }
0x56: {  	_ =	shalt  }
0x57: {  	_ =	shalt  }
0x58: {  	_ =	shalt  }
0x59: {  	_ =	shalt  }
0x5a: {  	_ =	shalt  }
0x5b: {  	_ =	shalt  }
0x5c: {  	_ =	shalt  }
0x5d: {  	_ =	shalt  }
0x5e: {  	_ =	shalt  }
0x5f: {  	_ =	shalt  }
0x60: {  	_ =	shalt  }
0x61: {  	_ =	shalt  }
0x62: {  	_ =	shalt  }
0x63: {  	_ =	shalt  }
0x64: {  	_ =	shalt  }
0x65: {  	_ =	shalt  }
0x66: {  	_ =	shalt  }
0x67: {  	_ =	shalt  }
0x68: {  	_ =	shalt  }
0x69: {  	_ =	shalt  }
0x6a: {  	_ =	shalt  }
0x6b: {  	_ =	shalt  }
0x6c: {  	_ =	shalt  }
0x6d: {  	_ =	shalt  }
0x6e: {  	_ =	shalt  }
0x6f: {  	_ =	shalt  }
0x70: {  	_ =	shalt  }
0x71: {  	_ =	shalt  }
0x72: {  	_ =	shalt  }
0x73: {  	_ =	shalt  }
0x74: {  	_ =	shalt  }
0x75: {  	_ =	shalt  }
0x76: {  	_ =	shalt  }
0x77: {  	_ =	shalt  }
0x78: {  	_ =	shalt  }
0x79: {  	_ =	shalt  }
0x7a: {  	_ =	shalt  }
0x7b: {  	_ =	shalt  }
0x7c: {  	_ =	shalt  }
0x7d: {  	_ =	shalt  }
0x7e: {  	_ =	shalt  }
0x7f: {  	_ =	shalt  }
0x80: {  	_ =	shalt  }
0x81: {  	_ =	shalt  }
0x82: {  	_ =	shalt  }
0x83: {  	_ =	shalt  }
0x84: {  	_ =	shalt  }
0x85: {  	_ =	shalt  }
0x86: {  	_ =	shalt  }
0x87: {  	_ =	shalt  }
.Lfunc_end0:
.L_simem_size_0:
called_computation_lowered:
.L_overlay_start_0:
0x88: {  	s2 =	sld [smem:$0x3FD9]  }
0x89: {  	s3 =	sld [smem:$0x3FFE];
	_ =	sdelay $0x1  }
0x8a: {  	s1 =	srdreg.scid  }
0x8b: {  	s0 =	sand.u32 $0x1, s1  }
0x8c: {  	s17 =	sshll.u32 s0, $0xA;
	s2 =	sadd.s32 s3, s2  }
0x8d: {  	s2 =	sadd.s32 s2, s17  }
0x8e: {  	[smem:$0x3FC6] =	sst s2  }
0x8f: {  	_ = 	snop  }
0x90: {  	s2 =	sld [smem:$0x3FD0];
	(tm) =	ssettm $0x1  }
0x91: {  	s18 =	sld [smem:$0x3FFB];
	_ =	sdelay $0x3  }
0x92: {  	_ =	strace s18  }
0x93: {  	s3 =	sld [smem:$0x3FFC];
	_ =	sdelay $0x3  }
0x94: {  	_ =	strace s3  }
0x95: {  	s3 =	sld [smem:$0x3FFD];
	_ =	sdelay $0x3  }
0x96: {  	_ =	strace s3  }
0x97: {  	_ =	strace $0x8FFFFFFF  }
0x98: {  	s19 =	sld [smem:$0x3FDB];
	_ =	sdelay $0x1  }
0x99: {  	s4 =	simm.s32 $_scs_section_size  }
0x9a: {  	s5 =	simm.s32 $_size__tile_overlayer_lowered;
	s6 =	simm.s32 $_tile_overlayer_lowered  }
0x9b: {  	s22 =	simm.s32 $0x1BFF;
	s21 =	sshll.u32 s6, $0x1;
	s3 =	sadd.s32 s4, s19  }
0x9c: {  	s7 =	simm.s32 $0x0;
	s20 =	sshll.u32 s5, $0x1;
	s5 =	sadd.s32 s21, s3  }
0x9d: {  	[timem:s7], [sflag:s22] =	dma.local [hbm:s5], s20  }
0x9e: {  	_ =	swait.ge [sflag:s22], s20  }
0x9f: {  	s4 =	ssub.s32 $0x0, s20;
	[sflag:s22] =	ssyncset.done $0x0  }
0xa0: {  	[sflag:s22] =	ssyncadd.s32 s4;
	_ =	sdelay $0x1  }
0xa1: {  	s23 =	simm.s32 $0x1B8B  }
0xa2: {  	_ =	swait.ge [sflag:s23], $0x1  }
0xa3: {  	[sflag:s23] =	ssyncset.done $0x0  }
0xa4: {  	s25 =	simm.s32 $0x1B8E;
	s24 =	sld [smem:$0x3FFE];
	[sflag:s23] =	ssyncadd.s32 $0xFFFFFFFF  }
0xa5: {  	s26 =	simm.s32 $execute0_lowered;
	[smem:$0x3FD2] =	sst s25  }
0xa6: {  	s5 =	sshll.u32 s26, $0x1;
	_ =	strace $0x80000046;
	[dreg:$0x1] =	wrdreg $0xFFFFFFFF  }
0xa7: {  	s28 =	simm.s32 $_size_execute0_lowered;
	s3 =	sadd.s32 s3, s5;
	[dreg:$0x0] =	wrdreg $0x0  }
0xa8: {  	s5 =	sshll.u32 s28, $0x1;
	[dreg:$0x2] =	wrdreg s3  }
0xa9: {  	[dreg:$0x3] =	wrdreg s5  }
0xaa: {  	[dreg:$0x4] =	wrdreg $0xC0  }
0xab: {  	_ =	task [dreg:s7], $0x5FFFF  }
0xac: {  	[dreg:$0x1] =	wrdreg $0xFFFFFFFF  }
0xad: {  	[dreg:$0x0] =	wrdreg $0x60  }
0xae: {  	[dreg:$0x2] =	wrdreg s24  }
0xaf: {  	[dreg:$0x3] =	wrdreg s2  }
0xb0: {  	[dreg:$0x4] =	wrdreg $0x0  }
0xb1: {  	[dreg:$0x5] =	wrdreg $0x2800  }
0xb2: {  	[dreg:$0x6] =	wrdreg $0x9  }
0xb3: {  	_ =	task.clear_ibuf [dreg:s7], $0x7FFFF;
	_ =	strace $0x90000046  }
0xb4: {  	s29 =	simm.s32 $0x9;
	_ =	strace $0x80000048  }
0xb5: {  	_ =	swait.ge [sflag:s29], $0x1  }
0xb6: {  	[sflag:s29] =	ssyncadd.s32 $0xFFFFFFFF  }
0xb7: {  	_ =	strace $0x90000048  }
0xb8: {  	_ =	sfence  }
0xb9: {  	s30 =	sld [smem:$0x0];
	_ =	sdelay $0x2  }
0xba: {  	s31 =	sshll.u32 s1, $0xD;
	s1 =	sshrl.u32 s1, $0x2  }
0xbb: {  	s3 =	sand.u32 $0x4000, s31;
	s1 =	sadd.s32 s1, s30  }
0xbc: {  	s0 =	sor.u32 s3, s0;
	s1 =	sshll.u32 s1, $0x11  }
0xbd: {  	s0 =	sor.u32 s1, s0  }
0xbe: {  	s0 =	sadd.s32 $0x8F2B, s0  }
0xbf: {  	[sflag:s0] =	ssyncadd.remote.s32 $0x1  }
0xc0: {  	_ =	sfence.sel $0xFFFF  }
0xc1: {  	[dreg:$0x0] =	wrdreg $0xFFFFFFFF;
	(pc) =	sbr.abs _section_cstart, $3  }
0xc2: {  	[dreg:$0x1] =	wrdreg $0xFFFFFFFF  }
0xc3: {  	_ =	task.clear_ibuf [dreg:s7], $0x2FFFF;
	_ =	strace $0x9FFFFFFF  }
0xc4: {  	(tm) =	ssettm $0x7FFFFFFF  }
0xc5: {  	_ =	shalt  }
tec
execute0_lowered:
.L_overlay_start_1:
0x0: {  	(tag) =	ssettag $0x1  }
0x1: {  	s5 =	rddreg [dreg:$0x0]  }
0x2: {  	s10 =	rddreg [dreg:$0x1]  }
0x3: {  	s2 =	rddreg [dreg:$0x2];
	s1 =	srdreg.scid  }
0x4: {  	s0 =	stileid.u32;
	s3 =	rddreg [dreg:$0x3];
	s4 =	simm.s32 $0x0  }
0x5: {  	s14 =	simm.s32 $0x500;
	s15 =	simm.s32 $0x2;
	s16 =	simm.s32 $0x2C00  }
0x6: {  	s17 =	simm.s32 $0xA480;
	s18 =	simm.s32 $0x80;
	s19 =	simm.s32 $0xA400  }
0x7: {  	s20 =	simm.s32 $0x1;
	s6 =	sand.u32 $0x1, s1;
	s1 =	rddreg [dreg:$0x4]  }
0x8: {  	s21 =	simm.s32 $0x0;
	s7 =	sshll.u32 s0, $0x1;
	[smem:$0x7FF] =	sst s4  }
0x9: {  	s11 =	smul.u32 $0x280, s0;
	s12 =	sadd.s32 $0x1600, s5;
	p0 =	sgt.u32 s0, $0x1  }
0xa: {  	s7 =	sor.u32 s6, s7;
	s9 =	ssub.s32 $0x2, s6;
	s6 =	smul.u32 $0x5000, s6  }
0xb: {  	s8 =	smul.u32 $0x2700, s7;
	s26 =	sshrl.u32 s9, $0x1;
	s7 =	sshll.u32 s7, $0x4  }
0xc: {  	_ =	strace $0x80000047;
	s13 =	ssub.s32 s9, s26;
	s29 =	sadd.s32 s7, s12  }
0xd: {  	s30 =	sadd.s32 s11, s6;
	s9 =	sadd.s32 s11, s2;
	s11 =	sadd.s32 s11, s3  }
0xe: {  	s28 =	sshrl.u32 s8, $0x3;
	s7 =	sadd.s32 $0x9C00, s29;
	s31 =	sshrl.u32 s30, $0x3  }
0xf: {  	s8 =	sadd.s32 $0x13840, s29;
	s5 =	sadd.s32 s12, s28;
	s10 =	sadd.s32 s10, s31  }
0x10: {  	v0 =	vimm.f32 $1.000000000e+00;
	v1 =	vimm.f32 $0.0e+00;
	s13 =	smax.u32 s13, $0x1;
	s6 =	sadd.s32 $0x9C40, s5;
	s12 =	sadd.s32 $0x500, s10  }
.LBB2_1:
0x11: {  	[tilespmem:s14], [sflag:$0x2] =	stream.linear.gather [hbm4b:s5+s4], $0x2700, $0x38;
	[tilespmem:$0xA700] =	vst v63  }
0x12: {  	_ =	swait.ge [sflag:s15], $0x2700  }
0x13: {  	[sflag:s15] =	ssyncset.done $0x0  }
0x14: {  	[sflag:s15] =	ssyncadd.s32 $0xFFFFD900  }
0x15: {  	[tilespmem:s16], [sflag:$0x2] =	stream.linear.gather [hbm4b:s6+s4], $0x2700, $0x38;
	[tilespmem:$0xA700] =	vst v63  }
0x16: {  	_ =	swait.ge [sflag:s15], $0x2700  }
0x17: {  	[sflag:s15] =	ssyncset.done $0x0  }
0x18: {  	s22 =	simm.s32 @!p0 $0x0;
	s23 =	simm.s32 @!p0 $0xA300;
	[sflag:s15] =	ssyncadd.s32 $0xFFFFD900  }
0x19: {  	[tilespmem:s23], [sflag:$0x2] =	stream.linear.gather @!p0 [hbm4b:s7+s22], $0x80, $0x38;
	[tilespmem:$0xA700] =	vst v63  }
0x1a: {  	s23 =	simm.s32 @!p0 $0x2  }
0x1b: {  	_ =	swait.ge @!p0 [sflag:s23], $0x80  }
0x1c: {  	[sflag:s23] =	ssyncset.done @!p0 $0x0  }
0x1d: {  	s24 =	simm.s32 @!p0 $0xA380;
	[sflag:s23] =	ssyncadd.s32 @!p0 $0xFFFFFF80  }
0x1e: {  	[tilespmem:s24], [sflag:$0x2] =	stream.linear.gather @!p0 [hbm4b:s8+s22], $0x80, $0x38;
	[tilespmem:$0xA700] =	vst v63  }
0x1f: {  	_ =	swait.ge @!p0 [sflag:s23], $0x80  }
0x20: {  	[sflag:s23] =	ssyncset.done @!p0 $0x0  }
0x21: {  	s22 =	simm.s32 $0x0;
	[sflag:s23] =	ssyncadd.s32 @!p0 $0xFFFFFF80  }
0x22: {  	v2 =	vld [tilespmem:s22+$0x2C00]  }
0x23: {  	s23 =	simm.s32 $0x40;
	v3 =	vld [tilespmem:s22+$0x500]  }
.LBB2_2:
0x24: {  	p1 =	sne.s32 s23, $0x9BC0  }
.Ltmp0:
0x25: {  	_ = 	snop;
	(pc) =	sbr.rel @p1 .LBB2_2-.Ltmp0, $4  }
0x26: {  	_ = 	snop  }
0x27: {  	s24 =	sshra.s32 s23, $0x2;
	s23 =	sadd.s32 $0x40, s23;
	[tilespmem:s22+$0x7B00] =	vst v2  }
0x28: {  	v2 =	vld [tilespmem:s24+$0x2C00];
	[tilespmem:s22+$0x5300] =	vst v3;
	s22 =	smov.u32 s24  }
0x29: {  	v3 =	vld [tilespmem:s22+$0x500]  }
0x2a: {  	_ =	sdelay $0x2  }
0x2b: {  	[tilespmem:s22+$0x7B00] =	vst v2  }
0x2c: {  	[tilespmem:s22+$0x5300] =	vst v3  }
0x2d: {  	[tilespmem:$0xA400] =	vst v0  }
0x2e: {  	[tilespmem:$0xA410] =	vst v0  }
0x2f: {  	[tilespmem:$0xA420] =	vst v0  }
0x30: {  	[tilespmem:$0xA430] =	vst v0  }
0x31: {  	[tilespmem:$0xA440] =	vst v0  }
0x32: {  	[tilespmem:$0xA450] =	vst v0  }
0x33: {  	[tilespmem:$0xA460] =	vst v0  }
0x34: {  	[tilespmem:$0xA470] =	vst v0  }
0x35: {  	[tilespmem:$0xA480] =	vst v1  }
0x36: {  	[tilespmem:$0xA490] =	vst v1  }
0x37: {  	[tilespmem:$0xA4A0] =	vst v1  }
0x38: {  	[tilespmem:$0xA4B0] =	vst v1  }
0x39: {  	[tilespmem:$0xA4C0] =	vst v1  }
0x3a: {  	[tilespmem:$0xA4D0] =	vst v1  }
0x3b: {  	[tilespmem:$0xA4E0] =	vst v1  }
0x3c: {  	[tilespmem:$0xA4F0] =	vst v1  }
0x3d: {  	[tilespmem:$0xA500] =	vst v1  }
0x3e: {  	[tilespmem:$0xA510] =	vst v1  }
0x3f: {  	[tilespmem:$0xA520] =	vst v1  }
0x40: {  	[tilespmem:$0xA530] =	vst v1  }
0x41: {  	[tilespmem:$0xA540] =	vst v1  }
0x42: {  	[tilespmem:$0xA550] =	vst v1  }
0x43: {  	[tilespmem:$0xA560] =	vst v1  }
0x44: {  	[tilespmem:$0xA570] =	vst v1  }
0x45: {  	[tilespmem:$0xA580] =	vst v1  }
0x46: {  	[tilespmem:$0xA590] =	vst v1  }
0x47: {  	[tilespmem:$0xA5A0] =	vst v1  }
0x48: {  	[tilespmem:$0xA5B0] =	vst v1  }
0x49: {  	[tilespmem:$0xA5C0] =	vst v1  }
0x4a: {  	[tilespmem:$0xA5D0] =	vst v1  }
0x4b: {  	[tilespmem:$0xA5E0] =	vst v1  }
0x4c: {  	[tilespmem:$0xA5F0] =	vst v1  }
0x4d: {  	[tilespmem:$0xA600] =	vst v1  }
0x4e: {  	[tilespmem:$0xA610] =	vst v1  }
0x4f: {  	[tilespmem:$0xA620] =	vst v1  }
0x50: {  	[tilespmem:$0xA630] =	vst v1  }
0x51: {  	[tilespmem:$0xA640] =	vst v1  }
0x52: {  	[tilespmem:$0xA650] =	vst v1  }
0x53: {  	[tilespmem:$0xA660] =	vst v1  }
0x54: {  	[tilespmem:$0xA670] =	vst v1  }
0x55: {  	[tilespmem:$0xA680] =	vst v1  }
0x56: {  	[tilespmem:$0xA690] =	vst v1  }
0x57: {  	[tilespmem:$0xA6A0] =	vst v1  }
0x58: {  	[tilespmem:$0xA6B0] =	vst v1  }
0x59: {  	[tilespmem:$0xA6C0] =	vst v1  }
0x5a: {  	[tilespmem:$0xA6D0] =	vst v1  }
0x5b: {  	[tilespmem:$0xA6E0] =	vst v1  }
0x5c: {  	[tilespmem:$0xA6F0] =	vst v1  }
0x5d: {  	[spmem:s9] =	stream.linear.scatter [tilespmem:s17], [sflag:$0x2], $0x280, $0x38;
	[tilespmem:$0xA700] =	vst v63  }
0x5e: {  	_ =	swait.ge [sflag:s15], $0x280  }
0x5f: {  	[sflag:s15] =	ssyncset.done $0x0  }
0x60: {  	[sflag:s15] =	ssyncadd.s32 $0xFFFFFD80  }
0x61: {  	[spmem:s11] =	stream.linear.scatter [tilespmem:s17], [sflag:$0x2], $0x280, $0x38;
	[tilespmem:$0xA700] =	vst v63  }
0x62: {  	_ =	swait.ge [sflag:s15], $0x280  }
0x63: {  	[sflag:s15] =	ssyncset.done $0x0  }
0x64: {  	s31 =	simm.s32 $0x5300;
	[sflag:s15] =	ssyncadd.s32 $0xFFFFFD80  }
0x65: {  	s23 =	simm.s32 $0x7B00;
	s22 =	simm.s32 $0x200;
	[bflag:$0x0] =	sbarrier.arrive $0xFFFF  }
0x66: {  	[spmem:s2] =	stream.indirect.scatter.add.f32 [tilespmem:s19], [sflag:$0x1], $0x1, s31, s18, $0xb8;
	[tilespmem:$0xA700] =	vst v63  }
.LBB2_4:
0x67: {  	[spmem:s3] =	stream.indirect.scatter.add.f32 [tilespmem:s19], [sflag:$0x1], $0x1, s23, s18, $0xb8;
	[tilespmem:$0xA700] =	vst v63  }
0x68: {  	s23 =	smov.u32 s22;
	p1 =	sne.s32 s22, $0x9A00  }
.Ltmp1:
0x69: {  	s22 =	sadd.s32 $0x200, s22;
	(pc) =	sbr.rel @p1 .LBB2_4-.Ltmp1, $4  }
0x6a: {  	s23 =	sshra.s32 s23, $0x2  }
0x6b: {  	s24 =	sadd.s32 $0x5300, s23  }
0x6c: {  	[spmem:s2] =	stream.indirect.scatter.add.f32 [tilespmem:s19], [sflag:$0x1], $0x1, s24, s18, $0xb8;
	[tilespmem:$0xA700] =	vst v63  }
0x6d: {  	s23 =	sadd.s32 $0x7B00, s23  }
0x6e: {  	[spmem:s3] =	stream.indirect.scatter.add.f32 [tilespmem:s19], [sflag:$0x1], $0x1, s23, s18, $0xb8;
	[tilespmem:$0xA700] =	vst v63  }
0x6f: {  	s22 =	simm.s32 @!p0 $0x80;
	s23 =	simm.s32 @!p0 $0xA300;
	s24 =	simm.s32 @!p0 $0xA400  }
0x70: {  	[spmem:s2] =	stream.indirect.scatter.add.f32 @!p0 [tilespmem:s24], [sflag:$0x1], $0x1, s23, s22, $0xb8;
	[tilespmem:$0xA700] =	vst v63  }
0x71: {  	s23 =	simm.s32 @!p0 $0xA380  }
0x72: {  	[spmem:s3] =	stream.indirect.scatter.add.f32 @!p0 [tilespmem:s24], [sflag:$0x1], $0x1, s23, s22, $0xb8;
	[tilespmem:$0xA700] =	vst v63  }
0x73: {  	_ =	swait.ge [sflag:s20], $0x80  }
0x74: {  	[sflag:s20] =	ssyncset.done $0x0  }
0x75: {  	[sflag:s20] =	ssyncadd.s32 $0xFFFFFF80  }
0x76: {  	_ =	swait.ge [sflag:s20], $0x80  }
0x77: {  	s22 =	simm.s32 $0x4D;
	[sflag:s20] =	ssyncset.done $0x0  }
.LBB2_6:
0x78: {  	p1 =	sne.s32 s22, $0x1;
	s22 =	sadd.s32 $0xFFFFFFFF, s22;
	[sflag:s20] =	ssyncadd.s32 $0xFFFFFF80  }
.Ltmp2:
0x79: {  	_ =	swait.ge [sflag:s20], $0x80;
	(pc) =	sbr.rel @p1 .LBB2_6-.Ltmp2, $4  }
0x7a: {  	[sflag:s20] =	ssyncset.done $0x0  }
0x7b: {  	[sflag:s20] =	ssyncadd.s32 $0xFFFFFF80  }
0x7c: {  	_ =	swait.ge [sflag:s20], $0x80  }
0x7d: {  	[sflag:s20] =	ssyncset.done $0x0  }
0x7e: {  	[sflag:s20] =	ssyncadd.s32 $0xFFFFFF80;
	s22 =	simm.s32 @!p0 $0x1  }
0x7f: {  	_ =	swait.ge @!p0 [sflag:s22], $0x80  }
0x80: {  	[sflag:s22] =	ssyncset.done @!p0 $0x0  }
0x81: {  	[sflag:s22] =	ssyncadd.s32 @!p0 $0xFFFFFF80  }
0x82: {  	_ =	swait.ge @!p0 [sflag:s22], $0x80  }
0x83: {  	[sflag:s22] =	ssyncset.done @!p0 $0x0  }
0x84: {  	[sflag:s22] =	ssyncadd.s32 @!p0 $0xFFFFFF80  }
0x85: {  	[bflag:$0x0] =	sbarrier.arrive $0xFFFF  }
0x86: {  	[tilespmem:s17], [sflag:$0x2] =	stream.linear.gather [spmem:s9], $0x280, $0x38;
	[tilespmem:$0xA700] =	vst v63  }
0x87: {  	_ =	swait.ge [sflag:s15], $0x280  }
0x88: {  	[sflag:s15] =	ssyncset.done $0x0  }
0x89: {  	[sflag:s15] =	ssyncadd.s32 $0xFFFFFD80  }
0x8a: {  	[hbm4b:s10+s4] =	stream.linear.scatter [tilespmem:s17], [sflag:$0x2], $0x280, $0x38;
	[tilespmem:$0xA700] =	vst v63  }
0x8b: {  	_ =	swait.ge [sflag:s15], $0x280  }
0x8c: {  	[sflag:s15] =	ssyncset.done $0x0  }
0x8d: {  	[sflag:s15] =	ssyncadd.s32 $0xFFFFFD80  }
0x8e: {  	[tilespmem:s17], [sflag:$0x2] =	stream.linear.gather [spmem:s11], $0x280, $0x38;
	[tilespmem:$0xA700] =	vst v63  }
0x8f: {  	s21 =	sadd.s32 $0x1, s21;
	_ =	swait.ge [sflag:s15], $0x280  }
0x90: {  	p1 =	sne.s32 s21, s13;
	[sflag:s15] =	ssyncset.done $0x0  }
.Ltmp3:
0x91: {  	[sflag:s15] =	ssyncadd.s32 $0xFFFFFD80;
	(pc) =	sbr.rel @p1 .LBB2_1-.Ltmp3, $4  }
0x92: {  	[hbm4b:s12+s4] =	stream.linear.scatter [tilespmem:s17], [sflag:$0x2], $0x280, $0x38;
	[tilespmem:$0xA700] =	vst v63  }
0x93: {  	_ =	swait.ge [sflag:s15], $0x280  }
0x94: {  	[sflag:s15] =	ssyncset.done $0x0  }
0x95: {  	[sflag:s15] =	ssyncadd.s32 $0xFFFFFD80  }
0x96: {  	_ =	sfence.sel $0x180000  }
0x97: {  	[bflag:$0x0] =	sbarrier.arrive $0xFFFF  }
0x98: {  	p0 =	sne.s32 s0, $0x0;
	_ =	strace $0x90000047  }
0x99: {  	s0 =	sadd.s32 @!p0 $0x100000, s1;
	[bflag:$0x2] =	sbarrier.arrive $0xFFFF  }
0x9a: {  	[sflag:s0] =	ssyncadd.tile.s32 @!p0 $0x1;
	_ =	shalt  }
.Lfunc_end2:
_tile_overlayer_lowered:
.L_overlay_start_2:
0x9b: {  	(tag) =	ssettag $0x2  }
0x9c: {  	s0 =	rddreg [dreg:$0x0];
	s2 =	stileid.u32  }
0x9d: {  	s1 =	rddreg [dreg:$0x1];
	p0 =	sne.s32 s2, $0x0  }
0x9e: {  	s3 =	rddreg [dreg:$0x2];
	[bflag:$0x3] =	sbarrier.arrive $0xFFFF;
	s2 =	simm.s32 @!p0 $0x1C02  }
0x9f: {  	[timem:s3], [sflag:s2] =	dma.local @!p0 [hbm:s0], s1  }
0xa0: {  	s0 =	simm.s32 @!p0 $0x2  }
0xa1: {  	_ =	swait.ge @!p0 [sflag:s0], s1  }
0xa2: {  	s1 =	ssub.s32 @!p0 $0x0, s1;
	[sflag:s0] =	ssyncset.done @!p0 $0x0  }
0xa3: {  	[sflag:s0] =	ssyncadd.s32 @!p0 s1  }
0xa4: {  	[bflag:$0x3] =	sbarrier.arrive $0xFFFF  }
0xa5: {  	_ =	shalt  }

// kernel: kernel.9.cloned.1.call-start
scs
__scs_entry_jumppad:
0x0: {  	(pc) =	sbr.rel $0x88, $3  }
0x1: {  	(tag) =	ssettag $0x0;
	lr =	simm.s32 $0x1  }
0x2: {  	[smem:$0x3F9F] =	sst lr;
	_ =	strace $0xD0000000  }
0x3: {  	_ = 	snop  }
0x4: {  	_ = 	snop  }
0x5: {  	_ = 	snop  }
0x6: {  	_ = 	snop  }
0x7: {  	_ = 	snop  }
__scs_overlays_trampoline_lowered:
0x8: {  	[smem:$0x3FAE] =	sst s0  }
0x9: {  	[smem:$0x3FAF] =	sst s1  }
0xa: {  	[smem:$0x3FB0] =	sst s2  }
0xb: {  	[smem:$0x3FB1] =	sst s3  }
0xc: {  	[smem:$0x3FB2] =	sst s4  }
0xd: {  	[smem:$0x3FB3] =	sst s5  }
0xe: {  	[smem:$0x3FB4] =	sst s6  }
0xf: {  	[smem:$0x3FB5] =	sst s7  }
0x10: {  	[smem:$0x3FB6] =	sst s8  }
0x11: {  	[smem:$0x3FB7] =	sst s9;
	s0 =	simm.s32 @!p0 $0x0  }
0x12: {  	s1 =	sld [smem:$0x3F9D];
	s0 =	simm.s32 @p0 $0x1  }
0x13: {  	[smem:$0x3FB8] =	sst s0;
	s0 =	simm.s32 @!p1 $0x0  }
0x14: {  	s2 =	sld [smem:$0x3F9C];
	s0 =	simm.s32 @p1 $0x1  }
0x15: {  	[smem:$0x3FB9] =	sst s0;
	s0 =	simm.s32 @!p2 $0x0  }
0x16: {  	s3 =	sld [smem:$0x3FDB];
	s0 =	simm.s32 @p2 $0x1  }
0x17: {  	s4 =	simm.s32 $0x1BF5;
	[smem:$0x3FBB] =	sst s0  }
0x18: {  	s0 =	sld [smem:$0x3F9E];
	_ =	swait.ge [sflag:s4], $0x0  }
0x19: {  	s7 =	sld [smem:$0x3F9F]  }
0x1a: {  	s8 =	sadd.s32 $0xFFFFE003, lr  }
0x1b: {  	s9 =	sadd.s32 $0xFFFFFEF7, lr;
	s5 =	simm.s32 $0xFFFFFFFF;
	p2 =	slt.u32 s8, $0xFFFFF086  }
0x1c: {  	p1 =	slt.u32 s9, $0xF7A;
	s5 =	simm.s32 @!p2 $0x0  }
0x1d: {  	s5 =	simm.s32 @p1 $0x1;
	p0 =	seq.s32 s7, s2  }
0x1e: {  	s7 =	smul.u32 @!p0 $0xF7A, s2;
	p2 =	seq.s32 @!p0 s5, $0x0  }
0x1f: {  	s9 =	smul.u32 $0xF7A, s1;
	s8 =	simm.s32 @!p0 $0x1BF5;
	p2 =	por !p2, p0  }
0x20: {  	[sflag:s8] =	ssyncset.s32 @!p0 $0xFFFFF086;
	s6 =	sadd.s32 @!p0 s3, s7;
	s7 =	simm.s32 @!p0 $0x108  }
0x21: {  	s3 =	sadd.s32 s3, s9;
	s6 =	sadd.s32 @!p0 $0x88, s6;
	s7 =	simm.s32 @p2 $0x1082  }
0x22: {  	[simem:s7], [sflag:s8] =	dma.local @!p0 [hbm:s6], $0xF7A  }
0x23: {  	s9 =	sor.u32 $0xD0000000, s2;
	s6 =	simm.s32 $0x108;
	_ =	swait.ge @!p0 [sflag:s8], $0x0  }
0x24: {  	s3 =	sadd.s32 $0x88, s3;
	s6 =	simm.s32 @!p1 $0x1082;
	[sflag:s4] =	ssyncset.s32 $0xFFFFF086  }
0x25: {  	[simem:s6], [sflag:s4] =	dma.local [hbm:s3], $0xF7A  }
0x26: {  	[smem:$0x3F9F] =	sst s1;
	(tag) =	ssettag s2;
	_ =	strace s9  }
0x27: {  	s1 =	sld [smem:$0x3FAF]  }
0x28: {  	s2 =	sld [smem:$0x3FB0]  }
0x29: {  	s4 =	sld [smem:$0x3FB2]  }
0x2a: {  	p0 =	seq.s32 s5, $0x0;
	s5 =	sld [smem:$0x3FB3]  }
0x2b: {  	s6 =	sld [smem:$0x3FB4]  }
0x2c: {  	s7 =	sld [smem:$0x3FB5]  }
0x2d: {  	s3 =	simm.s32 $0x108;
	s8 =	sld [smem:$0x3FB6]  }
0x2e: {  	s3 =	simm.s32 @!p0 $0x1082;
	s9 =	sld [smem:$0x3FB7]  }
0x2f: {  	lr =	sadd.s32 s0, s3;
	s0 =	sld [smem:$0x3FAE]  }
0x30: {  	s3 =	sld [smem:$0x3FB1]  }
0x31: {  	[smem:$0x3FBA] =	sst s10  }
0x32: {  	s10 =	sld [smem:$0x3FB8];
	_ =	sdelay $0x3  }
0x33: {  	p0 =	seq.s32 s10, $0x1;
	s10 =	sld [smem:$0x3FBA];
	_ =	sdelay $0x3  }
0x34: {  	[smem:$0x3FBA] =	sst s10  }
0x35: {  	s10 =	sld [smem:$0x3FB9];
	_ =	sdelay $0x3  }
0x36: {  	p1 =	seq.s32 s10, $0x1;
	s10 =	sld [smem:$0x3FBA];
	_ =	sdelay $0x3  }
0x37: {  	[smem:$0x3FBA] =	sst s10  }
0x38: {  	s10 =	sld [smem:$0x3FBB]  }
0x39: {  	_ = 	snop;
	(pc) =	sbr.ind lr, $3  }
0x3a: {  	_ = 	snop  }
0x3b: {  	_ = 	snop  }
0x3c: {  	p2 =	seq.s32 s10, $0x1;
	s10 =	sld [smem:$0x3FBA]  }
0x3d: {  	_ =	shalt  }
0x3e: {  	_ =	shalt  }
0x3f: {  	_ =	shalt  }
0x40: {  	_ =	shalt  }
0x41: {  	_ =	shalt  }
0x42: {  	_ =	shalt  }
0x43: {  	_ =	shalt  }
0x44: {  	_ =	shalt  }
0x45: {  	_ =	shalt  }
0x46: {  	_ =	shalt  }
0x47: {  	_ =	shalt  }
0x48: {  	_ =	shalt  }
0x49: {  	_ =	shalt  }
0x4a: {  	_ =	shalt  }
0x4b: {  	_ =	shalt  }
0x4c: {  	_ =	shalt  }
0x4d: {  	_ =	shalt  }
0x4e: {  	_ =	shalt  }
0x4f: {  	_ =	shalt  }
0x50: {  	_ =	shalt  }
0x51: {  	_ =	shalt  }
0x52: {  	_ =	shalt  }
0x53: {  	_ =	shalt  }
0x54: {  	_ =	shalt  }
0x55: {  	_ =	shalt  }
0x56: {  	_ =	shalt  }
0x57: {  	_ =	shalt  }
0x58: {  	_ =	shalt  }
0x59: {  	_ =	shalt  }
0x5a: {  	_ =	shalt  }
0x5b: {  	_ =	shalt  }
0x5c: {  	_ =	shalt  }
0x5d: {  	_ =	shalt  }
0x5e: {  	_ =	shalt  }
0x5f: {  	_ =	shalt  }
0x60: {  	_ =	shalt  }
0x61: {  	_ =	shalt  }
0x62: {  	_ =	shalt  }
0x63: {  	_ =	shalt  }
0x64: {  	_ =	shalt  }
0x65: {  	_ =	shalt  }
0x66: {  	_ =	shalt  }
0x67: {  	_ =	shalt  }
0x68: {  	_ =	shalt  }
0x69: {  	_ =	shalt  }
0x6a: {  	_ =	shalt  }
0x6b: {  	_ =	shalt  }
0x6c: {  	_ =	shalt  }
0x6d: {  	_ =	shalt  }
0x6e: {  	_ =	shalt  }
0x6f: {  	_ =	shalt  }
0x70: {  	_ =	shalt  }
0x71: {  	_ =	shalt  }
0x72: {  	_ =	shalt  }
0x73: {  	_ =	shalt  }
0x74: {  	_ =	shalt  }
0x75: {  	_ =	shalt  }
0x76: {  	_ =	shalt  }
0x77: {  	_ =	shalt  }
0x78: {  	_ =	shalt  }
0x79: {  	_ =	shalt  }
0x7a: {  	_ =	shalt  }
0x7b: {  	_ =	shalt  }
0x7c: {  	_ =	shalt  }
0x7d: {  	_ =	shalt  }
0x7e: {  	_ =	shalt  }
0x7f: {  	_ =	shalt  }
0x80: {  	_ =	shalt  }
0x81: {  	_ =	shalt  }
0x82: {  	_ =	shalt  }
0x83: {  	_ =	shalt  }
0x84: {  	_ =	shalt  }
0x85: {  	_ =	shalt  }
0x86: {  	_ =	shalt  }
0x87: {  	_ =	shalt  }
.Lfunc_end0:
.L_simem_size_0:
called_computation.1_lowered:
.L_overlay_start_0:
0x88: {  	s2 =	sld [smem:$0x3FD9]  }
0x89: {  	s3 =	sld [smem:$0x3FFE];
	_ =	sdelay $0x1  }
0x8a: {  	s1 =	srdreg.scid  }
0x8b: {  	s0 =	sand.u32 $0x1, s1  }
0x8c: {  	s17 =	sshll.u32 s0, $0xA;
	s2 =	sadd.s32 s3, s2  }
0x8d: {  	s2 =	sadd.s32 s2, s17  }
0x8e: {  	[smem:$0x3FC6] =	sst s2  }
0x8f: {  	_ = 	snop  }
0x90: {  	s2 =	sld [smem:$0x3FD0];
	(tm) =	ssettm $0x1  }
0x91: {  	s18 =	sld [smem:$0x3FFB];
	_ =	sdelay $0x3  }
0x92: {  	_ =	strace s18  }
0x93: {  	s3 =	sld [smem:$0x3FFC];
	_ =	sdelay $0x3  }
0x94: {  	_ =	strace s3  }
0x95: {  	s3 =	sld [smem:$0x3FFD];
	_ =	sdelay $0x3  }
0x96: {  	_ =	strace s3  }
0x97: {  	_ =	strace $0x8FFFFFFF  }
0x98: {  	s19 =	sld [smem:$0x3FDB];
	_ =	sdelay $0x1  }
0x99: {  	s4 =	simm.s32 $_scs_section_size  }
0x9a: {  	s5 =	simm.s32 $_size__tile_overlayer_lowered;
	s6 =	simm.s32 $_tile_overlayer_lowered  }
0x9b: {  	s22 =	simm.s32 $0x1BFF;
	s21 =	sshll.u32 s6, $0x1;
	s3 =	sadd.s32 s4, s19  }
0x9c: {  	s7 =	simm.s32 $0x0;
	s20 =	sshll.u32 s5, $0x1;
	s5 =	sadd.s32 s21, s3  }
0x9d: {  	[timem:s7], [sflag:s22] =	dma.local [hbm:s5], s20  }
0x9e: {  	_ =	swait.ge [sflag:s22], s20  }
0x9f: {  	s4 =	ssub.s32 $0x0, s20;
	[sflag:s22] =	ssyncset.done $0x0  }
0xa0: {  	[sflag:s22] =	ssyncadd.s32 s4;
	_ =	sdelay $0x1  }
0xa1: {  	s23 =	simm.s32 $0x1B8B  }
0xa2: {  	_ =	swait.ge [sflag:s23], $0x1  }
0xa3: {  	[sflag:s23] =	ssyncset.done $0x0  }
0xa4: {  	s25 =	simm.s32 $0x1B8E;
	s24 =	sld [smem:$0x3FFE];
	[sflag:s23] =	ssyncadd.s32 $0xFFFFFFFF  }
0xa5: {  	s26 =	simm.s32 $execute0_lowered;
	[smem:$0x3FD2] =	sst s25  }
0xa6: {  	s5 =	sshll.u32 s26, $0x1;
	_ =	strace $0x80000049;
	[dreg:$0x1] =	wrdreg $0xFFFFFFFF  }
0xa7: {  	s28 =	simm.s32 $_size_execute0_lowered;
	s3 =	sadd.s32 s3, s5;
	[dreg:$0x0] =	wrdreg $0x0  }
0xa8: {  	s5 =	sshll.u32 s28, $0x1;
	[dreg:$0x2] =	wrdreg s3  }
0xa9: {  	[dreg:$0x3] =	wrdreg s5  }
0xaa: {  	[dreg:$0x4] =	wrdreg $0xC0  }
0xab: {  	_ =	task [dreg:s7], $0x5FFFF  }
0xac: {  	[dreg:$0x1] =	wrdreg $0xFFFFFFFF  }
0xad: {  	[dreg:$0x0] =	wrdreg $0x60  }
0xae: {  	[dreg:$0x2] =	wrdreg s2  }
0xaf: {  	[dreg:$0x3] =	wrdreg s24  }
0xb0: {  	[dreg:$0x4] =	wrdreg $0x0  }
0xb1: {  	[dreg:$0x5] =	wrdreg $0x9  }
0xb2: {  	_ =	task.clear_ibuf [dreg:s7], $0x6FFFF;
	_ =	strace $0x90000049  }
0xb3: {  	s29 =	simm.s32 $0x9;
	_ =	strace $0x8000004B  }
0xb4: {  	_ =	swait.ge [sflag:s29], $0x1  }
0xb5: {  	[sflag:s29] =	ssyncadd.s32 $0xFFFFFFFF  }
0xb6: {  	_ =	strace $0x9000004B  }
0xb7: {  	_ =	sfence  }
0xb8: {  	s30 =	sld [smem:$0x0];
	_ =	sdelay $0x2  }
0xb9: {  	s31 =	sshll.u32 s1, $0xD;
	s1 =	sshrl.u32 s1, $0x2  }
0xba: {  	s3 =	sand.u32 $0x4000, s31;
	s1 =	sadd.s32 s1, s30  }
0xbb: {  	s0 =	sor.u32 s3, s0;
	s1 =	sshll.u32 s1, $0x11  }
0xbc: {  	s0 =	sor.u32 s1, s0  }
0xbd: {  	s0 =	sadd.s32 $0x8F2B, s0  }
0xbe: {  	[sflag:s0] =	ssyncadd.remote.s32 $0x1  }
0xbf: {  	_ =	sfence.sel $0xFFFF  }
0xc0: {  	[dreg:$0x0] =	wrdreg $0xFFFFFFFF;
	(pc) =	sbr.abs _section_cstart, $3  }
0xc1: {  	[dreg:$0x1] =	wrdreg $0xFFFFFFFF  }
0xc2: {  	_ =	task.clear_ibuf [dreg:s7], $0x2FFFF;
	_ =	strace $0x9FFFFFFF  }
0xc3: {  	(tm) =	ssettm $0x7FFFFFFF  }
tec
execute0_lowered:
.L_overlay_start_1:
0x0: {  	(tag) =	ssettag $0x1  }
0x1: {  	s1 =	rddreg [dreg:$0x0]  }
0x2: {  	s0 =	rddreg [dreg:$0x1];
	s2 =	srdreg.scid  }
0x3: {  	s11 =	stileid.u32;
	s20 =	rddreg [dreg:$0x2];
	s4 =	simm.s32 $0x0  }
0x4: {  	s28 =	simm.s32 $0x13C80;
	s29 =	simm.s32 $0x13;
	s30 =	simm.s32 $0xF  }
0x5: {  	s31 =	simm.s32 $0x11;
	s5 =	sand.u32 $0x1, s2;
	s18 =	smul.u32 $0x4E000, s11  }
0x6: {  	s16 =	sshll.u32 s11, $0x1;
	[smem:$0x7FF] =	sst s4;
	s24 =	smul.u32 $0x13800, s11  }
0x7: {  	s26 =	sadd.s32 $0x1600, s0;
	s8 =	sadd.s32 $0x15000, s0;
	s25 =	smul.u32 $0x4E00, s11  }
0x8: {  	p0 =	sne.s32 s11, $0xF;
	p1 =	sgt.u32 s11, $0x1;
	s11 =	simm.s32 $0x13880  }
0x9: {  	s2 =	sor.u32 s5, s16;
	s7 =	ssub.s32 $0x2, s5;
	s22 =	smul.u32 $0x138800, s5  }
0xa: {  	_ =	strace $0x8000004A;
	s6 =	smul.u32 $0x2700, s2;
	s17 =	sshrl.u32 s7, $0x1  }
0xb: {  	s5 =	smul.u32 $0x2700, s5;
	[dreg:$0xf] =	wrdreg s26;
	s0 =	ssub.s32 s7, s17  }
0xc: {  	s2 =	sshll.u32 s2, $0x4;
	s6 =	sshrl.u32 s6, $0x3;
	s0 =	smax.u32 s0, $0x1  }
0xd: {  	s15 =	sadd.s32 s24, s22;
	s12 =	sadd.s32 s26, s6;
	[smem:$0x7F8] =	sst s0  }
0xe: {  	s5 =	sadd.s32 s5, s25;
	s19 =	sadd.s32 $0x9C40, s12;
	[dreg:$0x10] =	wrdreg s12  }
0xf: {  	s7 =	sshrl.u32 s22, $0x3;
	s21 =	sadd.s32 $0x10, s12;
	[dreg:$0x11] =	wrdreg s19  }
0x10: {  	s2 =	sadd.s32 s2, s26;
	s9 =	sadd.s32 $0x9C50, s12;
	[dreg:$0x12] =	wrdreg s21  }
0x11: {  	s7 =	sadd.s32 s8, s7;
	s23 =	sadd.s32 $0x20, s12;
	[dreg:$0x13] =	wrdreg s9  }
0x12: {  	s25 =	sadd.s32 $0x4E680, s5;
	s10 =	sadd.s32 $0x9C60, s12;
	[dreg:$0x14] =	wrdreg s23  }
0x13: {  	s6 =	sshrl.u32 s18, $0x2;
	s13 =	sadd.s32 $0x30, s12;
	[dreg:$0x15] =	wrdreg s10  }
0x14: {  	s18 =	sadd.s32 $0x500, s5;
	s3 =	sadd.s32 $0x9C70, s12;
	[dreg:$0x16] =	wrdreg s13  }
0x15: {  	s0 =	simm.s32 $0x7;
	s13 =	sadd.s32 s6, s20;
	[dreg:$0x18] =	wrdreg s3  }
0x16: {  	s6 =	sshrl.u32 s15, $0x3;
	s19 =	sadd.s32 $0x4E700, s5;
	s23 =	sadd.s32 $0x480, s5  }
0x17: {  	s3 =	sadd.s32 $0x400, s5;
	s14 =	sadd.s32 $0x4000, s13;
	[dreg:$0x17] =	wrdreg s13  }
0x18: {  	s9 =	simm.s32 $0x8;
	s16 =	sadd.s32 $0x8000, s13;
	[dreg:$0x19] =	wrdreg s14  }
0x19: {  	s17 =	sadd.s32 $0xC000, s13;
	s6 =	sadd.s32 s8, s6;
	[dreg:$0x1a] =	wrdreg s16  }
0x1a: {  	s21 =	sshrl.u32 s19, $0x3;
	s24 =	sshrl.u32 s23, $0x3;
	[dreg:$0x1b] =	wrdreg s17  }
0x1b: {  	s8 =	sshrl.u32 s25, $0x3;
	s19 =	sadd.s32 $0x4E580, s5;
	[dreg:$0x1c] =	wrdreg s6  }
0x1c: {  	s6 =	sshrl.u32 s18, $0x3;
	s22 =	sadd.s32 s21, s26;
	s10 =	sadd.s32 s8, s26  }
0x1d: {  	s14 =	sshrl.u32 s3, $0x3;
	s16 =	sadd.s32 $0x4E600, s5;
	s18 =	sadd.s32 $0x380, s5  }
0x1e: {  	s3 =	sadd.s32 $0x280, s5;
	s6 =	sadd.s32 s6, s26;
	[dreg:$0x5] =	wrdreg s22  }
0x1f: {  	[dreg:$0x7] =	wrdreg s10;
	s15 =	sadd.s32 s14, s26;
	s17 =	sshrl.u32 s16, $0x3  }
0x20: {  	s8 =	sshrl.u32 s18, $0x3;
	s22 =	sshrl.u32 s19, $0x3;
	[dreg:$0x4] =	wrdreg s6  }
0x21: {  	s10 =	sadd.s32 $0x10000, s13;
	s18 =	sadd.s32 $0x9C00, s2;
	[dreg:$0x8] =	wrdreg s15  }
0x22: {  	s2 =	sadd.s32 $0x13840, s2;
	s19 =	sadd.s32 $0x27000, s7;
	[dreg:$0x1d] =	wrdreg s10  }
0x23: {  	s7 =	simm.s32 $0x12;
	s6 =	sadd.s32 s24, s26;
	[dreg:$0x1f] =	wrdreg s18  }
0x24: {  	s21 =	sadd.s32 s8, s26;
	s23 =	sadd.s32 s22, s26;
	[smem:$0x7F6] =	sst s2  }
0x25: {  	s24 =	sadd.s32 $0x4E500, s5;
	s8 =	sshrl.u32 s3, $0x3;
	[smem:$0x7F7] =	sst s19  }
0x26: {  	s15 =	sadd.s32 $0x4E480, s5;
	s22 =	sadd.s32 $0x40, s12;
	[dreg:$0x6] =	wrdreg s6  }
0x27: {  	s2 =	simm.s32 $0x1;
	s19 =	simm.s32 $0x13E80;
	[dreg:$0xa] =	wrdreg s21  }
0x28: {  	s18 =	simm.s32 $0x17E80;
	s3 =	simm.s32 $0x9;
	[dreg:$0xb] =	wrdreg s23  }
0x29: {  	s6 =	sadd.s32 s17, s26;
	s25 =	sshrl.u32 s24, $0x3;
	[smem:$0x7FA] =	sst s22  }
0x2a: {  	s14 =	sadd.s32 s8, s26;
	s16 =	sshrl.u32 s15, $0x3;
	[dreg:$0x9] =	wrdreg s6  }
0x2b: {  	s17 =	sadd.s32 $0x138000, s20;
	s21 =	sadd.s32 $0x300, s5;
	[dreg:$0xd] =	wrdreg s14  }
0x2c: {  	s23 =	sadd.s32 $0x9C80, s12;
	s24 =	sadd.s32 $0x4D0, s12;
	[dreg:$0x1e] =	wrdreg s17  }
0x2d: {  	s15 =	simm.s32 $0x13C00;
	s22 =	simm.s32 $0x13D00;
	[smem:$0x7F9] =	sst s21  }
0x2e: {  	s8 =	simm.s32 $0x2;
	s5 =	simm.s32 $0x10;
	[smem:$0x7FB] =	sst s23  }
0x2f: {  	s6 =	sadd.s32 s25, s26;
	[smem:$0x7FC] =	sst s24;
	s25 =	sadd.s32 $0xA110, s12  }
0x30: {  	s12 =	simm.s32 $0x13B80;
	s14 =	simm.s32 $0x13900;
	s17 =	simm.s32 $0x80  }
0x31: {  	s21 =	simm.s32 $0x1BE80;
	s24 =	simm.s32 $0x0;
	[dreg:$0xc] =	wrdreg s6  }
0x32: {  	s6 =	sadd.s32 s16, s26;
	[smem:$0x7FD] =	sst s25;
	s16 =	simm.s32 $0x13980  }
0x33: {  	v0 =	vimm.f32 $0.0e+00;
	s25 =	simm.s32 $0x13A00;
	[dreg:$0xe] =	wrdreg s6;
	s6 =	simm.s32 $0xE  }
.LBB2_1:
0x34: {  	[smem:$0x7F5] =	sst s24  }
0x35: {  	s10 =	rddreg [dreg:$0x10]  }
0x36: {  	[tilespmem:s11], [sflag:$0x1] =	stream.linear.gather [hbm4b:s10+s4], $0x80, $0x38;
	[tilespmem:$0x1FE80] =	vst v63  }
0x37: {  	s26 =	rddreg [dreg:$0x11]  }
0x38: {  	[tilespmem:s12], [sflag:$0x7] =	stream.linear.gather [hbm4b:s26+s4], $0x80, $0x38;
	[tilespmem:$0x1FE80] =	vst v63  }
0x39: {  	s23 =	rddreg [dreg:$0x12]  }
0x3a: {  	[tilespmem:s14], [sflag:$0x2] =	stream.linear.gather [hbm4b:s23+s4], $0x80, $0x38;
	[tilespmem:$0x1FE80] =	vst v63  }
0x3b: {  	s24 =	rddreg [dreg:$0x13]  }
0x3c: {  	[tilespmem:s15], [sflag:$0x8] =	stream.linear.gather [hbm4b:s24+s4], $0x80, $0x38;
	[tilespmem:$0x1FE80] =	vst v63  }
0x3d: {  	s26 =	rddreg [dreg:$0x14]  }
0x3e: {  	[tilespmem:s16], [sflag:$0x3] =	stream.linear.gather [hbm4b:s26+s4], $0x80, $0x38;
	[tilespmem:$0x1FE80] =	vst v63  }
0x3f: {  	s23 =	rddreg [dreg:$0x15]  }
0x40: {  	[tilespmem:s28], [sflag:$0x9] =	stream.linear.gather [hbm4b:s23+s4], $0x80, $0x38;
	[tilespmem:$0x1FE80] =	vst v63  }
0x41: {  	s24 =	rddreg [dreg:$0x16]  }
0x42: {  	[tilespmem:s25], [sflag:$0x4] =	stream.linear.gather [hbm4b:s24+s4], $0x80, $0x38;
	[tilespmem:$0x1FE80] =	vst v63  }
0x43: {  	s26 =	rddreg [dreg:$0x18]  }
0x44: {  	[tilespmem:s22], [sflag:$0xA] =	stream.linear.gather [hbm4b:s26+s4], $0x80, $0x38;
	[tilespmem:$0x1FE80] =	vst v63  }
0x45: {  	_ =	swait.ge [sflag:s2], $0x80  }
0x46: {  	[sflag:s2] =	ssyncset.done $0x0  }
0x47: {  	[sflag:s2] =	ssyncadd.s32 $0xFFFFFF80  }
0x48: {  	_ =	swait.ge [sflag:s0], $0x80  }
0x49: {  	[sflag:s0] =	ssyncset.done $0x0  }
0x4a: {  	[sflag:s0] =	ssyncadd.s32 $0xFFFFFF80  }
0x4b: {  	_ =	swait.ge [sflag:s8], $0x80  }
0x4c: {  	[sflag:s8] =	ssyncset.done $0x0  }
0x4d: {  	[sflag:s8] =	ssyncadd.s32 $0xFFFFFF80  }
0x4e: {  	_ =	swait.ge [sflag:s9], $0x80  }
0x4f: {  	s10 =	simm.s32 $0x40;
	s23 =	sand.u32 $0xFE00, s4;
	[sflag:s9] =	ssyncset.done $0x0  }
0x50: {  	s24 =	sand.u32 $0x70, s4;
	s26 =	sshrl.u32 s23, $0x2;
	[sflag:s9] =	ssyncadd.s32 $0xFFFFFF80  }
0x51: {  	[tilespmem:s19], [sflag:$0xD] =	stream.indirect.gather [hbm4b:s1+s17], $0x80, s11, s17, $0xb8;
	[tilespmem:$0x1FE80] =	vst v63  }
0x52: {  	s24 =	sor.u32 s24, s26;
	s0 =	simm.s32 $0x13E80;
	s11 =	simm.s32 $0x0  }
0x53: {  	[tilespmem:s18], [sflag:$0xE] =	stream.indirect.gather [hbm4b:s1+s17], $0x80, s14, s17, $0xb8;
	[tilespmem:$0x1FE80] =	vst v63  }
.LBB2_2:
0x54: {  	p2 =	sne.s32 s10, $0xFFC0  }
0x55: {  	[tilespmem:s24+$0x1BE80] =	vst v0;
	s11 =	sadd.s32 $0x10, s11;
	s24 =	smov.u32 s10;
	s10 =	sadd.s32 $0x40, s10  }
.Ltmp0:
0x56: {  	(pc) =	sbr.rel @p2 .LBB2_2-.Ltmp0, $4  }
0x57: {  	_ = 	snop  }
0x58: {  	s24 =	sand.u32 $0xFE00, s24  }
0x59: {  	s26 =	sand.u32 $0x70, s11;
	s24 =	sshrl.u32 s24, $0x2  }
0x5a: {  	s24 =	sor.u32 s26, s24  }
0x5b: {  	[tilespmem:s24+$0x1BE80] =	vst v0  }
0x5c: {  	[spmem:s13] =	stream.linear.scatter [tilespmem:s21], [sflag:$0x13], $0x4000, $0x38;
	[tilespmem:$0x1FE80] =	vst v63  }
0x5d: {  	_ =	swait.ge [sflag:s29], $0x4000  }
0x5e: {  	[sflag:s29] =	ssyncset.done $0x0  }
0x5f: {  	s10 =	rddreg [dreg:$0x19];
	[sflag:s29] =	ssyncadd.s32 $0xFFFFC000  }
0x60: {  	[spmem:s10] =	stream.linear.scatter [tilespmem:s21], [sflag:$0x13], $0x4000, $0x38;
	[tilespmem:$0x1FE80] =	vst v63  }
0x61: {  	_ =	swait.ge [sflag:s29], $0x4000  }
0x62: {  	[sflag:s29] =	ssyncset.done $0x0  }
0x63: {  	s26 =	rddreg [dreg:$0x1a];
	[sflag:s29] =	ssyncadd.s32 $0xFFFFC000  }
0x64: {  	[spmem:s26] =	stream.linear.scatter [tilespmem:s21], [sflag:$0x13], $0x4000, $0x38;
	[tilespmem:$0x1FE80] =	vst v63  }
0x65: {  	_ =	swait.ge [sflag:s29], $0x4000  }
0x66: {  	[sflag:s29] =	ssyncset.done $0x0  }
0x67: {  	s2 =	rddreg [dreg:$0x1b];
	[sflag:s29] =	ssyncadd.s32 $0xFFFFC000  }
0x68: {  	[spmem:s2] =	stream.linear.scatter [tilespmem:s21], [sflag:$0x13], $0x4000, $0x38;
	[tilespmem:$0x1FE80] =	vst v63  }
0x69: {  	_ =	swait.ge [sflag:s29], $0x4000  }
0x6a: {  	[sflag:s29] =	ssyncset.done $0x0  }
0x6b: {  	s8 =	rddreg [dreg:$0x1d];
	[sflag:s29] =	ssyncadd.s32 $0xFFFFC000  }
0x6c: {  	[spmem:s8] =	stream.linear.scatter [tilespmem:s21], [sflag:$0x13], $0x3800, $0x38;
	[tilespmem:$0x1FE80] =	vst v63  }
0x6d: {  	_ =	swait.ge [sflag:s29], $0x3800  }
0x6e: {  	[sflag:s29] =	ssyncset.done $0x0  }
0x6f: {  	s10 =	simm.s32 @!p0 $0x1BE80;
	s11 =	rddreg [dreg:$0x1e];
	[sflag:s29] =	ssyncadd.s32 $0xFFFFC800  }
0x70: {  	[spmem:s11] =	stream.linear.scatter @!p0 [tilespmem:s10], [sflag:$0x13], $0x800, $0x38;
	[tilespmem:$0x1FE80] =	vst v63  }
0x71: {  	s10 =	simm.s32 @!p0 $0x13  }
0x72: {  	_ =	swait.ge @!p0 [sflag:s10], $0x800  }
0x73: {  	[sflag:s10] =	ssyncset.done @!p0 $0x0  }
0x74: {  	[sflag:s10] =	ssyncadd.s32 @!p0 $0xFFFFF800  }
0x75: {  	s23 =	simm.s32 $0xD;
	[bflag:$0x0] =	sbarrier.arrive $0xFFFF  }
0x76: {  	_ =	swait.ge [sflag:s23], $0x4000  }
0x77: {  	[sflag:s23] =	ssyncset.done $0x0  }
0x78: {  	s13 =	sld [smem:$0x7FA];
	[sflag:s23] =	ssyncadd.s32 $0xFFFFC000  }
0x79: {  	[spmem:s20] =	stream.indirect.scatter.add.f32 [tilespmem:s0], [sflag:$0x10], $0x80, s12, s17, $0xb8;
	[tilespmem:$0x1FE80] =	vst v63  }
0x7a: {  	s9 =	simm.s32 $0x0;
	s14 =	sld [smem:$0x7FB];
	s12 =	simm.s32 $0x13A80  }
0x7b: {  	[tilespmem:s12], [sflag:$0x5] =	stream.linear.gather [hbm4b:s13+s9], $0x80, $0x38;
	[tilespmem:$0x1FE80] =	vst v63  }
0x7c: {  	s24 =	simm.s32 $0x13D80  }
0x7d: {  	[tilespmem:s24], [sflag:$0xB] =	stream.linear.gather [hbm4b:s14+s9], $0x80, $0x38;
	[tilespmem:$0x1FE80] =	vst v63  }
0x7e: {  	s14 =	simm.s32 $0x3  }
0x7f: {  	_ =	swait.ge [sflag:s14], $0x80  }
0x80: {  	[sflag:s14] =	ssyncset.done $0x0  }
0x81: {  	[sflag:s14] =	ssyncadd.s32 $0xFFFFFF80  }
0x82: {  	_ =	swait.ge [sflag:s3], $0x80  }
0x83: {  	[sflag:s3] =	ssyncset.done $0x0  }
0x84: {  	[sflag:s3] =	ssyncadd.s32 $0xFFFFFF80  }
0x85: {  	[tilespmem:s21], [sflag:$0xF] =	stream.indirect.gather [hbm4b:s1+s17], $0x80, s16, s17, $0xb8;
	[tilespmem:$0x1FE80] =	vst v63  }
0x86: {  	_ =	swait.ge [sflag:s6], $0x4000  }
0x87: {  	[sflag:s6] =	ssyncset.done $0x0  }
0x88: {  	[sflag:s6] =	ssyncadd.s32 $0xFFFFC000  }
0x89: {  	[spmem:s20] =	stream.indirect.scatter.add.f32 [tilespmem:s18], [sflag:$0x11], $0x80, s15, s17, $0xb8;
	[tilespmem:$0x1FE80] =	vst v63  }
0x8a: {  	_ =	swait.ge [sflag:s5], $0x4000  }
0x8b: {  	s2 =	simm.s32 $0x13B00;
	s15 =	rddreg [dreg:$0xd];
	[sflag:s5] =	ssyncset.done $0x0  }
0x8c: {  	s16 =	rddreg [dreg:$0xe];
	[sflag:s5] =	ssyncadd.s32 $0xFFFFC000;
	s10 =	sadd.s32 $0x0, s15  }
0x8d: {  	[tilespmem:s2], [sflag:$0x6] =	stream.linear.gather [hbm4b:s10+s4], $0x80, $0x38;
	[tilespmem:$0x1FE80] =	vst v63  }
0x8e: {  	s8 =	simm.s32 $0x13E00;
	s9 =	simm.s32 $0x4;
	s19 =	sadd.s32 $0x0, s16  }
0x8f: {  	[tilespmem:s8], [sflag:$0xC] =	stream.linear.gather [hbm4b:s19+s4], $0x80, $0x38;
	[tilespmem:$0x1FE80] =	vst v63  }
0x90: {  	_ =	swait.ge [sflag:s9], $0x80  }
0x91: {  	[sflag:s9] =	ssyncset.done $0x0  }
0x92: {  	s26 =	simm.s32 $0xA;
	[sflag:s9] =	ssyncadd.s32 $0xFFFFFF80  }
0x93: {  	_ =	swait.ge [sflag:s26], $0x80  }
0x94: {  	[sflag:s26] =	ssyncset.done $0x0  }
0x95: {  	[sflag:s26] =	ssyncadd.s32 $0xFFFFFF80  }
0x96: {  	[tilespmem:s0], [sflag:$0xD] =	stream.indirect.gather [hbm4b:s1+s17], $0x80, s25, s17, $0xb8;
	[tilespmem:$0x1FE80] =	vst v63  }
0x97: {  	_ =	swait.ge [sflag:s30], $0x4000  }
0x98: {  	[sflag:s30] =	ssyncset.done $0x0  }
0x99: {  	[sflag:s30] =	ssyncadd.s32 $0xFFFFC000  }
0x9a: {  	[spmem:s20] =	stream.indirect.scatter.add.f32 [tilespmem:s21], [sflag:$0x12], $0x80, s28, s17, $0xb8;
	[tilespmem:$0x1FE80] =	vst v63  }
0x9b: {  	_ =	swait.ge [sflag:s31], $0x4000  }
0x9c: {  	s13 =	sld [smem:$0x7F9];
	_ =	sdelay $0x1  }
0x9d: {  	s15 =	simm.s32 $0x13880  }
0x9e: {  	[sflag:s31] =	ssyncset.done $0x0;
	s3 =	rddreg [dreg:$0xf];
	s28 =	sshrl.u32 s13, $0x3  }
0x9f: {  	s29 =	rddreg [dreg:$0xc];
	[sflag:s31] =	ssyncadd.s32 $0xFFFFC000;
	s10 =	sadd.s32 s3, s28  }
0xa0: {  	[tilespmem:s15], [sflag:$0x1] =	stream.linear.gather [hbm4b:s10+s4], $0x80, $0x38;
	[tilespmem:$0x1FE80] =	vst v63  }
0xa1: {  	s16 =	simm.s32 $0x13B80;
	s19 =	simm.s32 $0x5;
	s11 =	sadd.s32 $0x0, s29  }
0xa2: {  	[tilespmem:s16], [sflag:$0x7] =	stream.linear.gather [hbm4b:s11+s4], $0x80, $0x38;
	[tilespmem:$0x1FE80] =	vst v63  }
0xa3: {  	_ =	swait.ge [sflag:s19], $0x80  }
0xa4: {  	[sflag:s19] =	ssyncset.done $0x0  }
0xa5: {  	s25 =	simm.s32 $0xB;
	[sflag:s19] =	ssyncadd.s32 $0xFFFFFF80  }
0xa6: {  	_ =	swait.ge [sflag:s25], $0x80  }
0xa7: {  	[sflag:s25] =	ssyncset.done $0x0  }
0xa8: {  	[sflag:s25] =	ssyncadd.s32 $0xFFFFFF80  }
0xa9: {  	[tilespmem:s18], [sflag:$0xE] =	stream.indirect.gather [hbm4b:s1+s17], $0x80, s12, s17, $0xb8;
	[tilespmem:$0x1FE80] =	vst v63  }
0xaa: {  	_ =	swait.ge [sflag:s23], $0x4000  }
0xab: {  	[sflag:s23] =	ssyncset.done $0x0  }
0xac: {  	[sflag:s23] =	ssyncadd.s32 $0xFFFFC000  }
0xad: {  	[spmem:s20] =	stream.indirect.scatter.add.f32 [tilespmem:s0], [sflag:$0x10], $0x80, s22, s17, $0xb8;
	[tilespmem:$0x1FE80] =	vst v63  }
0xae: {  	_ =	swait.ge [sflag:s7], $0x4000  }
0xaf: {  	s26 =	rddreg [dreg:$0xa]  }
0xb0: {  	[sflag:s7] =	ssyncset.done $0x0;
	s28 =	rddreg [dreg:$0xb]  }
0xb1: {  	[sflag:s7] =	ssyncadd.s32 $0xFFFFC000;
	s10 =	sadd.s32 $0x0, s26;
	s7 =	simm.s32 $0x13900  }
0xb2: {  	[tilespmem:s7], [sflag:$0x2] =	stream.linear.gather [hbm4b:s10+s4], $0x80, $0x38;
	[tilespmem:$0x1FE80] =	vst v63  }
0xb3: {  	s29 =	simm.s32 $0x13C00;
	s26 =	sadd.s32 $0x0, s28;
	s28 =	simm.s32 $0x6  }
0xb4: {  	[tilespmem:s29], [sflag:$0x8] =	stream.linear.gather [hbm4b:s26+s4], $0x80, $0x38;
	[tilespmem:$0x1FE80] =	vst v63  }
0xb5: {  	_ =	swait.ge [sflag:s28], $0x80  }
0xb6: {  	[sflag:s28] =	ssyncset.done $0x0  }
0xb7: {  	s29 =	simm.s32 $0xC;
	[sflag:s28] =	ssyncadd.s32 $0xFFFFFF80  }
0xb8: {  	_ =	swait.ge [sflag:s29], $0x80  }
0xb9: {  	[sflag:s29] =	ssyncset.done $0x0  }
0xba: {  	s3 =	smov.u32 s1;
	[sflag:s29] =	ssyncadd.s32 $0xFFFFFF80  }
0xbb: {  	[tilespmem:s21], [sflag:$0xF] =	stream.indirect.gather [hbm4b:s3+s17], $0x80, s2, s17, $0xb8;
	[tilespmem:$0x1FE80] =	vst v63  }
0xbc: {  	_ =	swait.ge [sflag:s6], $0x4000  }
0xbd: {  	[sflag:s6] =	ssyncset.done $0x0  }
0xbe: {  	[sflag:s6] =	ssyncadd.s32 $0xFFFFC000  }
0xbf: {  	[spmem:s20] =	stream.indirect.scatter.add.f32 [tilespmem:s18], [sflag:$0x11], $0x80, s24, s17, $0xb8;
	[tilespmem:$0x1FE80] =	vst v63  }
0xc0: {  	_ =	swait.ge [sflag:s5], $0x4000  }
0xc1: {  	s19 =	simm.s32 $0x13980;
	s0 =	rddreg [dreg:$0x8];
	[sflag:s5] =	ssyncset.done $0x0  }
0xc2: {  	s2 =	rddreg [dreg:$0x9];
	[sflag:s5] =	ssyncadd.s32 $0xFFFFC000;
	s10 =	sadd.s32 $0x0, s0  }
0xc3: {  	[tilespmem:s19], [sflag:$0x3] =	stream.linear.gather [hbm4b:s10+s4], $0x80, $0x38;
	[tilespmem:$0x1FE80] =	vst v63  }
0xc4: {  	s1 =	simm.s32 $0x13C80;
	s6 =	simm.s32 $0x1;
	s5 =	sadd.s32 $0x0, s2  }
0xc5: {  	[tilespmem:s1], [sflag:$0x9] =	stream.linear.gather [hbm4b:s5+s4], $0x80, $0x38;
	[tilespmem:$0x1FE80] =	vst v63  }
0xc6: {  	_ =	swait.ge [sflag:s6], $0x80  }
0xc7: {  	[sflag:s6] =	ssyncset.done $0x0  }
0xc8: {  	s10 =	simm.s32 $0x7;
	[sflag:s6] =	ssyncadd.s32 $0xFFFFFF80  }
0xc9: {  	_ =	swait.ge [sflag:s10], $0x80  }
0xca: {  	[sflag:s10] =	ssyncset.done $0x0  }
0xcb: {  	s19 =	simm.s32 $0x13E80;
	[sflag:s10] =	ssyncadd.s32 $0xFFFFFF80  }
0xcc: {  	[tilespmem:s19], [sflag:$0xD] =	stream.indirect.gather [hbm4b:s3+s17], $0x80, s15, s17, $0xb8;
	[tilespmem:$0x1FE80] =	vst v63  }
0xcd: {  	_ =	swait.ge [sflag:s30], $0x4000  }
0xce: {  	[sflag:s30] =	ssyncset.done $0x0  }
0xcf: {  	[sflag:s30] =	ssyncadd.s32 $0xFFFFC000  }
0xd0: {  	[spmem:s20] =	stream.indirect.scatter.add.f32 [tilespmem:s21], [sflag:$0x12], $0x80, s8, s17, $0xb8;
	[tilespmem:$0x1FE80] =	vst v63  }
0xd1: {  	_ =	swait.ge [sflag:s31], $0x4000  }
0xd2: {  	s22 =	simm.s32 $0x13A00;
	s11 =	rddreg [dreg:$0x6];
	[sflag:s31] =	ssyncset.done $0x0  }
0xd3: {  	s15 =	rddreg [dreg:$0x7];
	[sflag:s31] =	ssyncadd.s32 $0xFFFFC000;
	s10 =	sadd.s32 $0x0, s11  }
0xd4: {  	[tilespmem:s22], [sflag:$0x4] =	stream.linear.gather [hbm4b:s10+s4], $0x80, $0x38;
	[tilespmem:$0x1FE80] =	vst v63  }
0xd5: {  	s9 =	simm.s32 $0x13D00;
	s26 =	simm.s32 $0x2;
	s22 =	sadd.s32 $0x0, s15  }
0xd6: {  	[tilespmem:s9], [sflag:$0xA] =	stream.linear.gather [hbm4b:s22+s4], $0x80, $0x38;
	[tilespmem:$0x1FE80] =	vst v63  }
0xd7: {  	_ =	swait.ge [sflag:s26], $0x80  }
0xd8: {  	[sflag:s26] =	ssyncset.done $0x0  }
0xd9: {  	s9 =	simm.s32 $0x8;
	[sflag:s26] =	ssyncadd.s32 $0xFFFFFF80  }
0xda: {  	_ =	swait.ge [sflag:s9], $0x80  }
0xdb: {  	[sflag:s9] =	ssyncset.done $0x0  }
0xdc: {  	[sflag:s9] =	ssyncadd.s32 $0xFFFFFF80  }
0xdd: {  	[tilespmem:s18], [sflag:$0xE] =	stream.indirect.gather [hbm4b:s3+s17], $0x80, s7, s17, $0xb8;
	[tilespmem:$0x1FE80] =	vst v63  }
0xde: {  	_ =	swait.ge [sflag:s23], $0x4000  }
0xdf: {  	[sflag:s23] =	ssyncset.done $0x0  }
0xe0: {  	s7 =	simm.s32 $0x12;
	[sflag:s23] =	ssyncadd.s32 $0xFFFFC000  }
0xe1: {  	[spmem:s20] =	stream.indirect.scatter.add.f32 [tilespmem:s19], [sflag:$0x10], $0x80, s16, s17, $0xb8;
	[tilespmem:$0x1FE80] =	vst v63  }
0xe2: {  	_ =	swait.ge [sflag:s7], $0x4000  }
0xe3: {  	s28 =	rddreg [dreg:$0x4];
	[sflag:s7] =	ssyncset.done $0x0  }
0xe4: {  	s29 =	rddreg [dreg:$0x5];
	[sflag:s7] =	ssyncadd.s32 $0xFFFFC000;
	s10 =	sadd.s32 $0x0, s28  }
0xe5: {  	[tilespmem:s12], [sflag:$0x5] =	stream.linear.gather [hbm4b:s10+s4], $0x80, $0x38;
	[tilespmem:$0x1FE80] =	vst v63  }
0xe6: {  	s30 =	sadd.s32 $0x0, s29  }
0xe7: {  	[tilespmem:s24], [sflag:$0xB] =	stream.linear.gather [hbm4b:s30+s4], $0x80, $0x38;
	[tilespmem:$0x1FE80] =	vst v63  }
0xe8: {  	_ =	swait.ge [sflag:s14], $0x80  }
0xe9: {  	s25 =	simm.s32 $0x9;
	[sflag:s14] =	ssyncset.done $0x0  }
0xea: {  	s1 =	smov.u32 s3;
	s5 =	simm.s32 $0x10;
	[sflag:s14] =	ssyncadd.s32 $0xFFFFFF80  }
0xeb: {  	s6 =	simm.s32 $0xE;
	s8 =	simm.s32 $0x11;
	_ =	swait.ge [sflag:s25], $0x80  }
0xec: {  	s11 =	sadd.s32 $0x300, s13;
	s31 =	simm.s32 $0xF;
	[sflag:s25] =	ssyncset.done $0x0  }
0xed: {  	s16 =	simm.s32 $0xD;
	s10 =	simm.s32 $0x60;
	[sflag:s25] =	ssyncadd.s32 $0xFFFFFF80  }
.LBB2_4:
0xee: {  	s23 =	simm.s32 $0x13980  }
0xef: {  	[tilespmem:s21], [sflag:$0xF] =	stream.indirect.gather [hbm4b:s1+s17], $0x80, s23, s17, $0xb8;
	[tilespmem:$0x1FE80] =	vst v63  }
0xf0: {  	_ =	swait.ge [sflag:s6], $0x4000  }
0xf1: {  	[sflag:s6] =	ssyncset.done $0x0  }
0xf2: {  	s28 =	simm.s32 $0x13C00;
	[sflag:s6] =	ssyncadd.s32 $0xFFFFC000  }
0xf3: {  	[spmem:s20] =	stream.indirect.scatter.add.f32 [tilespmem:s18], [sflag:$0x11], $0x80, s28, s17, $0xb8;
	[tilespmem:$0x1FE80] =	vst v63  }
0xf4: {  	s24 =	smov.u32 s10;
	_ =	swait.ge [sflag:s5], $0x4000  }
0xf5: {  	s14 =	simm.s32 $0x13B00;
	s26 =	rddreg [dreg:$0xd];
	[sflag:s5] =	ssyncset.done $0x0  }
0xf6: {  	s13 =	rddreg [dreg:$0xe];
	[sflag:s5] =	ssyncadd.s32 $0xFFFFC000;
	s26 =	sadd.s32 s24, s26  }
0xf7: {  	[tilespmem:s14], [sflag:$0x6] =	stream.linear.gather [hbm4b:s26+s4], $0x80, $0x38;
	[tilespmem:$0x1FE80] =	vst v63  }
0xf8: {  	s12 =	simm.s32 $0x4;
	s18 =	simm.s32 $0x13E00;
	s13 =	sadd.s32 s24, s13  }
0xf9: {  	[tilespmem:s18], [sflag:$0xC] =	stream.linear.gather [hbm4b:s13+s4], $0x80, $0x38;
	[tilespmem:$0x1FE80] =	vst v63  }
0xfa: {  	_ =	swait.ge [sflag:s12], $0x80  }
0xfb: {  	[sflag:s12] =	ssyncset.done $0x0  }
0xfc: {  	s25 =	simm.s32 $0xA;
	[sflag:s12] =	ssyncadd.s32 $0xFFFFFF80  }
0xfd: {  	_ =	swait.ge [sflag:s25], $0x80  }
0xfe: {  	[sflag:s25] =	ssyncset.done $0x0  }
0xff: {  	s2 =	simm.s32 $0x13A00;
	[sflag:s25] =	ssyncadd.s32 $0xFFFFFF80  }
0x100: {  	[tilespmem:s19], [sflag:$0xD] =	stream.indirect.gather [hbm4b:s1+s17], $0x80, s2, s17, $0xb8;
	[tilespmem:$0x1FE80] =	vst v63  }
0x101: {  	_ =	swait.ge [sflag:s31], $0x4000  }
0x102: {  	[sflag:s31] =	ssyncset.done $0x0  }
0x103: {  	s29 =	simm.s32 $0x1BE80;
	s1 =	simm.s32 $0x13C80;
	[sflag:s31] =	ssyncadd.s32 $0xFFFFC000  }
0x104: {  	[spmem:s20] =	stream.indirect.scatter.add.f32 [tilespmem:s29], [sflag:$0x12], $0x80, s1, s17, $0xb8;
	[tilespmem:$0x1FE80] =	vst v63  }
0x105: {  	s15 =	simm.s32 $0x13880;
	_ =	swait.ge [sflag:s8], $0x4000  }
0x106: {  	s26 =	sshrl.u32 s11, $0x3;
	[sflag:s8] =	ssyncset.done $0x0;
	s25 =	rddreg [dreg:$0xf]  }
0x107: {  	s0 =	rddreg [dreg:$0xc];
	[sflag:s8] =	ssyncadd.s32 $0xFFFFC000;
	s13 =	sadd.s32 s25, s26  }
0x108: {  	[tilespmem:s15], [sflag:$0x1] =	stream.linear.gather [hbm4b:s13+s4], $0x80, $0x38;
	[tilespmem:$0x1FE80] =	vst v63  }
0x109: {  	s26 =	sadd.s32 s24, s0;
	s25 =	simm.s32 $0x13B80;
	s0 =	simm.s32 $0x5  }
0x10a: {  	[tilespmem:s25], [sflag:$0x7] =	stream.linear.gather [hbm4b:s26+s4], $0x80, $0x38;
	[tilespmem:$0x1FE80] =	vst v63  }
0x10b: {  	_ =	swait.ge [sflag:s0], $0x80  }
0x10c: {  	[sflag:s0] =	ssyncset.done $0x0  }
0x10d: {  	s13 =	simm.s32 $0xB;
	[sflag:s0] =	ssyncadd.s32 $0xFFFFFF80  }
0x10e: {  	_ =	swait.ge [sflag:s13], $0x80  }
0x10f: {  	[sflag:s13] =	ssyncset.done $0x0  }
0x110: {  	s21 =	simm.s32 $0x17E80;
	s12 =	simm.s32 $0x13A80;
	[sflag:s13] =	ssyncadd.s32 $0xFFFFFF80  }
0x111: {  	[tilespmem:s21], [sflag:$0xE] =	stream.indirect.gather [hbm4b:s3+s17], $0x80, s12, s17, $0xb8;
	[tilespmem:$0x1FE80] =	vst v63  }
0x112: {  	_ =	swait.ge [sflag:s16], $0x4000  }
0x113: {  	[sflag:s16] =	ssyncset.done $0x0  }
0x114: {  	[sflag:s16] =	ssyncadd.s32 $0xFFFFC000;
	s16 =	simm.s32 $0x13D00  }
0x115: {  	[spmem:s20] =	stream.indirect.scatter.add.f32 [tilespmem:s19], [sflag:$0x10], $0x80, s16, s17, $0xb8;
	[tilespmem:$0x1FE80] =	vst v63  }
0x116: {  	_ =	swait.ge [sflag:s7], $0x4000  }
0x117: {  	s26 =	rddreg [dreg:$0xa]  }
0x118: {  	[sflag:s7] =	ssyncset.done $0x0;
	s0 =	rddreg [dreg:$0xb]  }
0x119: {  	[sflag:s7] =	ssyncadd.s32 $0xFFFFC000;
	s13 =	sadd.s32 s24, s26;
	s7 =	simm.s32 $0x13900  }
0x11a: {  	[tilespmem:s7], [sflag:$0x2] =	stream.linear.gather [hbm4b:s13+s4], $0x80, $0x38;
	[tilespmem:$0x1FE80] =	vst v63  }
0x11b: {  	s26 =	sadd.s32 s24, s0  }
0x11c: {  	[tilespmem:s28], [sflag:$0x8] =	stream.linear.gather [hbm4b:s26+s4], $0x80, $0x38;
	[tilespmem:$0x1FE80] =	vst v63  }
0x11d: {  	s26 =	simm.s32 $0x6  }
0x11e: {  	_ =	swait.ge [sflag:s26], $0x80  }
0x11f: {  	[sflag:s26] =	ssyncset.done $0x0  }
0x120: {  	[sflag:s26] =	ssyncadd.s32 $0xFFFFFF80;
	s26 =	simm.s32 $0xC  }
0x121: {  	_ =	swait.ge [sflag:s26], $0x80  }
0x122: {  	[sflag:s26] =	ssyncset.done $0x0  }
0x123: {  	[sflag:s26] =	ssyncadd.s32 $0xFFFFFF80  }
0x124: {  	[tilespmem:s29], [sflag:$0xF] =	stream.indirect.gather [hbm4b:s3+s17], $0x80, s14, s17, $0xb8;
	[tilespmem:$0x1FE80] =	vst v63  }
0x125: {  	_ =	swait.ge [sflag:s6], $0x4000  }
0x126: {  	[sflag:s6] =	ssyncset.done $0x0  }
0x127: {  	s22 =	simm.s32 $0x13D80;
	[sflag:s6] =	ssyncadd.s32 $0xFFFFC000  }
0x128: {  	[spmem:s20] =	stream.indirect.scatter.add.f32 [tilespmem:s21], [sflag:$0x11], $0x80, s22, s17, $0xb8;
	[tilespmem:$0x1FE80] =	vst v63  }
0x129: {  	_ =	swait.ge [sflag:s5], $0x4000  }
0x12a: {  	s14 =	rddreg [dreg:$0x8];
	[sflag:s5] =	ssyncset.done $0x0  }
0x12b: {  	s22 =	rddreg [dreg:$0x9];
	[sflag:s5] =	ssyncadd.s32 $0xFFFFC000;
	s13 =	sadd.s32 s24, s14  }
0x12c: {  	[tilespmem:s23], [sflag:$0x3] =	stream.linear.gather [hbm4b:s13+s4], $0x80, $0x38;
	[tilespmem:$0x1FE80] =	vst v63  }
0x12d: {  	s26 =	simm.s32 $0x1;
	s23 =	sadd.s32 s24, s22  }
0x12e: {  	[tilespmem:s1], [sflag:$0x9] =	stream.linear.gather [hbm4b:s23+s4], $0x80, $0x38;
	[tilespmem:$0x1FE80] =	vst v63  }
0x12f: {  	_ =	swait.ge [sflag:s26], $0x80  }
0x130: {  	[sflag:s26] =	ssyncset.done $0x0  }
0x131: {  	s14 =	simm.s32 $0x7;
	[sflag:s26] =	ssyncadd.s32 $0xFFFFFF80  }
0x132: {  	_ =	swait.ge [sflag:s14], $0x80  }
0x133: {  	[sflag:s14] =	ssyncset.done $0x0  }
0x134: {  	[sflag:s14] =	ssyncadd.s32 $0xFFFFFF80  }
0x135: {  	[tilespmem:s19], [sflag:$0xD] =	stream.indirect.gather [hbm4b:s3+s17], $0x80, s15, s17, $0xb8;
	[tilespmem:$0x1FE80] =	vst v63  }
0x136: {  	_ =	swait.ge [sflag:s31], $0x4000  }
0x137: {  	[sflag:s31] =	ssyncset.done $0x0  }
0x138: {  	s21 =	simm.s32 $0x1BE80;
	[sflag:s31] =	ssyncadd.s32 $0xFFFFC000  }
0x139: {  	[spmem:s20] =	stream.indirect.scatter.add.f32 [tilespmem:s21], [sflag:$0x12], $0x80, s18, s17, $0xb8;
	[tilespmem:$0x1FE80] =	vst v63  }
0x13a: {  	_ =	swait.ge [sflag:s8], $0x4000  }
0x13b: {  	s22 =	rddreg [dreg:$0x6];
	[sflag:s8] =	ssyncset.done $0x0  }
0x13c: {  	s23 =	rddreg [dreg:$0x7];
	[sflag:s8] =	ssyncadd.s32 $0xFFFFC000;
	s13 =	sadd.s32 s24, s22  }
0x13d: {  	[tilespmem:s2], [sflag:$0x4] =	stream.linear.gather [hbm4b:s13+s4], $0x80, $0x38;
	[tilespmem:$0x1FE80] =	vst v63  }
0x13e: {  	s2 =	sadd.s32 s24, s23;
	s13 =	simm.s32 $0x2  }
0x13f: {  	[tilespmem:s16], [sflag:$0xA] =	stream.linear.gather [hbm4b:s2+s4], $0x80, $0x38;
	[tilespmem:$0x1FE80] =	vst v63  }
0x140: {  	_ =	swait.ge [sflag:s13], $0x80  }
0x141: {  	[sflag:s13] =	ssyncset.done $0x0  }
0x142: {  	[sflag:s13] =	ssyncadd.s32 $0xFFFFFF80  }
0x143: {  	_ =	swait.ge [sflag:s9], $0x80  }
0x144: {  	[sflag:s9] =	ssyncset.done $0x0  }
0x145: {  	s18 =	simm.s32 $0x17E80;
	s16 =	simm.s32 $0xD;
	[sflag:s9] =	ssyncadd.s32 $0xFFFFFF80  }
0x146: {  	[tilespmem:s18], [sflag:$0xE] =	stream.indirect.gather [hbm4b:s3+s17], $0x80, s7, s17, $0xb8;
	[tilespmem:$0x1FE80] =	vst v63  }
0x147: {  	_ =	swait.ge [sflag:s16], $0x4000  }
0x148: {  	[sflag:s16] =	ssyncset.done $0x0  }
0x149: {  	s7 =	simm.s32 $0x12;
	[sflag:s16] =	ssyncadd.s32 $0xFFFFC000  }
0x14a: {  	[spmem:s20] =	stream.indirect.scatter.add.f32 [tilespmem:s19], [sflag:$0x10], $0x80, s25, s17, $0xb8;
	[tilespmem:$0x1FE80] =	vst v63  }
0x14b: {  	_ =	swait.ge [sflag:s7], $0x4000  }
0x14c: {  	s22 =	rddreg [dreg:$0x4];
	[sflag:s7] =	ssyncset.done $0x0  }
0x14d: {  	s23 =	rddreg [dreg:$0x5];
	[sflag:s7] =	ssyncadd.s32 $0xFFFFC000;
	s13 =	sadd.s32 s24, s22  }
0x14e: {  	[tilespmem:s12], [sflag:$0x5] =	stream.linear.gather [hbm4b:s13+s4], $0x80, $0x38;
	[tilespmem:$0x1FE80] =	vst v63  }
0x14f: {  	s25 =	simm.s32 $0x3;
	s24 =	sadd.s32 s24, s23;
	s22 =	simm.s32 $0x13D80  }
0x150: {  	[tilespmem:s22], [sflag:$0xB] =	stream.linear.gather [hbm4b:s24+s4], $0x80, $0x38;
	[tilespmem:$0x1FE80] =	vst v63  }
0x151: {  	p2 =	sne.s32 s10, $0x420;
	s10 =	sadd.s32 $0x60, s10;
	_ =	swait.ge [sflag:s25], $0x80  }
.Ltmp1:
0x152: {  	s30 =	simm.s32 $0x13980;
	[sflag:s25] =	ssyncset.done $0x0;
	(pc) =	sbr.rel @p2 .LBB2_4-.Ltmp1, $4  }
0x153: {  	s11 =	sadd.s32 $0x300, s11;
	s26 =	simm.s32 $0x9;
	[sflag:s25] =	ssyncadd.s32 $0xFFFFFF80  }
0x154: {  	s0 =	simm.s32 $0x13C00;
	s28 =	simm.s32 $0x13C80;
	_ =	swait.ge [sflag:s26], $0x80  }
0x155: {  	s29 =	simm.s32 $0x13A80;
	s1 =	smov.u32 s3;
	[sflag:s26] =	ssyncset.done $0x0  }
0x156: {  	s14 =	simm.s32 $0x13D00;
	s15 =	simm.s32 $0x13A00;
	[sflag:s26] =	ssyncadd.s32 $0xFFFFFF80  }
0x157: {  	[tilespmem:s21], [sflag:$0xF] =	stream.indirect.gather [hbm4b:s1+s17], $0x80, s30, s17, $0xb8;
	[tilespmem:$0x1FE80] =	vst v63  }
0x158: {  	_ =	swait.ge [sflag:s6], $0x4000  }
0x159: {  	[sflag:s6] =	ssyncset.done $0x0  }
0x15a: {  	[sflag:s6] =	ssyncadd.s32 $0xFFFFC000  }
0x15b: {  	[spmem:s20] =	stream.indirect.scatter.add.f32 [tilespmem:s18], [sflag:$0x11], $0x80, s0, s17, $0xb8;
	[tilespmem:$0x1FE80] =	vst v63  }
0x15c: {  	_ =	swait.ge [sflag:s5], $0x4000  }
0x15d: {  	s10 =	sld [smem:$0x7FC]  }
0x15e: {  	[sflag:s5] =	ssyncset.done $0x0  }
0x15f: {  	s2 =	simm.s32 $0x13B00;
	s3 =	sld [smem:$0x7FD];
	[sflag:s5] =	ssyncadd.s32 $0xFFFFC000  }
0x160: {  	[tilespmem:s2], [sflag:$0x6] =	stream.linear.gather [hbm4b:s10+s4], $0x80, $0x38;
	[tilespmem:$0x1FE80] =	vst v63  }
0x161: {  	s9 =	simm.s32 $0x13E00  }
0x162: {  	[tilespmem:s9], [sflag:$0xC] =	stream.linear.gather [hbm4b:s3+s4], $0x80, $0x38;
	[tilespmem:$0x1FE80] =	vst v63  }
0x163: {  	s3 =	simm.s32 $0x4  }
0x164: {  	_ =	swait.ge [sflag:s3], $0x80  }
0x165: {  	[sflag:s3] =	ssyncset.done $0x0  }
0x166: {  	s11 =	simm.s32 $0xA;
	[sflag:s3] =	ssyncadd.s32 $0xFFFFFF80  }
0x167: {  	_ =	swait.ge [sflag:s11], $0x80  }
0x168: {  	[sflag:s11] =	ssyncset.done $0x0  }
0x169: {  	[sflag:s11] =	ssyncadd.s32 $0xFFFFFF80  }
0x16a: {  	[tilespmem:s19], [sflag:$0xD] =	stream.indirect.gather [hbm4b:s1+s17], $0x80, s15, s17, $0xb8;
	[tilespmem:$0x1FE80] =	vst v63  }
0x16b: {  	_ =	swait.ge [sflag:s31], $0x4000  }
0x16c: {  	[sflag:s31] =	ssyncset.done $0x0  }
0x16d: {  	[sflag:s31] =	ssyncadd.s32 $0xFFFFC000  }
0x16e: {  	[spmem:s20] =	stream.indirect.scatter.add.f32 [tilespmem:s21], [sflag:$0x12], $0x80, s28, s17, $0xb8;
	[tilespmem:$0x1FE80] =	vst v63  }
0x16f: {  	_ =	swait.ge [sflag:s8], $0x4000  }
0x170: {  	[sflag:s8] =	ssyncset.done $0x0  }
0x171: {  	s12 =	simm.s32 $0x5;
	[sflag:s8] =	ssyncadd.s32 $0xFFFFC000  }
0x172: {  	_ =	swait.ge [sflag:s12], $0x80  }
0x173: {  	[sflag:s12] =	ssyncset.done $0x0  }
0x174: {  	s13 =	simm.s32 $0xB;
	[sflag:s12] =	ssyncadd.s32 $0xFFFFFF80  }
0x175: {  	_ =	swait.ge [sflag:s13], $0x80  }
0x176: {  	[sflag:s13] =	ssyncset.done $0x0  }
0x177: {  	[sflag:s13] =	ssyncadd.s32 $0xFFFFFF80  }
0x178: {  	[tilespmem:s18], [sflag:$0xE] =	stream.indirect.gather [hbm4b:s1+s17], $0x80, s29, s17, $0xb8;
	[tilespmem:$0x1FE80] =	vst v63  }
0x179: {  	_ =	swait.ge [sflag:s16], $0x4000  }
0x17a: {  	[sflag:s16] =	ssyncset.done $0x0  }
0x17b: {  	[sflag:s16] =	ssyncadd.s32 $0xFFFFC000  }
0x17c: {  	[spmem:s20] =	stream.indirect.scatter.add.f32 [tilespmem:s19], [sflag:$0x10], $0x80, s14, s17, $0xb8;
	[tilespmem:$0x1FE80] =	vst v63  }
0x17d: {  	_ =	swait.ge [sflag:s7], $0x4000  }
0x17e: {  	[sflag:s7] =	ssyncset.done $0x0  }
0x17f: {  	s14 =	simm.s32 $0x6;
	[sflag:s7] =	ssyncadd.s32 $0xFFFFC000  }
0x180: {  	_ =	swait.ge [sflag:s14], $0x80  }
0x181: {  	[sflag:s14] =	ssyncset.done $0x0  }
0x182: {  	s15 =	simm.s32 $0xC;
	[sflag:s14] =	ssyncadd.s32 $0xFFFFFF80  }
0x183: {  	_ =	swait.ge [sflag:s15], $0x80  }
0x184: {  	[sflag:s15] =	ssyncset.done $0x0  }
0x185: {  	[sflag:s15] =	ssyncadd.s32 $0xFFFFFF80  }
0x186: {  	[tilespmem:s21], [sflag:$0xF] =	stream.indirect.gather [hbm4b:s1+s17], $0x80, s2, s17, $0xb8;
	[tilespmem:$0x1FE80] =	vst v63  }
0x187: {  	_ =	swait.ge [sflag:s6], $0x4000  }
0x188: {  	[sflag:s6] =	ssyncset.done $0x0  }
0x189: {  	[sflag:s6] =	ssyncadd.s32 $0xFFFFC000  }
0x18a: {  	[spmem:s20] =	stream.indirect.scatter.add.f32 [tilespmem:s18], [sflag:$0x11], $0x80, s22, s17, $0xb8;
	[tilespmem:$0x1FE80] =	vst v63  }
0x18b: {  	_ =	swait.ge [sflag:s5], $0x4000  }
0x18c: {  	[sflag:s5] =	ssyncset.done $0x0  }
0x18d: {  	[sflag:s5] =	ssyncadd.s32 $0xFFFFC000  }
0x18e: {  	_ =	swait.ge [sflag:s31], $0x4000  }
0x18f: {  	[sflag:s31] =	ssyncset.done $0x0  }
0x190: {  	[sflag:s31] =	ssyncadd.s32 $0xFFFFC000  }
0x191: {  	[spmem:s20] =	stream.indirect.scatter.add.f32 [tilespmem:s21], [sflag:$0x12], $0x80, s9, s17, $0xb8;
	[tilespmem:$0x1FE80] =	vst v63  }
0x192: {  	_ =	swait.ge [sflag:s8], $0x4000  }
0x193: {  	[sflag:s8] =	ssyncset.done $0x0  }
0x194: {  	[sflag:s8] =	ssyncadd.s32 $0xFFFFC000  }
0x195: {  	_ =	swait.ge [sflag:s7], $0x4000  }
0x196: {  	s10 =	simm.s32 @!p1 $0x0;
	[sflag:s7] =	ssyncset.done $0x0  }
0x197: {  	s11 =	simm.s32 @!p1 $0x13880;
	s13 =	rddreg [dreg:$0x1f];
	[sflag:s7] =	ssyncadd.s32 $0xFFFFC000  }
0x198: {  	[tilespmem:s11], [sflag:$0x13] =	stream.linear.gather @!p1 [hbm4b:s13+s10], $0x80, $0x38;
	[tilespmem:$0x1FE80] =	vst v63  }
0x199: {  	s13 =	simm.s32 @!p1 $0x13  }
0x19a: {  	_ =	swait.ge @!p1 [sflag:s13], $0x80  }
0x19b: {  	s26 =	sld [smem:$0x7F6]  }
0x19c: {  	[sflag:s13] =	ssyncset.done @!p1 $0x0  }
0x19d: {  	s24 =	simm.s32 @!p1 $0x13B80;
	[sflag:s13] =	ssyncadd.s32 @!p1 $0xFFFFFF80  }
0x19e: {  	[tilespmem:s24], [sflag:$0x13] =	stream.linear.gather @!p1 [hbm4b:s26+s10], $0x80, $0x38;
	[tilespmem:$0x1FE80] =	vst v63  }
0x19f: {  	_ =	swait.ge @!p1 [sflag:s13], $0x80  }
0x1a0: {  	[sflag:s13] =	ssyncset.done @!p1 $0x0  }
0x1a1: {  	s10 =	simm.s32 @!p1 $0x80;
	[sflag:s13] =	ssyncadd.s32 @!p1 $0xFFFFFF80;
	s13 =	simm.s32 @!p1 $0x13E80  }
0x1a2: {  	[tilespmem:s13], [sflag:$0xD] =	stream.indirect.gather @!p1 [hbm4b:s1+s10], $0x80, s11, s10, $0xb8;
	[tilespmem:$0x1FE80] =	vst v63  }
0x1a3: {  	s11 =	simm.s32 @!p1 $0xD  }
0x1a4: {  	_ =	swait.ge @!p1 [sflag:s11], $0x4000  }
0x1a5: {  	[sflag:s11] =	ssyncset.done @!p1 $0x0  }
0x1a6: {  	[sflag:s11] =	ssyncadd.s32 @!p1 $0xFFFFC000  }
0x1a7: {  	[spmem:s20] =	stream.indirect.scatter.add.f32 @!p1 [tilespmem:s13], [sflag:$0x10], $0x80, s24, s10, $0xb8;
	[tilespmem:$0x1FE80] =	vst v63  }
0x1a8: {  	s10 =	simm.s32 @!p1 $0x10  }
0x1a9: {  	_ =	swait.ge @!p1 [sflag:s10], $0x4000  }
0x1aa: {  	[sflag:s10] =	ssyncset.done @!p1 $0x0  }
0x1ab: {  	[sflag:s10] =	ssyncadd.s32 @!p1 $0xFFFFC000  }
0x1ac: {  	s16 =	stileid.u32;
	[bflag:$0x0] =	sbarrier.arrive $0xFFFF  }
0x1ad: {  	s29 =	simm.s32 $0x13;
	s10 =	sshll.u32 s16, $0x6;
	s13 =	rddreg [dreg:$0x17]  }
0x1ae: {  	s10 =	sor.u32 $0x1C13, s10;
	s23 =	rddreg [dreg:$0x1c];
	s22 =	sshrl.u32 s13, $0x3  }
0x1af: {  	[hbm:s23], [sflag:s10] =	dma.local [spmem:s22], $0x2700  }
0x1b0: {  	_ =	swait.ge [sflag:s29], $0x2700  }
0x1b1: {  	s24 =	sld [smem:$0x7F7]  }
0x1b2: {  	[sflag:s29] =	ssyncset.done $0x0;
	s11 =	rddreg [dreg:$0x1e]  }
0x1b3: {  	[sflag:s29] =	ssyncadd.s32 $0xFFFFD900;
	s11 =	sshrl.u32 @!p0 s11, $0x3  }
0x1b4: {  	[hbm:s24], [sflag:s10] =	dma.local @!p0 [spmem:s11], $0x100  }
0x1b5: {  	s10 =	simm.s32 @!p0 $0x13  }
0x1b6: {  	_ =	swait.ge @!p0 [sflag:s10], $0x100  }
0x1b7: {  	s25 =	sld [smem:$0x7F5]  }
0x1b8: {  	s26 =	sld [smem:$0x7F8]  }
0x1b9: {  	s30 =	simm.s32 $0xF  }
0x1ba: {  	s0 =	simm.s32 $0x7;
	s3 =	simm.s32 $0x9;
	s24 =	sadd.s32 $0x1, s25  }
0x1bb: {  	s28 =	simm.s32 $0x13C80;
	s12 =	simm.s32 $0x13B80;
	p2 =	sne.s32 s24, s26  }
.Ltmp2:
0x1bc: {  	s14 =	simm.s32 $0x13900;
	s15 =	simm.s32 $0x13C00;
	(pc) =	sbr.rel @p2 .LBB2_1-.Ltmp2, $4  }
0x1bd: {  	s2 =	simm.s32 $0x1;
	s6 =	simm.s32 $0xE;
	s5 =	simm.s32 $0x10  }
0x1be: {  	s31 =	simm.s32 $0x11;
	s9 =	simm.s32 $0x8;
	s8 =	simm.s32 $0x2  }
0x1bf: {  	s16 =	simm.s32 $0x13980;
	s22 =	simm.s32 $0x13D00;
	[sflag:s10] =	ssyncset.done @!p0 $0x0  }
0x1c0: {  	s11 =	simm.s32 $0x13880;
	[sflag:s10] =	ssyncadd.s32 @!p0 $0xFFFFFF00;
	s25 =	simm.s32 $0x13A00  }
0x1c1: {  	_ =	sfence.sel $0x180000  }
0x1c2: {  	[bflag:$0x0] =	sbarrier.arrive $0xFFFF  }
0x1c3: {  	_ =	strace $0x9000004A  }
0x1c4: {  	s0 =	stileid.u32;
	[bflag:$0x2] =	sbarrier.arrive $0xFFFF  }
0x1c5: {  	p0 =	sne.s32 s0, $0x0;
	s0 =	rddreg [dreg:$0x3]  }
0x1c6: {  	s0 =	sadd.s32 @!p0 $0x100000, s0  }
0x1c7: {  	[sflag:s0] =	ssyncadd.tile.s32 @!p0 $0x1;
	_ =	shalt  }
.Lfunc_end2:
_tile_overlayer_lowered:
.L_overlay_start_2:
0x1c8: {  	(tag) =	ssettag $0x2  }
0x1c9: {  	s0 =	rddreg [dreg:$0x0];
	s2 =	stileid.u32  }
0x1ca: {  	s1 =	rddreg [dreg:$0x1];
	p0 =	sne.s32 s2, $0x0  }
0x1cb: {  	s3 =	rddreg [dreg:$0x2];
	[bflag:$0x3] =	sbarrier.arrive $0xFFFF;
	s2 =	simm.s32 @!p0 $0x1C13  }
0x1cc: {  	[timem:s3], [sflag:s2] =	dma.local @!p0 [hbm:s0], s1  }
0x1cd: {  	s0 =	simm.s32 @!p0 $0x13  }
0x1ce: {  	_ =	swait.ge @!p0 [sflag:s0], s1  }
0x1cf: {  	s1 =	ssub.s32 @!p0 $0x0, s1;
	[sflag:s0] =	ssyncset.done @!p0 $0x0  }
0x1d0: {  	[sflag:s0] =	ssyncadd.s32 @!p0 s1  }
0x1d1: {  	[bflag:$0x3] =	sbarrier.arrive $0xFFFF  }
0x1d2: {  	_ =	shalt  }

</sc_bundles>
